<compile_context>
chip_gen: v7x
topology: tpu7x:2x2x1
jax: 0.10.2.dev20260603
libtpu: 0.0.44.dev20260713+nightly
codegen_flags: <defaults>
</compile_context>

<pallas_src>
import functools

import jax
import jax.numpy as jnp
from jax import lax
from jax.experimental import pallas as pl
from jax.experimental.pallas import tpu as pltpu
from jax.experimental.pallas import tpu_sc as plsc

N = 10000
NP = 10240
E = 320000
B = 512
VOCAB = 100000
ED = 128
GH = 256
OUT = 128

EROWSP = 2560
CH = EROWSP // 16
EPAD = EROWSP * 128 - E
NB = 512
NBLK = NP // NB
TPC = 16
DPT = NP // TPC
BROWS = NP // 128
CPAD = B + 128


def _sc_stats_body(dstp, batchp, entp, ent_emb, zeros1,
                   deg_out, cnt_out, ee_out,
                   degacc, cntacc, idxb, idxb2, onesv, rows, entb,
                   ia0, ia1):
    c = lax.axis_index("c")
    s = lax.axis_index("s")
    ib = (idxb, idxb2)
    isem = (ia0, ia1)
    for i in range(8):
        onesv[pl.ds(i * 16, 16)] = jnp.ones((16,), jnp.float32)

    @pl.when(s == 0)
    def _():
        pltpu.sync_copy(zeros1, degacc)

    @pl.when(s == 1)
    def _():
        pltpu.sync_copy(zeros1.at[pl.ds(0, CPAD)], cntacc)

    plsc.subcore_barrier()

    NIT = EROWSP // TPC

    def idx_load(k, b):
        pltpu.async_copy(dstp.at[c, s + TPC * k], ib[b].at[0], isem[b])

    def idx_wt(k, b):
        pltpu.make_async_copy(dstp.at[c, s + TPC * k], ib[b].at[0],
                              isem[b]).wait()

    pltpu.sync_copy(dstp.at[c, s], idxb.at[0])

    def deg_step(i, _):
        for b in range(2):
            k = 2 * i + b
            nb = 1 - b

            @pl.when(k + 1 < NIT)
            def _():
                idx_load(k + 1, nb)
            pltpu.sync_copy(onesv, degacc.at[ib[b].at[0]], add=True)

            @pl.when(k + 1 < NIT)
            def _():
                idx_wt(k + 1, nb)
        return 0

    lax.fori_loop(0, NIT // 2, deg_step, 0)

    def cnt_step(k, _):
        r = s + TPC * k
        pltpu.sync_copy(batchp.at[c, r], idxb.at[0])
        pltpu.sync_copy(onesv, cntacc.at[idxb.at[0]], add=True)
        return 0

    nitb = (BROWS - s + TPC - 1) // TPC
    lax.fori_loop(0, nitb, cnt_step, 0)

    @pl.when(s < 4)
    def _():
        pltpu.sync_copy(entp.at[c, s], entb)
        pltpu.sync_copy(ent_emb.at[entb], rows)
        pltpu.sync_copy(rows, ee_out.at[c, pl.ds(s * 128, 128)])

    plsc.subcore_barrier()
    pltpu.sync_copy(degacc.at[pl.ds(s * DPT, DPT)],
                    deg_out.at[c, pl.ds(s * DPT, DPT)])

    @pl.when(s == 0)
    def _():
        pltpu.sync_copy(cntacc, cnt_out.at[c])


@functools.lru_cache(maxsize=None)
def _sc_stats():
    return pl.kernel(
        _sc_stats_body,
        out_type=(
            jax.ShapeDtypeStruct((2, NP), jnp.float32),
            jax.ShapeDtypeStruct((2, CPAD), jnp.float32),
            jax.ShapeDtypeStruct((2, B, ED), jnp.float32),
        ),
        mesh=plsc.VectorSubcoreMesh(core_axis_name="c", subcore_axis_name="s"),
        scratch_types=[
            pltpu.VMEM_SHARED((NP,), jnp.float32),
            pltpu.VMEM_SHARED((CPAD,), jnp.float32),
            pltpu.VMEM((1, 128), jnp.int32),
            pltpu.VMEM((1, 128), jnp.int32),
            pltpu.VMEM((128,), jnp.float32),
            pltpu.VMEM((128, 128), jnp.float32),
            pltpu.VMEM((128,), jnp.int32),
            pltpu.SemaphoreType.DMA,
            pltpu.SemaphoreType.DMA,
        ],
    )


IBLK = 32


def _sc_edge_body(srcp, dstp, hs_all, zeros2,
                  acc_out,
                  accS, sidxb, didxb, rows0, rows1,
                  g0, g1, s0, s1):
    c = lax.axis_index("c")
    s = lax.axis_index("s")
    rows = (rows0, rows1)
    gsem = (g0, g1)
    ssem = (s0, s1)
    start = CH * s

    def gather_start(k, b):
        pltpu.async_copy(hs_all.at[sidxb.at[k]], rows[b], gsem[b])

    def gather_wait(k, b):
        pltpu.make_async_copy(hs_all.at[sidxb.at[k]], rows[b],
                              gsem[b]).wait()

    def scat_start(k, b):
        pltpu.async_copy(rows[b], accS.at[didxb.at[k]], ssem[b], add=True)

    def scat_wait(k, b):
        pltpu.make_async_copy(rows[b], accS.at[didxb.at[k]], ssem[b]).wait()

    def graph_pass(g, _):
        for z in range(DPT // 128):
            pltpu.sync_copy(zeros2,
                            accS.at[pl.ds(s * DPT + z * 128, 128)])
        plsc.subcore_barrier()

        def block(blk, _):
            base = start + blk * IBLK
            pltpu.sync_copy(srcp.at[g, c, pl.ds(base, IBLK)], sidxb)
            pltpu.sync_copy(dstp.at[g, pl.ds(base, IBLK)], didxb)
            gather_start(0, 0)

            def inner(i, _):
                for u in range(4):
                    b = u % 2
                    k = 4 * i + u
                    nb = 1 - b

                    @pl.when(k >= 1)
                    def _():
                        scat_wait(k - 1, nb)

                    @pl.when(k + 1 < IBLK)
                    def _():
                        gather_start(k + 1, nb)
                    gather_wait(k, b)
                    scat_start(k, b)
                return 0

            lax.fori_loop(0, IBLK // 4, inner, 0)
            scat_wait(IBLK - 1, (IBLK - 1) % 2)
            return 0

        lax.fori_loop(0, CH // IBLK, block, 0)

        plsc.subcore_barrier()
        for z in range(DPT // 128):
            pltpu.sync_copy(accS.at[pl.ds(s * DPT + z * 128, 128)],
                            acc_out.at[g, c, pl.ds(s * DPT + z * 128, 128)])
        plsc.subcore_barrier()
        return 0

    lax.fori_loop(0, 2, graph_pass, 0)


@functools.lru_cache(maxsize=None)
def _sc_edge():
    return pl.kernel(
        _sc_edge_body,
        out_type=jax.ShapeDtypeStruct((2, 2, NP, 128), jnp.float32),
        mesh=plsc.VectorSubcoreMesh(core_axis_name="c", subcore_axis_name="s"),
        scratch_types=[
            pltpu.VMEM_SHARED((NP, 128), jnp.float32),
            pltpu.VMEM((IBLK, 128), jnp.int32),
            pltpu.VMEM((IBLK, 128), jnp.int32),
            pltpu.VMEM((128, 128), jnp.float32),
            pltpu.VMEM((128, 128), jnp.float32),
            pltpu.SemaphoreType.DMA,
            pltpu.SemaphoreType.DMA,
            pltpu.SemaphoreType.DMA,
            pltpu.SemaphoreType.DMA,
        ],
    )


def _tc1_body(xs_ref, deg_ref, aemb_ref, gW1_ref, hs_ref):
    x = xs_ref[0]
    iota = lax.broadcasted_iota(jnp.int32, (NB, 16), 1).astype(jnp.float32)
    onehot = (x == iota).astype(jnp.float32)
    weff = jnp.dot(aemb_ref[...], gW1_ref[...],
                   preferred_element_type=jnp.float32)
    h = jnp.dot(onehot, weff, preferred_element_type=jnp.float32)
    dinv = lax.rsqrt(deg_ref[0] + 1.0)
    hs = h * dinv
    hs_ref[0, 0] = hs[:, :128]
    hs_ref[0, 1] = hs[:, 128:]


def _tc1(xs, degc, aemb, gW1):
    return pl.pallas_call(
        _tc1_body,
        grid=(2, NBLK),
        in_specs=[
            pl.BlockSpec((1, NB, 1), lambda g, r: (g, r, 0)),
            pl.BlockSpec((1, NB, 1), lambda g, r: (g, r, 0)),
            pl.BlockSpec((16, ED), lambda g, r: (0, 0)),
            pl.BlockSpec((ED, GH), lambda g, r: (0, 0)),
        ],
        out_specs=pl.BlockSpec((1, 2, NB, 128), lambda g, r: (g, 0, r, 0)),
        out_shape=jax.ShapeDtypeStruct((2, 2, NP, 128), jnp.float32),
    )(xs, degc, aemb, gW1)


def _tc3_body(acc_ref, hs_ref, deg_ref, b1_ref, gW2_ref, out_ref):
    dinv = lax.rsqrt(deg_ref[0] + 1.0)
    a = jnp.concatenate([acc_ref[0, 0], acc_ref[0, 1]], axis=1)
    hsv = jnp.concatenate([hs_ref[0, 0], hs_ref[0, 1]], axis=1)
    out1 = jnp.maximum((a + hsv) * dinv + b1_ref[...], 0.0)
    h2 = jnp.dot(out1, gW2_ref[...], preferred_element_type=jnp.float32)
    h2s = h2 * dinv
    out_ref[0, 0] = h2s[:, :128]
    out_ref[0, 1] = h2s[:, 128:]


def _tc3(acc1, hs1, degc, b1, gW2):
    return pl.pallas_call(
        _tc3_body,
        grid=(2, NBLK),
        in_specs=[
            pl.BlockSpec((1, 2, NB, 128), lambda g, r: (g, 0, r, 0)),
            pl.BlockSpec((1, 2, NB, 128), lambda g, r: (g, 0, r, 0)),
            pl.BlockSpec((1, NB, 1), lambda g, r: (g, r, 0)),
            pl.BlockSpec((1, GH), lambda g, r: (0, 0)),
            pl.BlockSpec((GH, GH), lambda g, r: (0, 0)),
        ],
        out_specs=pl.BlockSpec((1, 2, NB, 128), lambda g, r: (g, 0, r, 0)),
        out_shape=jax.ShapeDtypeStruct((2, 2, NP, 128), jnp.float32),
    )(acc1, hs1, degc, b1, gW2)


def _tc5_body(acc_ref, hs_ref, deg_ref, b2_ref, batch_ref, sums_ref):
    r = pl.program_id(1)
    dinv = lax.rsqrt(deg_ref[0] + 1.0)
    a = jnp.concatenate([acc_ref[0, 0], acc_ref[0, 1]], axis=1)
    hsv = jnp.concatenate([hs_ref[0, 0], hs_ref[0, 1]], axis=1)
    out2 = jnp.maximum((a + hsv) * dinv + b2_ref[...], 0.0)
    iota = lax.broadcasted_iota(jnp.int32, (NB, B), 1).astype(jnp.float32)
    onehot = (batch_ref[0] == iota).astype(jnp.float32)
    part = lax.dot_general(onehot, out2, (((0,), (0,)), ((), ())),
                           preferred_element_type=jnp.float32)

    @pl.when(r == 0)
    def _():
        sums_ref[0] = jnp.zeros((B, GH), jnp.float32)

    sums_ref[0] += part


def _tc5(acc2, hs2, degc, b2, batchf):
    return pl.pallas_call(
        _tc5_body,
        grid=(2, NBLK),
        in_specs=[
            pl.BlockSpec((1, 2, NB, 128), lambda g, r: (g, 0, r, 0)),
            pl.BlockSpec((1, 2, NB, 128), lambda g, r: (g, 0, r, 0)),
            pl.BlockSpec((1, NB, 1), lambda g, r: (g, r, 0)),
            pl.BlockSpec((1, GH), lambda g, r: (0, 0)),
            pl.BlockSpec((1, NB, 1), lambda g, r: (g, r, 0)),
        ],
        out_specs=pl.BlockSpec((1, B, GH), lambda g, r: (g, 0, 0)),
        out_shape=jax.ShapeDtypeStruct((2, B, GH), jnp.float32),
    )(acc2, hs2, degc, b2, batchf)


def _tc7_body(sums_ref, cnt_ref, ee_ref, fcW_ref, fcb_ref,
              eW1_ref, eb1_ref, eW2_ref, eb2_ref,
              dW1_ref, db1_ref, dW2_ref, db2_ref, dW3_ref, db3_ref, o_ref):
    dot = functools.partial(jnp.dot, preferred_element_type=jnp.float32)
    gs = []
    es = []
    for g in range(2):
        pooled = sums_ref[g] / jnp.maximum(cnt_ref[g], 1.0)
        gs.append(dot(pooled, fcW_ref[...]) + fcb_ref[...])
        e = jnp.maximum(ee_ref[g], 0.0)
        e = jnp.maximum(dot(e, eW1_ref[...]) + eb1_ref[...], 0.0)
        e = jnp.maximum(dot(e, eW2_ref[...]) + eb2_ref[...], 0.0)
        es.append(e)
    gsum = gs[0] + gs[1]
    esum = es[0] + es[1]
    h = jnp.maximum(dot(gsum, dW1_ref[:GH, :]) + dot(esum, dW1_ref[GH:, :])
                    + db1_ref[...], 0.0)
    h = jnp.maximum(dot(h, dW2_ref[...]) + db2_ref[...], 0.0)
    o_ref[...] = dot(h, dW3_ref[...]) + db3_ref[...]


def _tc7(sums, cnt, ee, fcW, fcb, eW1, eb1, eW2, eb2,
         dW1, db1, dW2, db2, dW3, db3):
    return pl.pallas_call(
        _tc7_body,
        out_shape=jax.ShapeDtypeStruct((B, OUT), jnp.float32),
    )(sums, cnt, ee, fcW, fcb, eW1, eb1, eW2, eb2,
      dW1, db1, dW2, db2, dW3, db3)


def kernel(x1, edge_index1, ent1, batch1, x2, edge_index2, ent2, batch2,
           atom_emb, gW1, gb1, gW2, gb2, fcW, fcb,
           ent_emb, eW1, eb1, eW2, eb2,
           dW1, db1, dW2, db2, dW3, db3):
    f32 = jnp.float32
    i32 = jnp.int32

    xs = jnp.pad(jnp.stack([x1, x2]).astype(f32),
                 ((0, 0), (0, NP - N)))[..., None]
    batchf = jnp.pad(jnp.stack([batch1, batch2]).astype(f32),
                     ((0, 0), (0, NP - N)),
                     constant_values=float(B))[..., None]
    batchp = jnp.pad(jnp.stack([batch1, batch2]).astype(i32),
                     ((0, 0), (0, NP - N)),
                     constant_values=B).reshape(2, BROWS, 128)
    pad_src = jnp.broadcast_to((jnp.arange(EPAD, dtype=i32) * 79) % N,
                               (2, EPAD))
    pad_dst = jnp.broadcast_to(N + (jnp.arange(EPAD, dtype=i32) % (NP - N)),
                               (2, EPAD))
    src = jnp.concatenate(
        [jnp.stack([edge_index1[0], edge_index2[0]]).astype(i32), pad_src], 1)
    dst = jnp.concatenate(
        [jnp.stack([edge_index1[1], edge_index2[1]]).astype(i32), pad_dst], 1)
    dstp = dst.reshape(2, EROWSP, 128)
    offs = (jnp.arange(2, dtype=i32) * 2 * NP)[:, None, None] + \
           (jnp.arange(2, dtype=i32) * NP)[None, :, None]
    srcp = (src[:, None, :] + offs).reshape(2, 2, EROWSP, 128)
    entp = jnp.stack([ent1, ent2]).astype(i32).reshape(2, 4, 128)
    zeros1 = jnp.zeros((NP,), f32)
    zeros2 = jnp.zeros((128, 128), f32)
    aemb = jnp.pad(atom_emb, ((0, 5), (0, 0)))

    deg, cnt, ee = _sc_stats()(dstp, batchp, entp, ent_emb, zeros1)
    degc = deg[..., None]

    hs1 = _tc1(xs, degc, aemb, gW1)
    acc1 = _sc_edge()(srcp, dstp, hs1.reshape(4 * NP, 128), zeros2)
    hs2 = _tc3(acc1, hs1, degc, gb1.reshape(1, -1), gW2)
    acc2 = _sc_edge()(srcp, dstp, hs2.reshape(4 * NP, 128), zeros2)
    sums = _tc5(acc2, hs2, degc, gb2.reshape(1, -1), batchf)

    cnt512 = cnt[:, :B][..., None]
    return _tc7(sums, cnt512, ee, fcW, fcb.reshape(1, -1),
                eW1, eb1.reshape(1, -1), eW2, eb2.reshape(1, -1),
                dW1, db1.reshape(1, -1), dW2, db2.reshape(1, -1),
                dW3, db3.reshape(1, -1))

# --- scband reference (transcript-rebuilt; emitter-appended) ---
"""Pipeline reference for scband-gcnent-pair-18313740550829 (READ-ONLY COPY).

The authoritative reference and input builder live on the scoring server;
editing this copy changes nothing except your own understanding.
"""

import jax, jax.numpy as jnp
import numpy as np

N = 10000
E = 320000
B = 512
VOCAB = 100000
ED = 128
GH = 256
EH = 256
OUT = 128


def _gcn_conv(x, src, dst, W, b, n):
    # PyG-style GCNConv: add self-loops, symmetric degree normalization
    h = x @ W
    loop = jnp.arange(n, dtype=src.dtype)
    s = jnp.concatenate([src, loop])
    d = jnp.concatenate([dst, loop])
    deg = jnp.zeros((n,), x.dtype).at[d].add(1.0)
    dinv = jax.lax.rsqrt(jnp.maximum(deg, 1e-12))
    norm = dinv[s] * dinv[d]
    msg = h[s] * norm[:, None]
    out = jnp.zeros((n, h.shape[1]), x.dtype).at[d].add(msg)
    return out + b


def _basic_gcn(x_idx, edge_index, batch_ids, atom_emb, gW1, gb1, gW2, gb2, fcW, fcb):
    x = atom_emb[x_idx]
    src, dst = edge_index[0], edge_index[1]
    x = jax.nn.relu(_gcn_conv(x, src, dst, gW1, gb1, N))
    x = jax.nn.relu(_gcn_conv(x, src, dst, gW2, gb2, N))
    sums = jax.ops.segment_sum(x, batch_ids, num_segments=B)
    cnts = jax.ops.segment_sum(jnp.ones((x.shape[0], 1), x.dtype), batch_ids, num_segments=B)
    pooled = sums / jnp.maximum(cnts, 1.0)
    return pooled @ fcW + fcb


def _enc(ent_idx, ent_emb, eW1, eb1, eW2, eb2):
    e = jax.nn.relu(ent_emb[ent_idx])
    e = jax.nn.relu(e @ eW1 + eb1)
    e = jax.nn.relu(e @ eW2 + eb2)
    return e


def setup_inputs(seed: int = 0) -> dict:
    key = jax.random.key(seed)
    ks = jax.random.split(key, 32)
    inp = {}
    inp['x1'] = jax.random.randint(ks[0], (N,), 0, 11, dtype=jnp.int64) if jax.config.jax_enable_x64 else jax.random.randint(ks[0], (N,), 0, 11)
    inp['edge_index1'] = jax.random.randint(ks[1], (2, E), 0, N)
    inp['ent1'] = jax.random.randint(ks[2], (B,), 0, VOCAB)
    inp['batch1'] = jnp.sort(jax.random.randint(ks[3], (N,), 0, B))
    inp['x2'] = jax.random.randint(ks[4], (N,), 0, 11)
    inp['edge_index2'] = jax.random.randint(ks[5], (2, E), 0, N)
    inp['ent2'] = jax.random.randint(ks[6], (B,), 0, VOCAB)
    inp['batch2'] = jnp.sort(jax.random.randint(ks[7], (N,), 0, B))
    # parameters (shared model applied to both graphs)
    inp['atom_emb'] = jax.random.normal(ks[8], (11, ED), jnp.float32) * 0.05
    inp['gW1'] = jax.random.normal(ks[9], (ED, GH), jnp.float32) * (1.0 / np.sqrt(ED))
    inp['gb1'] = jnp.zeros((GH,), jnp.float32)
    inp['gW2'] = jax.random.normal(ks[10], (GH, GH), jnp.float32) * (1.0 / np.sqrt(GH))
    inp['gb2'] = jnp.zeros((GH,), jnp.float32)
    inp['fcW'] = jax.random.normal(ks[11], (GH, GH), jnp.float32) * (1.0 / np.sqrt(GH))
    inp['fcb'] = jnp.zeros((GH,), jnp.float32)
    inp['ent_emb'] = jax.random.normal(ks[12], (VOCAB, ED), jnp.float32) * 0.05
    inp['eW1'] = jax.random.normal(ks[13], (ED, EH), jnp.float32) * (1.0 / np.sqrt(ED))
    inp['eb1'] = jnp.zeros((EH,), jnp.float32)
    inp['eW2'] = jax.random.normal(ks[14], (EH, EH), jnp.float32) * (1.0 / np.sqrt(EH))
    inp['eb2'] = jnp.zeros((EH,), jnp.float32)
    HID = GH + EH
    inp['dW1'] = jax.random.normal(ks[15], (HID, HID), jnp.float32) * (1.0 / np.sqrt(HID))
    inp['db1'] = jnp.zeros((HID,), jnp.float32)
    inp['dW2'] = jax.random.normal(ks[16], (HID, HID), jnp.float32) * (1.0 / np.sqrt(HID))
    inp['db2'] = jnp.zeros((HID,), jnp.float32)
    inp['dW3'] = jax.random.normal(ks[17], (HID, OUT), jnp.float32) * (1.0 / np.sqrt(HID))
    inp['db3'] = jnp.zeros((OUT,), jnp.float32)
    return inp


def reference(x1, edge_index1, ent1, batch1, x2, edge_index2, ent2, batch2,
              atom_emb, gW1, gb1, gW2, gb2, fcW, fcb,
              ent_emb, eW1, eb1, eW2, eb2,
              dW1, db1, dW2, db2, dW3, db3):
    g1 = _basic_gcn(x1, edge_index1, batch1, atom_emb, gW1, gb1, gW2, gb2, fcW, fcb)
    g2 = _basic_gcn(x2, edge_index2, batch2, atom_emb, gW1, gb1, gW2, gb2, fcW, fcb)
    e1 = _enc(ent1, ent_emb, eW1, eb1, eW2, eb2)
    e2 = _enc(ent2, ent_emb, eW1, eb1, eW2, eb2)
    eg1 = jnp.concatenate([g1, e1], axis=1)
    eg2 = jnp.concatenate([g2, e2], axis=1)
    egs = eg1 + eg2
    h = jax.nn.relu(egs @ dW1 + db1)
    h = jax.nn.relu(h @ dW2 + db2)
    out = h @ dW3 + db3
    return out

if __name__ == "__main__":
    import jax
    _d = setup_inputs()
    print(jax.jit(kernel)(*tuple(_d.values())))

</pallas_src>

<mosaic_0001>
#map = affine_map<(d0, d1) -> (0, 0, 0, 0)>
#map1 = affine_map<(d0, d1) -> (0, 0, 0)>
#map2 = affine_map<(d0, d1) -> (0, 0)>
module attributes {stable_mosaic.version = 14 : i64} {
  func.func @_sc_edge_body(%arg0: i32, %arg1: i32, %arg2: memref<2x2x2560x128xi32, #tpu.memory_space<hbm>>, %arg3: memref<2x2560x128xi32, #tpu.memory_space<hbm>>, %arg4: memref<40960x128xf32, #tpu.memory_space<hbm>>, %arg5: memref<128x128xf32, #tpu.memory_space<hbm>>, %arg6: memref<2x2x10240x128xf32, #tpu.memory_space<hbm>>, %arg7: memref<10240x128xf32, #tpu.memory_space<vmem_shared>>, %arg8: memref<32x128xi32, #tpu.memory_space<vmem>>, %arg9: memref<32x128xi32, #tpu.memory_space<vmem>>, %arg10: memref<128x128xf32, #tpu.memory_space<vmem>>, %arg11: memref<128x128xf32, #tpu.memory_space<vmem>>, %arg12: memref<!tpu.dma_semaphore, #tpu.memory_space<semaphore_mem>>, %arg13: memref<!tpu.dma_semaphore, #tpu.memory_space<semaphore_mem>>, %arg14: memref<!tpu.dma_semaphore, #tpu.memory_space<semaphore_mem>>, %arg15: memref<!tpu.dma_semaphore, #tpu.memory_space<semaphore_mem>>) attributes {dimension_semantics = [#tpu.dimension_semantics<core_parallel>, #tpu.dimension_semantics<subcore_parallel>], iteration_bounds = array<i64: 2, 16>, scalar_prefetch = 0 : i64, scratch_operands = 9 : i64, tpu.core_type = #tpu.core_type<sc_vector_subcore>, window_params = [{transform_indices = #map}, {transform_indices = #map1}, {transform_indices = #map2}, {transform_indices = #map2}, {transform_indices = #map}]} {
    %mul3A = arith.constant 160 : i32
    %mul3A_0 = arith.muli %mul3A, %arg1 : i32
    %scan3A = arith.constant 0 : i32
    %scan3A_1 = arith.constant 0 : i32
    %scan3A_2 = arith.constant 2 : i32
    %scan3A_3 = arith.addi %scan3A_1, %scan3A_2 : i32
    %scan3A_4 = arith.constant 1 : i32
    %scan3A_5 = scf.for %scan3A_7 = %scan3A_1 to %scan3A_3 step %scan3A_4 iter_args(%scan3A_8 = %scan3A) -> (i32)  : i32 {
      %mul3A_9 = arith.constant 640 : i32
      %mul3A_10 = arith.muli %arg1, %mul3A_9 : i32
      %add3A = arith.constant 0 : i32
      %add3A_11 = arith.addi %mul3A_10, %add3A : i32
      "tpu.region"() ({
        %run_scoped3A = tpu.sem_alloc : memref<!tpu.dma_semaphore, #tpu.memory_space<semaphore_mem>>
        %dma_start3A = arith.constant 0 : i32
        %dma_start3A_78 = tpu.memref_slice %arg7[%add3A_11, %dma_start3A] : memref<10240x128xf32, #tpu.memory_space<vmem_shared>> -> memref<128x128xf32, #tpu.memory_space<vmem_shared>>
        tpu.enqueue_dma source(%arg5 : memref<128x128xf32, #tpu.memory_space<hbm>>) target(%dma_start3A_78 : memref<128x128xf32, #tpu.memory_space<vmem_shared>>) target_semaphore(%run_scoped3A : memref<!tpu.dma_semaphore, #tpu.memory_space<semaphore_mem>>)
        %dma_wait3A = arith.constant 0 : i32
        %dma_wait3A_79 = tpu.memref_slice %arg7[%add3A_11, %dma_wait3A] : memref<10240x128xf32, #tpu.memory_space<vmem_shared>> -> memref<128x128xf32, #tpu.memory_space<vmem_shared>>
        tpu.wait_dma2 semaphore(%run_scoped3A : memref<!tpu.dma_semaphore, #tpu.memory_space<semaphore_mem>>) src(%arg5 : memref<128x128xf32, #tpu.memory_space<hbm>>) dst(%dma_wait3A_79 : memref<128x128xf32, #tpu.memory_space<vmem_shared>>)
        tpu.yield
      }) : () -> ()
      %mul3A_12 = arith.constant 640 : i32
      %mul3A_13 = arith.muli %arg1, %mul3A_12 : i32
      %add3A_14 = arith.constant 128 : i32
      %add3A_15 = arith.addi %mul3A_13, %add3A_14 : i32
      "tpu.region"() ({
        %run_scoped3A = tpu.sem_alloc : memref<!tpu.dma_semaphore, #tpu.memory_space<semaphore_mem>>
        %dma_start3A = arith.constant 0 : i32
        %dma_start3A_78 = tpu.memref_slice %arg7[%add3A_15, %dma_start3A] : memref<10240x128xf32, #tpu.memory_space<vmem_shared>> -> memref<128x128xf32, #tpu.memory_space<vmem_shared>>
        tpu.enqueue_dma source(%arg5 : memref<128x128xf32, #tpu.memory_space<hbm>>) target(%dma_start3A_78 : memref<128x128xf32, #tpu.memory_space<vmem_shared>>) target_semaphore(%run_scoped3A : memref<!tpu.dma_semaphore, #tpu.memory_space<semaphore_mem>>)
        %dma_wait3A = arith.constant 0 : i32
        %dma_wait3A_79 = tpu.memref_slice %arg7[%add3A_15, %dma_wait3A] : memref<10240x128xf32, #tpu.memory_space<vmem_shared>> -> memref<128x128xf32, #tpu.memory_space<vmem_shared>>
        tpu.wait_dma2 semaphore(%run_scoped3A : memref<!tpu.dma_semaphore, #tpu.memory_space<semaphore_mem>>) src(%arg5 : memref<128x128xf32, #tpu.memory_space<hbm>>) dst(%dma_wait3A_79 : memref<128x128xf32, #tpu.memory_space<vmem_shared>>)
        tpu.yield
      }) : () -> ()
      %mul3A_16 = arith.constant 640 : i32
      %mul3A_17 = arith.muli %arg1, %mul3A_16 : i32
      %add3A_18 = arith.constant 256 : i32
      %add3A_19 = arith.addi %mul3A_17, %add3A_18 : i32
      "tpu.region"() ({
        %run_scoped3A = tpu.sem_alloc : memref<!tpu.dma_semaphore, #tpu.memory_space<semaphore_mem>>
        %dma_start3A = arith.constant 0 : i32
        %dma_start3A_78 = tpu.memref_slice %arg7[%add3A_19, %dma_start3A] : memref<10240x128xf32, #tpu.memory_space<vmem_shared>> -> memref<128x128xf32, #tpu.memory_space<vmem_shared>>
        tpu.enqueue_dma source(%arg5 : memref<128x128xf32, #tpu.memory_space<hbm>>) target(%dma_start3A_78 : memref<128x128xf32, #tpu.memory_space<vmem_shared>>) target_semaphore(%run_scoped3A : memref<!tpu.dma_semaphore, #tpu.memory_space<semaphore_mem>>)
        %dma_wait3A = arith.constant 0 : i32
        %dma_wait3A_79 = tpu.memref_slice %arg7[%add3A_19, %dma_wait3A] : memref<10240x128xf32, #tpu.memory_space<vmem_shared>> -> memref<128x128xf32, #tpu.memory_space<vmem_shared>>
        tpu.wait_dma2 semaphore(%run_scoped3A : memref<!tpu.dma_semaphore, #tpu.memory_space<semaphore_mem>>) src(%arg5 : memref<128x128xf32, #tpu.memory_space<hbm>>) dst(%dma_wait3A_79 : memref<128x128xf32, #tpu.memory_space<vmem_shared>>)
        tpu.yield
      }) : () -> ()
      %mul3A_20 = arith.constant 640 : i32
      %mul3A_21 = arith.muli %arg1, %mul3A_20 : i32
      %add3A_22 = arith.constant 384 : i32
      %add3A_23 = arith.addi %mul3A_21, %add3A_22 : i32
      "tpu.region"() ({
        %run_scoped3A = tpu.sem_alloc : memref<!tpu.dma_semaphore, #tpu.memory_space<semaphore_mem>>
        %dma_start3A = arith.constant 0 : i32
        %dma_start3A_78 = tpu.memref_slice %arg7[%add3A_23, %dma_start3A] : memref<10240x128xf32, #tpu.memory_space<vmem_shared>> -> memref<128x128xf32, #tpu.memory_space<vmem_shared>>
        tpu.enqueue_dma source(%arg5 : memref<128x128xf32, #tpu.memory_space<hbm>>) target(%dma_start3A_78 : memref<128x128xf32, #tpu.memory_space<vmem_shared>>) target_semaphore(%run_scoped3A : memref<!tpu.dma_semaphore, #tpu.memory_space<semaphore_mem>>)
        %dma_wait3A = arith.constant 0 : i32
        %dma_wait3A_79 = tpu.memref_slice %arg7[%add3A_23, %dma_wait3A] : memref<10240x128xf32, #tpu.memory_space<vmem_shared>> -> memref<128x128xf32, #tpu.memory_space<vmem_shared>>
        tpu.wait_dma2 semaphore(%run_scoped3A : memref<!tpu.dma_semaphore, #tpu.memory_space<semaphore_mem>>) src(%arg5 : memref<128x128xf32, #tpu.memory_space<hbm>>) dst(%dma_wait3A_79 : memref<128x128xf32, #tpu.memory_space<vmem_shared>>)
        tpu.yield
      }) : () -> ()
      %mul3A_24 = arith.constant 640 : i32
      %mul3A_25 = arith.muli %arg1, %mul3A_24 : i32
      %add3A_26 = arith.constant 512 : i32
      %add3A_27 = arith.addi %mul3A_25, %add3A_26 : i32
      "tpu.region"() ({
        %run_scoped3A = tpu.sem_alloc : memref<!tpu.dma_semaphore, #tpu.memory_space<semaphore_mem>>
        %dma_start3A = arith.constant 0 : i32
        %dma_start3A_78 = tpu.memref_slice %arg7[%add3A_27, %dma_start3A] : memref<10240x128xf32, #tpu.memory_space<vmem_shared>> -> memref<128x128xf32, #tpu.memory_space<vmem_shared>>
        tpu.enqueue_dma source(%arg5 : memref<128x128xf32, #tpu.memory_space<hbm>>) target(%dma_start3A_78 : memref<128x128xf32, #tpu.memory_space<vmem_shared>>) target_semaphore(%run_scoped3A : memref<!tpu.dma_semaphore, #tpu.memory_space<semaphore_mem>>)
        %dma_wait3A = arith.constant 0 : i32
        %dma_wait3A_79 = tpu.memref_slice %arg7[%add3A_27, %dma_wait3A] : memref<10240x128xf32, #tpu.memory_space<vmem_shared>> -> memref<128x128xf32, #tpu.memory_space<vmem_shared>>
        tpu.wait_dma2 semaphore(%run_scoped3A : memref<!tpu.dma_semaphore, #tpu.memory_space<semaphore_mem>>) src(%arg5 : memref<128x128xf32, #tpu.memory_space<hbm>>) dst(%dma_wait3A_79 : memref<128x128xf32, #tpu.memory_space<vmem_shared>>)
        tpu.yield
      }) : () -> ()
      %barrier3A = arith.constant 0 : index
      tpu.barrier barrier_id(%barrier3A)
      %scan3A_28 = arith.constant 0 : i32
      %scan3A_29 = arith.constant 0 : i32
      %scan3A_30 = arith.constant 5 : i32
      %scan3A_31 = arith.addi %scan3A_29, %scan3A_30 : i32
      %scan3A_32 = arith.constant 1 : i32
      %scan3A_33 = scf.for %scan3A_78 = %scan3A_29 to %scan3A_31 step %scan3A_32 iter_args(%scan3A_79 = %scan3A_28) -> (i32)  : i32 {
        %mul3A_80 = arith.constant 32 : i32
        %mul3A_81 = arith.muli %scan3A_78, %mul3A_80 : i32
        %add3A_82 = arith.addi %mul3A_0, %mul3A_81 : i32
        "tpu.region"() ({
          %run_scoped3A = tpu.sem_alloc : memref<!tpu.dma_semaphore, #tpu.memory_space<semaphore_mem>>
          %dma_start3A_103 = arith.constant 0 : i32
          %dma_start3A_104 = tpu.memref_slice %arg2[%scan3A_7, %arg0, %add3A_82, %dma_start3A_103] : memref<2x2x2560x128xi32, #tpu.memory_space<hbm>> -> memref<1x1x32x128xi32, #tpu.memory_space<hbm>>
          %dma_start3A_105 = tpu.memref_squeeze %dma_start3A_104 : memref<1x1x32x128xi32, #tpu.memory_space<hbm>> -> memref<32x128xi32, #tpu.memory_space<hbm>>
          %dma_start3A_106 = arith.constant 0 : i32
          %dma_start3A_107 = tpu.memref_slice %arg2[%scan3A_7, %arg0, %add3A_82, %dma_start3A_106] : memref<2x2x2560x128xi32, #tpu.memory_space<hbm>> -> memref<1x1x32x128xi32, #tpu.memory_space<hbm>>
          %dma_start3A_108 = tpu.memref_squeeze %dma_start3A_107 : memref<1x1x32x128xi32, #tpu.memory_space<hbm>> -> memref<32x128xi32, #tpu.memory_space<hbm>>
          tpu.enqueue_dma source(%dma_start3A_108 : memref<32x128xi32, #tpu.memory_space<hbm>>) target(%arg8 : memref<32x128xi32, #tpu.memory_space<vmem>>) target_semaphore(%run_scoped3A : memref<!tpu.dma_semaphore, #tpu.memory_space<semaphore_mem>>)
          %dma_wait3A_109 = arith.constant 0 : i32
          %dma_wait3A_110 = tpu.memref_slice %arg2[%scan3A_7, %arg0, %add3A_82, %dma_wait3A_109] : memref<2x2x2560x128xi32, #tpu.memory_space<hbm>> -> memref<1x1x32x128xi32, #tpu.memory_space<hbm>>
          %dma_wait3A_111 = tpu.memref_squeeze %dma_wait3A_110 : memref<1x1x32x128xi32, #tpu.memory_space<hbm>> -> memref<32x128xi32, #tpu.memory_space<hbm>>
          %dma_wait3A_112 = arith.constant 0 : i32
          %dma_wait3A_113 = tpu.memref_slice %arg2[%scan3A_7, %arg0, %add3A_82, %dma_wait3A_112] : memref<2x2x2560x128xi32, #tpu.memory_space<hbm>> -> memref<1x1x32x128xi32, #tpu.memory_space<hbm>>
          %dma_wait3A_114 = tpu.memref_squeeze %dma_wait3A_113 : memref<1x1x32x128xi32, #tpu.memory_space<hbm>> -> memref<32x128xi32, #tpu.memory_space<hbm>>
          tpu.wait_dma2 semaphore(%run_scoped3A : memref<!tpu.dma_semaphore, #tpu.memory_space<semaphore_mem>>) src(%dma_wait3A_114 : memref<32x128xi32, #tpu.memory_space<hbm>>) dst(%arg8 : memref<32x128xi32, #tpu.memory_space<vmem>>)
          tpu.yield
        }) : () -> ()
        "tpu.region"() ({
          %run_scoped3A = tpu.sem_alloc : memref<!tpu.dma_semaphore, #tpu.memory_space<semaphore_mem>>
          %dma_start3A_103 = arith.constant 0 : i32
          %dma_start3A_104 = tpu.memref_slice %arg3[%scan3A_7, %add3A_82, %dma_start3A_103] : memref<2x2560x128xi32, #tpu.memory_space<hbm>> -> memref<1x32x128xi32, #tpu.memory_space<hbm>>
          %dma_start3A_105 = tpu.memref_squeeze %dma_start3A_104 : memref<1x32x128xi32, #tpu.memory_space<hbm>> -> memref<32x128xi32, #tpu.memory_space<hbm>>
          %dma_start3A_106 = arith.constant 0 : i32
          %dma_start3A_107 = tpu.memref_slice %arg3[%scan3A_7, %add3A_82, %dma_start3A_106] : memref<2x2560x128xi32, #tpu.memory_space<hbm>> -> memref<1x32x128xi32, #tpu.memory_space<hbm>>
          %dma_start3A_108 = tpu.memref_squeeze %dma_start3A_107 : memref<1x32x128xi32, #tpu.memory_space<hbm>> -> memref<32x128xi32, #tpu.memory_space<hbm>>
          tpu.enqueue_dma source(%dma_start3A_108 : memref<32x128xi32, #tpu.memory_space<hbm>>) target(%arg9 : memref<32x128xi32, #tpu.memory_space<vmem>>) target_semaphore(%run_scoped3A : memref<!tpu.dma_semaphore, #tpu.memory_space<semaphore_mem>>)
          %dma_wait3A_109 = arith.constant 0 : i32
          %dma_wait3A_110 = tpu.memref_slice %arg3[%scan3A_7, %add3A_82, %dma_wait3A_109] : memref<2x2560x128xi32, #tpu.memory_space<hbm>> -> memref<1x32x128xi32, #tpu.memory_space<hbm>>
          %dma_wait3A_111 = tpu.memref_squeeze %dma_wait3A_110 : memref<1x32x128xi32, #tpu.memory_space<hbm>> -> memref<32x128xi32, #tpu.memory_space<hbm>>
          %dma_wait3A_112 = arith.constant 0 : i32
          %dma_wait3A_113 = tpu.memref_slice %arg3[%scan3A_7, %add3A_82, %dma_wait3A_112] : memref<2x2560x128xi32, #tpu.memory_space<hbm>> -> memref<1x32x128xi32, #tpu.memory_space<hbm>>
          %dma_wait3A_114 = tpu.memref_squeeze %dma_wait3A_113 : memref<1x32x128xi32, #tpu.memory_space<hbm>> -> memref<32x128xi32, #tpu.memory_space<hbm>>
          tpu.wait_dma2 semaphore(%run_scoped3A : memref<!tpu.dma_semaphore, #tpu.memory_space<semaphore_mem>>) src(%dma_wait3A_114 : memref<32x128xi32, #tpu.memory_space<hbm>>) dst(%arg9 : memref<32x128xi32, #tpu.memory_space<vmem>>)
          tpu.yield
        }) : () -> ()
        %dma_start3A = arith.constant 0 : i32
        %dma_start3A_83 = arith.constant 0 : i32
        %dma_start3A_84 = tpu.memref_slice %arg8[%dma_start3A, %dma_start3A_83] : memref<32x128xi32, #tpu.memory_space<vmem>> -> memref<1x128xi32, #tpu.memory_space<vmem>>
        %dma_start3A_85 = tpu.memref_squeeze %dma_start3A_84 : memref<1x128xi32, #tpu.memory_space<vmem>> -> memref<128xi32, #tpu.memory_space<vmem>>
        %dma_start3A_86 = arith.constant 0 : i32
        %dma_start3A_87 = arith.constant 0 : i32
        %dma_start3A_88 = tpu.memref_slice %arg4[%dma_start3A_86, %dma_start3A_87] : memref<40960x128xf32, #tpu.memory_space<hbm>> -> memref<40960x128xf32, #tpu.memory_space<hbm>>
        tpu.enqueue_indirect_dma source(%dma_start3A_88 : memref<40960x128xf32, #tpu.memory_space<hbm>>) target(%arg10 : memref<128x128xf32, #tpu.memory_space<vmem>>) offsets(%dma_start3A_85 : memref<128xi32, #tpu.memory_space<vmem>>) semaphore(%arg12 : memref<!tpu.dma_semaphore, #tpu.memory_space<semaphore_mem>>)
        %scan3A_89 = arith.constant 0 : i32
        %scan3A_90 = arith.constant 0 : i32
        %scan3A_91 = arith.constant 8 : i32
        %scan3A_92 = arith.addi %scan3A_90, %scan3A_91 : i32
        %scan3A_93 = arith.constant 1 : i32
        %scan3A_94 = scf.for %scan3A_103 = %scan3A_90 to %scan3A_92 step %scan3A_93 iter_args(%scan3A_104 = %scan3A_89) -> (i32)  : i32 {
          %mul3A_105 = arith.constant 4 : i32
          %mul3A_106 = arith.muli %mul3A_105, %scan3A_103 : i32
          %add3A_107 = arith.constant 0 : i32
          %add3A_108 = arith.addi %mul3A_106, %add3A_107 : i32
          %ge3A = arith.constant 1 : i32
          %ge3A_109 = arith.cmpi sge, %add3A_108, %ge3A : i32
          %convert_element_type3A = arith.extui %ge3A_109 : i1 to i32
          %cond3A = arith.constant 0 : i32
          %cond3A_110 = arith.cmpi ne, %convert_element_type3A, %cond3A : i32
          scf.if %cond3A_110 {
            %sub3A = arith.constant 1 : i32
            %sub3A_214 = arith.subi %add3A_108, %sub3A : i32
            %dma_wait3A_215 = arith.constant 0 : i32
            %dma_wait3A_216 = tpu.memref_slice %arg9[%sub3A_214, %dma_wait3A_215] : memref<32x128xi32, #tpu.memory_space<vmem>> -> memref<1x128xi32, #tpu.memory_space<vmem>>
            %dma_wait3A_217 = tpu.memref_squeeze %dma_wait3A_216 : memref<1x128xi32, #tpu.memory_space<vmem>> -> memref<128xi32, #tpu.memory_space<vmem>>
            %dma_wait3A_218 = arith.constant 0 : i32
            %dma_wait3A_219 = arith.constant 0 : i32
            %dma_wait3A_220 = tpu.memref_slice %arg7[%dma_wait3A_218, %dma_wait3A_219] : memref<10240x128xf32, #tpu.memory_space<vmem_shared>> -> memref<10240x128xf32, #tpu.memory_space<vmem_shared>>
            tpu.wait_indirect_dma semaphore(%arg15 : memref<!tpu.dma_semaphore, #tpu.memory_space<semaphore_mem>>) src(%arg11 : memref<128x128xf32, #tpu.memory_space<vmem>>) dst(%dma_wait3A_220 : memref<10240x128xf32, #tpu.memory_space<vmem_shared>>)
          } else {
          }
          %add3A_111 = arith.constant 1 : i32
          %add3A_112 = arith.addi %add3A_108, %add3A_111 : i32
          %lt3A = arith.constant 32 : i32
          %lt3A_113 = arith.cmpi slt, %add3A_112, %lt3A : i32
          %convert_element_type3A_114 = arith.extui %lt3A_113 : i1 to i32
          %cond3A_115 = arith.constant 0 : i32
          %cond3A_116 = arith.cmpi ne, %convert_element_type3A_114, %cond3A_115 : i32
          scf.if %cond3A_116 {
            %add3A_214 = arith.constant 1 : i32
            %add3A_215 = arith.addi %add3A_108, %add3A_214 : i32
            %dma_start3A_216 = arith.constant 0 : i32
            %dma_start3A_217 = tpu.memref_slice %arg8[%add3A_215, %dma_start3A_216] : memref<32x128xi32, #tpu.memory_space<vmem>> -> memref<1x128xi32, #tpu.memory_space<vmem>>
            %dma_start3A_218 = tpu.memref_squeeze %dma_start3A_217 : memref<1x128xi32, #tpu.memory_space<vmem>> -> memref<128xi32, #tpu.memory_space<vmem>>
            %dma_start3A_219 = arith.constant 0 : i32
            %dma_start3A_220 = arith.constant 0 : i32
            %dma_start3A_221 = tpu.memref_slice %arg4[%dma_start3A_219, %dma_start3A_220] : memref<40960x128xf32, #tpu.memory_space<hbm>> -> memref<40960x128xf32, #tpu.memory_space<hbm>>
            tpu.enqueue_indirect_dma source(%dma_start3A_221 : memref<40960x128xf32, #tpu.memory_space<hbm>>) target(%arg11 : memref<128x128xf32, #tpu.memory_space<vmem>>) offsets(%dma_start3A_218 : memref<128xi32, #tpu.memory_space<vmem>>) semaphore(%arg13 : memref<!tpu.dma_semaphore, #tpu.memory_space<semaphore_mem>>)
          } else {
          }
          %dma_wait3A_117 = arith.constant 0 : i32
          %dma_wait3A_118 = tpu.memref_slice %arg8[%add3A_108, %dma_wait3A_117] : memref<32x128xi32, #tpu.memory_space<vmem>> -> memref<1x128xi32, #tpu.memory_space<vmem>>
          %dma_wait3A_119 = tpu.memref_squeeze %dma_wait3A_118 : memref<1x128xi32, #tpu.memory_space<vmem>> -> memref<128xi32, #tpu.memory_space<vmem>>
          %dma_wait3A_120 = arith.constant 0 : i32
          %dma_wait3A_121 = arith.constant 0 : i32
          %dma_wait3A_122 = tpu.memref_slice %arg4[%dma_wait3A_120, %dma_wait3A_121] : memref<40960x128xf32, #tpu.memory_space<hbm>> -> memref<40960x128xf32, #tpu.memory_space<hbm>>
          tpu.wait_indirect_dma semaphore(%arg12 : memref<!tpu.dma_semaphore, #tpu.memory_space<semaphore_mem>>) src(%dma_wait3A_122 : memref<40960x128xf32, #tpu.memory_space<hbm>>) dst(%arg10 : memref<128x128xf32, #tpu.memory_space<vmem>>)
          %dma_start3A_123 = arith.constant 0 : i32
          %dma_start3A_124 = tpu.memref_slice %arg9[%add3A_108, %dma_start3A_123] : memref<32x128xi32, #tpu.memory_space<vmem>> -> memref<1x128xi32, #tpu.memory_space<vmem>>
          %dma_start3A_125 = tpu.memref_squeeze %dma_start3A_124 : memref<1x128xi32, #tpu.memory_space<vmem>> -> memref<128xi32, #tpu.memory_space<vmem>>
          %dma_start3A_126 = arith.constant 0 : i32
          %dma_start3A_127 = arith.constant 0 : i32
          %dma_start3A_128 = tpu.memref_slice %arg7[%dma_start3A_126, %dma_start3A_127] : memref<10240x128xf32, #tpu.memory_space<vmem_shared>> -> memref<10240x128xf32, #tpu.memory_space<vmem_shared>>
          tpu.enqueue_indirect_dma source(%arg10 : memref<128x128xf32, #tpu.memory_space<vmem>>) target(%dma_start3A_128 : memref<10240x128xf32, #tpu.memory_space<vmem_shared>>) offsets(%dma_start3A_125 : memref<128xi32, #tpu.memory_space<vmem>>) semaphore(%arg14 : memref<!tpu.dma_semaphore, #tpu.memory_space<semaphore_mem>>) {add = true}
          %mul3A_129 = arith.constant 4 : i32
          %mul3A_130 = arith.muli %mul3A_129, %scan3A_103 : i32
          %add3A_131 = arith.constant 1 : i32
          %add3A_132 = arith.addi %mul3A_130, %add3A_131 : i32
          %ge3A_133 = arith.constant 1 : i32
          %ge3A_134 = arith.cmpi sge, %add3A_132, %ge3A_133 : i32
          %convert_element_type3A_135 = arith.extui %ge3A_134 : i1 to i32
          %cond3A_136 = arith.constant 0 : i32
          %cond3A_137 = arith.cmpi ne, %convert_element_type3A_135, %cond3A_136 : i32
          scf.if %cond3A_137 {
            %sub3A = arith.constant 1 : i32
            %sub3A_214 = arith.subi %add3A_132, %sub3A : i32
            %dma_wait3A_215 = arith.constant 0 : i32
            %dma_wait3A_216 = tpu.memref_slice %arg9[%sub3A_214, %dma_wait3A_215] : memref<32x128xi32, #tpu.memory_space<vmem>> -> memref<1x128xi32, #tpu.memory_space<vmem>>
            %dma_wait3A_217 = tpu.memref_squeeze %dma_wait3A_216 : memref<1x128xi32, #tpu.memory_space<vmem>> -> memref<128xi32, #tpu.memory_space<vmem>>
            %dma_wait3A_218 = arith.constant 0 : i32
            %dma_wait3A_219 = arith.constant 0 : i32
            %dma_wait3A_220 = tpu.memref_slice %arg7[%dma_wait3A_218, %dma_wait3A_219] : memref<10240x128xf32, #tpu.memory_space<vmem_shared>> -> memref<10240x128xf32, #tpu.memory_space<vmem_shared>>
            tpu.wait_indirect_dma semaphore(%arg14 : memref<!tpu.dma_semaphore, #tpu.memory_space<semaphore_mem>>) src(%arg10 : memref<128x128xf32, #tpu.memory_space<vmem>>) dst(%dma_wait3A_220 : memref<10240x128xf32, #tpu.memory_space<vmem_shared>>)
          } else {
          }
          %add3A_138 = arith.constant 1 : i32
          %add3A_139 = arith.addi %add3A_132, %add3A_138 : i32
          %lt3A_140 = arith.constant 32 : i32
          %lt3A_141 = arith.cmpi slt, %add3A_139, %lt3A_140 : i32
          %convert_element_type3A_142 = arith.extui %lt3A_141 : i1 to i32
          %cond3A_143 = arith.constant 0 : i32
          %cond3A_144 = arith.cmpi ne, %convert_element_type3A_142, %cond3A_143 : i32
          scf.if %cond3A_144 {
            %add3A_214 = arith.constant 1 : i32
            %add3A_215 = arith.addi %add3A_132, %add3A_214 : i32
            %dma_start3A_216 = arith.constant 0 : i32
            %dma_start3A_217 = tpu.memref_slice %arg8[%add3A_215, %dma_start3A_216] : memref<32x128xi32, #tpu.memory_space<vmem>> -> memref<1x128xi32, #tpu.memory_space<vmem>>
            %dma_start3A_218 = tpu.memref_squeeze %dma_start3A_217 : memref<1x128xi32, #tpu.memory_space<vmem>> -> memref<128xi32, #tpu.memory_space<vmem>>
            %dma_start3A_219 = arith.constant 0 : i32
            %dma_start3A_220 = arith.constant 0 : i32
            %dma_start3A_221 = tpu.memref_slice %arg4[%dma_start3A_219, %dma_start3A_220] : memref<40960x128xf32, #tpu.memory_space<hbm>> -> memref<40960x128xf32, #tpu.memory_space<hbm>>
            tpu.enqueue_indirect_dma source(%dma_start3A_221 : memref<40960x128xf32, #tpu.memory_space<hbm>>) target(%arg10 : memref<128x128xf32, #tpu.memory_space<vmem>>) offsets(%dma_start3A_218 : memref<128xi32, #tpu.memory_space<vmem>>) semaphore(%arg12 : memref<!tpu.dma_semaphore, #tpu.memory_space<semaphore_mem>>)
          } else {
          }
          %dma_wait3A_145 = arith.constant 0 : i32
          %dma_wait3A_146 = tpu.memref_slice %arg8[%add3A_132, %dma_wait3A_145] : memref<32x128xi32, #tpu.memory_space<vmem>> -> memref<1x128xi32, #tpu.memory_space<vmem>>
          %dma_wait3A_147 = tpu.memref_squeeze %dma_wait3A_146 : memref<1x128xi32, #tpu.memory_space<vmem>> -> memref<128xi32, #tpu.memory_space<vmem>>
          %dma_wait3A_148 = arith.constant 0 : i32
          %dma_wait3A_149 = arith.constant 0 : i32
          %dma_wait3A_150 = tpu.memref_slice %arg4[%dma_wait3A_148, %dma_wait3A_149] : memref<40960x128xf32, #tpu.memory_space<hbm>> -> memref<40960x128xf32, #tpu.memory_space<hbm>>
          tpu.wait_indirect_dma semaphore(%arg13 : memref<!tpu.dma_semaphore, #tpu.memory_space<semaphore_mem>>) src(%dma_wait3A_150 : memref<40960x128xf32, #tpu.memory_space<hbm>>) dst(%arg11 : memref<128x128xf32, #tpu.memory_space<vmem>>)
          %dma_start3A_151 = arith.constant 0 : i32
          %dma_start3A_152 = tpu.memref_slice %arg9[%add3A_132, %dma_start3A_151] : memref<32x128xi32, #tpu.memory_space<vmem>> -> memref<1x128xi32, #tpu.memory_space<vmem>>
          %dma_start3A_153 = tpu.memref_squeeze %dma_start3A_152 : memref<1x128xi32, #tpu.memory_space<vmem>> -> memref<128xi32, #tpu.memory_space<vmem>>
          %dma_start3A_154 = arith.constant 0 : i32
          %dma_start3A_155 = arith.constant 0 : i32
          %dma_start3A_156 = tpu.memref_slice %arg7[%dma_start3A_154, %dma_start3A_155] : memref<10240x128xf32, #tpu.memory_space<vmem_shared>> -> memref<10240x128xf32, #tpu.memory_space<vmem_shared>>
          tpu.enqueue_indirect_dma source(%arg11 : memref<128x128xf32, #tpu.memory_space<vmem>>) target(%dma_start3A_156 : memref<10240x128xf32, #tpu.memory_space<vmem_shared>>) offsets(%dma_start3A_153 : memref<128xi32, #tpu.memory_space<vmem>>) semaphore(%arg15 : memref<!tpu.dma_semaphore, #tpu.memory_space<semaphore_mem>>) {add = true}
          %mul3A_157 = arith.constant 4 : i32
          %mul3A_158 = arith.muli %mul3A_157, %scan3A_103 : i32
          %add3A_159 = arith.constant 2 : i32
          %add3A_160 = arith.addi %mul3A_158, %add3A_159 : i32
          %ge3A_161 = arith.constant 1 : i32
          %ge3A_162 = arith.cmpi sge, %add3A_160, %ge3A_161 : i32
          %convert_element_type3A_163 = arith.extui %ge3A_162 : i1 to i32
          %cond3A_164 = arith.constant 0 : i32
          %cond3A_165 = arith.cmpi ne, %convert_element_type3A_163, %cond3A_164 : i32
          scf.if %cond3A_165 {
            %sub3A = arith.constant 1 : i32
            %sub3A_214 = arith.subi %add3A_160, %sub3A : i32
            %dma_wait3A_215 = arith.constant 0 : i32
            %dma_wait3A_216 = tpu.memref_slice %arg9[%sub3A_214, %dma_wait3A_215] : memref<32x128xi32, #tpu.memory_space<vmem>> -> memref<1x128xi32, #tpu.memory_space<vmem>>
            %dma_wait3A_217 = tpu.memref_squeeze %dma_wait3A_216 : memref<1x128xi32, #tpu.memory_space<vmem>> -> memref<128xi32, #tpu.memory_space<vmem>>
            %dma_wait3A_218 = arith.constant 0 : i32
            %dma_wait3A_219 = arith.constant 0 : i32
            %dma_wait3A_220 = tpu.memref_slice %arg7[%dma_wait3A_218, %dma_wait3A_219] : memref<10240x128xf32, #tpu.memory_space<vmem_shared>> -> memref<10240x128xf32, #tpu.memory_space<vmem_shared>>
            tpu.wait_indirect_dma semaphore(%arg15 : memref<!tpu.dma_semaphore, #tpu.memory_space<semaphore_mem>>) src(%arg11 : memref<128x128xf32, #tpu.memory_space<vmem>>) dst(%dma_wait3A_220 : memref<10240x128xf32, #tpu.memory_space<vmem_shared>>)
          } else {
          }
          %add3A_166 = arith.constant 1 : i32
          %add3A_167 = arith.addi %add3A_160, %add3A_166 : i32
          %lt3A_168 = arith.constant 32 : i32
          %lt3A_169 = arith.cmpi slt, %add3A_167, %lt3A_168 : i32
          %convert_element_type3A_170 = arith.extui %lt3A_169 : i1 to i32
          %cond3A_171 = arith.constant 0 : i32
          %cond3A_172 = arith.cmpi ne, %convert_element_type3A_170, %cond3A_171 : i32
          scf.if %cond3A_172 {
            %add3A_214 = arith.constant 1 : i32
            %add3A_215 = arith.addi %add3A_160, %add3A_214 : i32
            %dma_start3A_216 = arith.constant 0 : i32
            %dma_start3A_217 = tpu.memref_slice %arg8[%add3A_215, %dma_start3A_216] : memref<32x128xi32, #tpu.memory_space<vmem>> -> memref<1x128xi32, #tpu.memory_space<vmem>>
            %dma_start3A_218 = tpu.memref_squeeze %dma_start3A_217 : memref<1x128xi32, #tpu.memory_space<vmem>> -> memref<128xi32, #tpu.memory_space<vmem>>
            %dma_start3A_219 = arith.constant 0 : i32
            %dma_start3A_220 = arith.constant 0 : i32
            %dma_start3A_221 = tpu.memref_slice %arg4[%dma_start3A_219, %dma_start3A_220] : memref<40960x128xf32, #tpu.memory_space<hbm>> -> memref<40960x128xf32, #tpu.memory_space<hbm>>
            tpu.enqueue_indirect_dma source(%dma_start3A_221 : memref<40960x128xf32, #tpu.memory_space<hbm>>) target(%arg11 : memref<128x128xf32, #tpu.memory_space<vmem>>) offsets(%dma_start3A_218 : memref<128xi32, #tpu.memory_space<vmem>>) semaphore(%arg13 : memref<!tpu.dma_semaphore, #tpu.memory_space<semaphore_mem>>)
          } else {
          }
          %dma_wait3A_173 = arith.constant 0 : i32
          %dma_wait3A_174 = tpu.memref_slice %arg8[%add3A_160, %dma_wait3A_173] : memref<32x128xi32, #tpu.memory_space<vmem>> -> memref<1x128xi32, #tpu.memory_space<vmem>>
          %dma_wait3A_175 = tpu.memref_squeeze %dma_wait3A_174 : memref<1x128xi32, #tpu.memory_space<vmem>> -> memref<128xi32, #tpu.memory_space<vmem>>
          %dma_wait3A_176 = arith.constant 0 : i32
          %dma_wait3A_177 = arith.constant 0 : i32
          %dma_wait3A_178 = tpu.memref_slice %arg4[%dma_wait3A_176, %dma_wait3A_177] : memref<40960x128xf32, #tpu.memory_space<hbm>> -> memref<40960x128xf32, #tpu.memory_space<hbm>>
          tpu.wait_indirect_dma semaphore(%arg12 : memref<!tpu.dma_semaphore, #tpu.memory_space<semaphore_mem>>) src(%dma_wait3A_178 : memref<40960x128xf32, #tpu.memory_space<hbm>>) dst(%arg10 : memref<128x128xf32, #tpu.memory_space<vmem>>)
          %dma_start3A_179 = arith.constant 0 : i32
          %dma_start3A_180 = tpu.memref_slice %arg9[%add3A_160, %dma_start3A_179] : memref<32x128xi32, #tpu.memory_space<vmem>> -> memref<1x128xi32, #tpu.memory_space<vmem>>
          %dma_start3A_181 = tpu.memref_squeeze %dma_start3A_180 : memref<1x128xi32, #tpu.memory_space<vmem>> -> memref<128xi32, #tpu.memory_space<vmem>>
          %dma_start3A_182 = arith.constant 0 : i32
          %dma_start3A_183 = arith.constant 0 : i32
          %dma_start3A_184 = tpu.memref_slice %arg7[%dma_start3A_182, %dma_start3A_183] : memref<10240x128xf32, #tpu.memory_space<vmem_shared>> -> memref<10240x128xf32, #tpu.memory_space<vmem_shared>>
          tpu.enqueue_indirect_dma source(%arg10 : memref<128x128xf32, #tpu.memory_space<vmem>>) target(%dma_start3A_184 : memref<10240x128xf32, #tpu.memory_space<vmem_shared>>) offsets(%dma_start3A_181 : memref<128xi32, #tpu.memory_space<vmem>>) semaphore(%arg14 : memref<!tpu.dma_semaphore, #tpu.memory_space<semaphore_mem>>) {add = true}
          %mul3A_185 = arith.constant 4 : i32
          %mul3A_186 = arith.muli %mul3A_185, %scan3A_103 : i32
          %add3A_187 = arith.constant 3 : i32
          %add3A_188 = arith.addi %mul3A_186, %add3A_187 : i32
          %ge3A_189 = arith.constant 1 : i32
          %ge3A_190 = arith.cmpi sge, %add3A_188, %ge3A_189 : i32
          %convert_element_type3A_191 = arith.extui %ge3A_190 : i1 to i32
          %cond3A_192 = arith.constant 0 : i32
          %cond3A_193 = arith.cmpi ne, %convert_element_type3A_191, %cond3A_192 : i32
          scf.if %cond3A_193 {
            %sub3A = arith.constant 1 : i32
            %sub3A_214 = arith.subi %add3A_188, %sub3A : i32
            %dma_wait3A_215 = arith.constant 0 : i32
            %dma_wait3A_216 = tpu.memref_slice %arg9[%sub3A_214, %dma_wait3A_215] : memref<32x128xi32, #tpu.memory_space<vmem>> -> memref<1x128xi32, #tpu.memory_space<vmem>>
            %dma_wait3A_217 = tpu.memref_squeeze %dma_wait3A_216 : memref<1x128xi32, #tpu.memory_space<vmem>> -> memref<128xi32, #tpu.memory_space<vmem>>
            %dma_wait3A_218 = arith.constant 0 : i32
            %dma_wait3A_219 = arith.constant 0 : i32
            %dma_wait3A_220 = tpu.memref_slice %arg7[%dma_wait3A_218, %dma_wait3A_219] : memref<10240x128xf32, #tpu.memory_space<vmem_shared>> -> memref<10240x128xf32, #tpu.memory_space<vmem_shared>>
            tpu.wait_indirect_dma semaphore(%arg14 : memref<!tpu.dma_semaphore, #tpu.memory_space<semaphore_mem>>) src(%arg10 : memref<128x128xf32, #tpu.memory_space<vmem>>) dst(%dma_wait3A_220 : memref<10240x128xf32, #tpu.memory_space<vmem_shared>>)
          } else {
          }
          %add3A_194 = arith.constant 1 : i32
          %add3A_195 = arith.addi %add3A_188, %add3A_194 : i32
          %lt3A_196 = arith.constant 32 : i32
          %lt3A_197 = arith.cmpi slt, %add3A_195, %lt3A_196 : i32
          %convert_element_type3A_198 = arith.extui %lt3A_197 : i1 to i32
          %cond3A_199 = arith.constant 0 : i32
          %cond3A_200 = arith.cmpi ne, %convert_element_type3A_198, %cond3A_199 : i32
          scf.if %cond3A_200 {
            %add3A_214 = arith.constant 1 : i32
            %add3A_215 = arith.addi %add3A_188, %add3A_214 : i32
            %dma_start3A_216 = arith.constant 0 : i32
            %dma_start3A_217 = tpu.memref_slice %arg8[%add3A_215, %dma_start3A_216] : memref<32x128xi32, #tpu.memory_space<vmem>> -> memref<1x128xi32, #tpu.memory_space<vmem>>
            %dma_start3A_218 = tpu.memref_squeeze %dma_start3A_217 : memref<1x128xi32, #tpu.memory_space<vmem>> -> memref<128xi32, #tpu.memory_space<vmem>>
            %dma_start3A_219 = arith.constant 0 : i32
            %dma_start3A_220 = arith.constant 0 : i32
            %dma_start3A_221 = tpu.memref_slice %arg4[%dma_start3A_219, %dma_start3A_220] : memref<40960x128xf32, #tpu.memory_space<hbm>> -> memref<40960x128xf32, #tpu.memory_space<hbm>>
            tpu.enqueue_indirect_dma source(%dma_start3A_221 : memref<40960x128xf32, #tpu.memory_space<hbm>>) target(%arg10 : memref<128x128xf32, #tpu.memory_space<vmem>>) offsets(%dma_start3A_218 : memref<128xi32, #tpu.memory_space<vmem>>) semaphore(%arg12 : memref<!tpu.dma_semaphore, #tpu.memory_space<semaphore_mem>>)
          } else {
          }
          %dma_wait3A_201 = arith.constant 0 : i32
          %dma_wait3A_202 = tpu.memref_slice %arg8[%add3A_188, %dma_wait3A_201] : memref<32x128xi32, #tpu.memory_space<vmem>> -> memref<1x128xi32, #tpu.memory_space<vmem>>
          %dma_wait3A_203 = tpu.memref_squeeze %dma_wait3A_202 : memref<1x128xi32, #tpu.memory_space<vmem>> -> memref<128xi32, #tpu.memory_space<vmem>>
          %dma_wait3A_204 = arith.constant 0 : i32
          %dma_wait3A_205 = arith.constant 0 : i32
          %dma_wait3A_206 = tpu.memref_slice %arg4[%dma_wait3A_204, %dma_wait3A_205] : memref<40960x128xf32, #tpu.memory_space<hbm>> -> memref<40960x128xf32, #tpu.memory_space<hbm>>
          tpu.wait_indirect_dma semaphore(%arg13 : memref<!tpu.dma_semaphore, #tpu.memory_space<semaphore_mem>>) src(%dma_wait3A_206 : memref<40960x128xf32, #tpu.memory_space<hbm>>) dst(%arg11 : memref<128x128xf32, #tpu.memory_space<vmem>>)
          %dma_start3A_207 = arith.constant 0 : i32
          %dma_start3A_208 = tpu.memref_slice %arg9[%add3A_188, %dma_start3A_207] : memref<32x128xi32, #tpu.memory_space<vmem>> -> memref<1x128xi32, #tpu.memory_space<vmem>>
          %dma_start3A_209 = tpu.memref_squeeze %dma_start3A_208 : memref<1x128xi32, #tpu.memory_space<vmem>> -> memref<128xi32, #tpu.memory_space<vmem>>
          %dma_start3A_210 = arith.constant 0 : i32
          %dma_start3A_211 = arith.constant 0 : i32
          %dma_start3A_212 = tpu.memref_slice %arg7[%dma_start3A_210, %dma_start3A_211] : memref<10240x128xf32, #tpu.memory_space<vmem_shared>> -> memref<10240x128xf32, #tpu.memory_space<vmem_shared>>
          tpu.enqueue_indirect_dma source(%arg11 : memref<128x128xf32, #tpu.memory_space<vmem>>) target(%dma_start3A_212 : memref<10240x128xf32, #tpu.memory_space<vmem_shared>>) offsets(%dma_start3A_209 : memref<128xi32, #tpu.memory_space<vmem>>) semaphore(%arg15 : memref<!tpu.dma_semaphore, #tpu.memory_space<semaphore_mem>>) {add = true}
          %scan3A_213 = arith.constant 0 : i32
          scf.yield %scan3A_213 : i32
        }
        %scan3A_95 = arith.constant 8 : i32
        %dma_wait3A = arith.constant 31 : i32
        %dma_wait3A_96 = arith.constant 0 : i32
        %dma_wait3A_97 = tpu.memref_slice %arg9[%dma_wait3A, %dma_wait3A_96] : memref<32x128xi32, #tpu.memory_space<vmem>> -> memref<1x128xi32, #tpu.memory_space<vmem>>
        %dma_wait3A_98 = tpu.memref_squeeze %dma_wait3A_97 : memref<1x128xi32, #tpu.memory_space<vmem>> -> memref<128xi32, #tpu.memory_space<vmem>>
        %dma_wait3A_99 = arith.constant 0 : i32
        %dma_wait3A_100 = arith.constant 0 : i32
        %dma_wait3A_101 = tpu.memref_slice %arg7[%dma_wait3A_99, %dma_wait3A_100] : memref<10240x128xf32, #tpu.memory_space<vmem_shared>> -> memref<10240x128xf32, #tpu.memory_space<vmem_shared>>
        tpu.wait_indirect_dma semaphore(%arg15 : memref<!tpu.dma_semaphore, #tpu.memory_space<semaphore_mem>>) src(%arg11 : memref<128x128xf32, #tpu.memory_space<vmem>>) dst(%dma_wait3A_101 : memref<10240x128xf32, #tpu.memory_space<vmem_shared>>)
        %scan3A_102 = arith.constant 0 : i32
        scf.yield %scan3A_102 : i32
      }
      %scan3A_34 = arith.constant 5 : i32
      %barrier3A_35 = arith.constant 0 : index
      tpu.barrier barrier_id(%barrier3A_35)
      %mul3A_36 = arith.constant 640 : i32
      %mul3A_37 = arith.muli %arg1, %mul3A_36 : i32
      %add3A_38 = arith.constant 0 : i32
      %add3A_39 = arith.addi %mul3A_37, %add3A_38 : i32
      %mul3A_40 = arith.constant 640 : i32
      %mul3A_41 = arith.muli %arg1, %mul3A_40 : i32
      %add3A_42 = arith.constant 0 : i32
      %add3A_43 = arith.addi %mul3A_41, %add3A_42 : i32
      "tpu.region"() ({
        %run_scoped3A = tpu.sem_alloc : memref<!tpu.dma_semaphore, #tpu.memory_space<semaphore_mem>>
        %dma_start3A = arith.constant 0 : i32
        %dma_start3A_78 = tpu.memref_slice %arg6[%scan3A_7, %arg0, %add3A_43, %dma_start3A] : memref<2x2x10240x128xf32, #tpu.memory_space<hbm>> -> memref<1x1x128x128xf32, #tpu.memory_space<hbm>>
        %dma_start3A_79 = tpu.memref_squeeze %dma_start3A_78 : memref<1x1x128x128xf32, #tpu.memory_space<hbm>> -> memref<128x128xf32, #tpu.memory_space<hbm>>
        %dma_start3A_80 = arith.constant 0 : i32
        %dma_start3A_81 = tpu.memref_slice %arg7[%add3A_39, %dma_start3A_80] : memref<10240x128xf32, #tpu.memory_space<vmem_shared>> -> memref<128x128xf32, #tpu.memory_space<vmem_shared>>
        tpu.enqueue_dma source(%dma_start3A_81 : memref<128x128xf32, #tpu.memory_space<vmem_shared>>) target(%dma_start3A_79 : memref<128x128xf32, #tpu.memory_space<hbm>>) target_semaphore(%run_scoped3A : memref<!tpu.dma_semaphore, #tpu.memory_space<semaphore_mem>>)
        %dma_wait3A = arith.constant 0 : i32
        %dma_wait3A_82 = tpu.memref_slice %arg6[%scan3A_7, %arg0, %add3A_43, %dma_wait3A] : memref<2x2x10240x128xf32, #tpu.memory_space<hbm>> -> memref<1x1x128x128xf32, #tpu.memory_space<hbm>>
        %dma_wait3A_83 = tpu.memref_squeeze %dma_wait3A_82 : memref<1x1x128x128xf32, #tpu.memory_space<hbm>> -> memref<128x128xf32, #tpu.memory_space<hbm>>
        %dma_wait3A_84 = arith.constant 0 : i32
        %dma_wait3A_85 = tpu.memref_slice %arg7[%add3A_39, %dma_wait3A_84] : memref<10240x128xf32, #tpu.memory_space<vmem_shared>> -> memref<128x128xf32, #tpu.memory_space<vmem_shared>>
        tpu.wait_dma2 semaphore(%run_scoped3A : memref<!tpu.dma_semaphore, #tpu.memory_space<semaphore_mem>>) src(%dma_wait3A_85 : memref<128x128xf32, #tpu.memory_space<vmem_shared>>) dst(%dma_wait3A_83 : memref<128x128xf32, #tpu.memory_space<hbm>>)
        tpu.yield
      }) : () -> ()
      %mul3A_44 = arith.constant 640 : i32
      %mul3A_45 = arith.muli %arg1, %mul3A_44 : i32
      %add3A_46 = arith.constant 128 : i32
      %add3A_47 = arith.addi %mul3A_45, %add3A_46 : i32
      %mul3A_48 = arith.constant 640 : i32
      %mul3A_49 = arith.muli %arg1, %mul3A_48 : i32
      %add3A_50 = arith.constant 128 : i32
      %add3A_51 = arith.addi %mul3A_49, %add3A_50 : i32
      "tpu.region"() ({
        %run_scoped3A = tpu.sem_alloc : memref<!tpu.dma_semaphore, #tpu.memory_space<semaphore_mem>>
        %dma_start3A = arith.constant 0 : i32
        %dma_start3A_78 = tpu.memref_slice %arg6[%scan3A_7, %arg0, %add3A_51, %dma_start3A] : memref<2x2x10240x128xf32, #tpu.memory_space<hbm>> -> memref<1x1x128x128xf32, #tpu.memory_space<hbm>>
        %dma_start3A_79 = tpu.memref_squeeze %dma_start3A_78 : memref<1x1x128x128xf32, #tpu.memory_space<hbm>> -> memref<128x128xf32, #tpu.memory_space<hbm>>
        %dma_start3A_80 = arith.constant 0 : i32
        %dma_start3A_81 = tpu.memref_slice %arg7[%add3A_47, %dma_start3A_80] : memref<10240x128xf32, #tpu.memory_space<vmem_shared>> -> memref<128x128xf32, #tpu.memory_space<vmem_shared>>
        tpu.enqueue_dma source(%dma_start3A_81 : memref<128x128xf32, #tpu.memory_space<vmem_shared>>) target(%dma_start3A_79 : memref<128x128xf32, #tpu.memory_space<hbm>>) target_semaphore(%run_scoped3A : memref<!tpu.dma_semaphore, #tpu.memory_space<semaphore_mem>>)
        %dma_wait3A = arith.constant 0 : i32
        %dma_wait3A_82 = tpu.memref_slice %arg6[%scan3A_7, %arg0, %add3A_51, %dma_wait3A] : memref<2x2x10240x128xf32, #tpu.memory_space<hbm>> -> memref<1x1x128x128xf32, #tpu.memory_space<hbm>>
        %dma_wait3A_83 = tpu.memref_squeeze %dma_wait3A_82 : memref<1x1x128x128xf32, #tpu.memory_space<hbm>> -> memref<128x128xf32, #tpu.memory_space<hbm>>
        %dma_wait3A_84 = arith.constant 0 : i32
        %dma_wait3A_85 = tpu.memref_slice %arg7[%add3A_47, %dma_wait3A_84] : memref<10240x128xf32, #tpu.memory_space<vmem_shared>> -> memref<128x128xf32, #tpu.memory_space<vmem_shared>>
        tpu.wait_dma2 semaphore(%run_scoped3A : memref<!tpu.dma_semaphore, #tpu.memory_space<semaphore_mem>>) src(%dma_wait3A_85 : memref<128x128xf32, #tpu.memory_space<vmem_shared>>) dst(%dma_wait3A_83 : memref<128x128xf32, #tpu.memory_space<hbm>>)
        tpu.yield
      }) : () -> ()
      %mul3A_52 = arith.constant 640 : i32
      %mul3A_53 = arith.muli %arg1, %mul3A_52 : i32
      %add3A_54 = arith.constant 256 : i32
      %add3A_55 = arith.addi %mul3A_53, %add3A_54 : i32
      %mul3A_56 = arith.constant 640 : i32
      %mul3A_57 = arith.muli %arg1, %mul3A_56 : i32
      %add3A_58 = arith.constant 256 : i32
      %add3A_59 = arith.addi %mul3A_57, %add3A_58 : i32
      "tpu.region"() ({
        %run_scoped3A = tpu.sem_alloc : memref<!tpu.dma_semaphore, #tpu.memory_space<semaphore_mem>>
        %dma_start3A = arith.constant 0 : i32
        %dma_start3A_78 = tpu.memref_slice %arg6[%scan3A_7, %arg0, %add3A_59, %dma_start3A] : memref<2x2x10240x128xf32, #tpu.memory_space<hbm>> -> memref<1x1x128x128xf32, #tpu.memory_space<hbm>>
        %dma_start3A_79 = tpu.memref_squeeze %dma_start3A_78 : memref<1x1x128x128xf32, #tpu.memory_space<hbm>> -> memref<128x128xf32, #tpu.memory_space<hbm>>
        %dma_start3A_80 = arith.constant 0 : i32
        %dma_start3A_81 = tpu.memref_slice %arg7[%add3A_55, %dma_start3A_80] : memref<10240x128xf32, #tpu.memory_space<vmem_shared>> -> memref<128x128xf32, #tpu.memory_space<vmem_shared>>
        tpu.enqueue_dma source(%dma_start3A_81 : memref<128x128xf32, #tpu.memory_space<vmem_shared>>) target(%dma_start3A_79 : memref<128x128xf32, #tpu.memory_space<hbm>>) target_semaphore(%run_scoped3A : memref<!tpu.dma_semaphore, #tpu.memory_space<semaphore_mem>>)
        %dma_wait3A = arith.constant 0 : i32
        %dma_wait3A_82 = tpu.memref_slice %arg6[%scan3A_7, %arg0, %add3A_59, %dma_wait3A] : memref<2x2x10240x128xf32, #tpu.memory_space<hbm>> -> memref<1x1x128x128xf32, #tpu.memory_space<hbm>>
        %dma_wait3A_83 = tpu.memref_squeeze %dma_wait3A_82 : memref<1x1x128x128xf32, #tpu.memory_space<hbm>> -> memref<128x128xf32, #tpu.memory_space<hbm>>
        %dma_wait3A_84 = arith.constant 0 : i32
        %dma_wait3A_85 = tpu.memref_slice %arg7[%add3A_55, %dma_wait3A_84] : memref<10240x128xf32, #tpu.memory_space<vmem_shared>> -> memref<128x128xf32, #tpu.memory_space<vmem_shared>>
        tpu.wait_dma2 semaphore(%run_scoped3A : memref<!tpu.dma_semaphore, #tpu.memory_space<semaphore_mem>>) src(%dma_wait3A_85 : memref<128x128xf32, #tpu.memory_space<vmem_shared>>) dst(%dma_wait3A_83 : memref<128x128xf32, #tpu.memory_space<hbm>>)
        tpu.yield
      }) : () -> ()
      %mul3A_60 = arith.constant 640 : i32
      %mul3A_61 = arith.muli %arg1, %mul3A_60 : i32
      %add3A_62 = arith.constant 384 : i32
      %add3A_63 = arith.addi %mul3A_61, %add3A_62 : i32
      %mul3A_64 = arith.constant 640 : i32
      %mul3A_65 = arith.muli %arg1, %mul3A_64 : i32
      %add3A_66 = arith.constant 384 : i32
      %add3A_67 = arith.addi %mul3A_65, %add3A_66 : i32
      "tpu.region"() ({
        %run_scoped3A = tpu.sem_alloc : memref<!tpu.dma_semaphore, #tpu.memory_space<semaphore_mem>>
        %dma_start3A = arith.constant 0 : i32
        %dma_start3A_78 = tpu.memref_slice %arg6[%scan3A_7, %arg0, %add3A_67, %dma_start3A] : memref<2x2x10240x128xf32, #tpu.memory_space<hbm>> -> memref<1x1x128x128xf32, #tpu.memory_space<hbm>>
        %dma_start3A_79 = tpu.memref_squeeze %dma_start3A_78 : memref<1x1x128x128xf32, #tpu.memory_space<hbm>> -> memref<128x128xf32, #tpu.memory_space<hbm>>
        %dma_start3A_80 = arith.constant 0 : i32
        %dma_start3A_81 = tpu.memref_slice %arg7[%add3A_63, %dma_start3A_80] : memref<10240x128xf32, #tpu.memory_space<vmem_shared>> -> memref<128x128xf32, #tpu.memory_space<vmem_shared>>
        tpu.enqueue_dma source(%dma_start3A_81 : memref<128x128xf32, #tpu.memory_space<vmem_shared>>) target(%dma_start3A_79 : memref<128x128xf32, #tpu.memory_space<hbm>>) target_semaphore(%run_scoped3A : memref<!tpu.dma_semaphore, #tpu.memory_space<semaphore_mem>>)
        %dma_wait3A = arith.constant 0 : i32
        %dma_wait3A_82 = tpu.memref_slice %arg6[%scan3A_7, %arg0, %add3A_67, %dma_wait3A] : memref<2x2x10240x128xf32, #tpu.memory_space<hbm>> -> memref<1x1x128x128xf32, #tpu.memory_space<hbm>>
        %dma_wait3A_83 = tpu.memref_squeeze %dma_wait3A_82 : memref<1x1x128x128xf32, #tpu.memory_space<hbm>> -> memref<128x128xf32, #tpu.memory_space<hbm>>
        %dma_wait3A_84 = arith.constant 0 : i32
        %dma_wait3A_85 = tpu.memref_slice %arg7[%add3A_63, %dma_wait3A_84] : memref<10240x128xf32, #tpu.memory_space<vmem_shared>> -> memref<128x128xf32, #tpu.memory_space<vmem_shared>>
        tpu.wait_dma2 semaphore(%run_scoped3A : memref<!tpu.dma_semaphore, #tpu.memory_space<semaphore_mem>>) src(%dma_wait3A_85 : memref<128x128xf32, #tpu.memory_space<vmem_shared>>) dst(%dma_wait3A_83 : memref<128x128xf32, #tpu.memory_space<hbm>>)
        tpu.yield
      }) : () -> ()
      %mul3A_68 = arith.constant 640 : i32
      %mul3A_69 = arith.muli %arg1, %mul3A_68 : i32
      %add3A_70 = arith.constant 512 : i32
      %add3A_71 = arith.addi %mul3A_69, %add3A_70 : i32
      %mul3A_72 = arith.constant 640 : i32
      %mul3A_73 = arith.muli %arg1, %mul3A_72 : i32
      %add3A_74 = arith.constant 512 : i32
      %add3A_75 = arith.addi %mul3A_73, %add3A_74 : i32
      "tpu.region"() ({
        %run_scoped3A = tpu.sem_alloc : memref<!tpu.dma_semaphore, #tpu.memory_space<semaphore_mem>>
        %dma_start3A = arith.constant 0 : i32
        %dma_start3A_78 = tpu.memref_slice %arg6[%scan3A_7, %arg0, %add3A_75, %dma_start3A] : memref<2x2x10240x128xf32, #tpu.memory_space<hbm>> -> memref<1x1x128x128xf32, #tpu.memory_space<hbm>>
        %dma_start3A_79 = tpu.memref_squeeze %dma_start3A_78 : memref<1x1x128x128xf32, #tpu.memory_space<hbm>> -> memref<128x128xf32, #tpu.memory_space<hbm>>
        %dma_start3A_80 = arith.constant 0 : i32
        %dma_start3A_81 = tpu.memref_slice %arg7[%add3A_71, %dma_start3A_80] : memref<10240x128xf32, #tpu.memory_space<vmem_shared>> -> memref<128x128xf32, #tpu.memory_space<vmem_shared>>
        tpu.enqueue_dma source(%dma_start3A_81 : memref<128x128xf32, #tpu.memory_space<vmem_shared>>) target(%dma_start3A_79 : memref<128x128xf32, #tpu.memory_space<hbm>>) target_semaphore(%run_scoped3A : memref<!tpu.dma_semaphore, #tpu.memory_space<semaphore_mem>>)
        %dma_wait3A = arith.constant 0 : i32
        %dma_wait3A_82 = tpu.memref_slice %arg6[%scan3A_7, %arg0, %add3A_75, %dma_wait3A] : memref<2x2x10240x128xf32, #tpu.memory_space<hbm>> -> memref<1x1x128x128xf32, #tpu.memory_space<hbm>>
        %dma_wait3A_83 = tpu.memref_squeeze %dma_wait3A_82 : memref<1x1x128x128xf32, #tpu.memory_space<hbm>> -> memref<128x128xf32, #tpu.memory_space<hbm>>
        %dma_wait3A_84 = arith.constant 0 : i32
        %dma_wait3A_85 = tpu.memref_slice %arg7[%add3A_71, %dma_wait3A_84] : memref<10240x128xf32, #tpu.memory_space<vmem_shared>> -> memref<128x128xf32, #tpu.memory_space<vmem_shared>>
        tpu.wait_dma2 semaphore(%run_scoped3A : memref<!tpu.dma_semaphore, #tpu.memory_space<semaphore_mem>>) src(%dma_wait3A_85 : memref<128x128xf32, #tpu.memory_space<vmem_shared>>) dst(%dma_wait3A_83 : memref<128x128xf32, #tpu.memory_space<hbm>>)
        tpu.yield
      }) : () -> ()
      %barrier3A_76 = arith.constant 0 : index
      tpu.barrier barrier_id(%barrier3A_76)
      %scan3A_77 = arith.constant 0 : i32
      scf.yield %scan3A_77 : i32
    }
    %scan3A_6 = arith.constant 2 : i32
    return
  }
}

#map = affine_map<(d0, d1) -> (0, 0, 0)>
#map1 = affine_map<(d0, d1) -> (0, 0)>
#map2 = affine_map<(d0, d1) -> (0)>
module attributes {stable_mosaic.version = 14 : i64} {
  func.func @_sc_stats_body(%arg0: i32, %arg1: i32, %arg2: memref<2x2560x128xi32, #tpu.memory_space<hbm>>, %arg3: memref<2x80x128xi32, #tpu.memory_space<hbm>>, %arg4: memref<2x4x128xi32, #tpu.memory_space<hbm>>, %arg5: memref<100000x128xf32, #tpu.memory_space<hbm>>, %arg6: memref<10240xf32, #tpu.memory_space<hbm>>, %arg7: memref<2x10240xf32, #tpu.memory_space<hbm>>, %arg8: memref<2x640xf32, #tpu.memory_space<hbm>>, %arg9: memref<2x512x128xf32, #tpu.memory_space<hbm>>, %arg10: memref<10240xf32, #tpu.memory_space<vmem_shared>>, %arg11: memref<640xf32, #tpu.memory_space<vmem_shared>>, %arg12: memref<1x128xi32, #tpu.memory_space<vmem>>, %arg13: memref<1x128xi32, #tpu.memory_space<vmem>>, %arg14: memref<128xf32, #tpu.memory_space<vmem>>, %arg15: memref<128x128xf32, #tpu.memory_space<vmem>>, %arg16: memref<128xi32, #tpu.memory_space<vmem>>, %arg17: memref<!tpu.dma_semaphore, #tpu.memory_space<semaphore_mem>>, %arg18: memref<!tpu.dma_semaphore, #tpu.memory_space<semaphore_mem>>) attributes {dimension_semantics = [#tpu.dimension_semantics<core_parallel>, #tpu.dimension_semantics<subcore_parallel>], iteration_bounds = array<i64: 2, 16>, scalar_prefetch = 0 : i64, scratch_operands = 9 : i64, tpu.core_type = #tpu.core_type<sc_vector_subcore>, window_params = [{transform_indices = #map}, {transform_indices = #map}, {transform_indices = #map}, {transform_indices = #map1}, {transform_indices = #map2}, {transform_indices = #map1}, {transform_indices = #map1}, {transform_indices = #map}]} {
    %broadcast_in_dim3A = arith.constant 1.000000e+00 : f32
    %broadcast_in_dim3A_0 = vector.broadcast %broadcast_in_dim3A : f32 to vector<16xf32>
    %swap3A = arith.constant 0 : index
    %swap3A_1 = tpu.vector_load %arg14[%swap3A] {strides = array<i32>} : memref<128xf32, #tpu.memory_space<vmem>>, vector<16xf32>,
    %swap3A_2 = vector.shape_cast %swap3A_1 : vector<16xf32> to vector<16xf32>
    %swap3A_3 = vector.shape_cast %broadcast_in_dim3A_0 : vector<16xf32> to vector<16xf32>
    tpu.vector_store %arg14[%swap3A], %swap3A_3 {strides = array<i32>} : memref<128xf32, #tpu.memory_space<vmem>>, vector<16xf32>,
    %broadcast_in_dim3A_4 = arith.constant 1.000000e+00 : f32
    %broadcast_in_dim3A_5 = vector.broadcast %broadcast_in_dim3A_4 : f32 to vector<16xf32>
    %swap3A_6 = arith.constant 16 : index
    %swap3A_7 = tpu.vector_load %arg14[%swap3A_6] {strides = array<i32>} : memref<128xf32, #tpu.memory_space<vmem>>, vector<16xf32>,
    %swap3A_8 = vector.shape_cast %swap3A_7 : vector<16xf32> to vector<16xf32>
    %swap3A_9 = vector.shape_cast %broadcast_in_dim3A_5 : vector<16xf32> to vector<16xf32>
    tpu.vector_store %arg14[%swap3A_6], %swap3A_9 {strides = array<i32>} : memref<128xf32, #tpu.memory_space<vmem>>, vector<16xf32>,
    %broadcast_in_dim3A_10 = arith.constant 1.000000e+00 : f32
    %broadcast_in_dim3A_11 = vector.broadcast %broadcast_in_dim3A_10 : f32 to vector<16xf32>
    %swap3A_12 = arith.constant 32 : index
    %swap3A_13 = tpu.vector_load %arg14[%swap3A_12] {strides = array<i32>} : memref<128xf32, #tpu.memory_space<vmem>>, vector<16xf32>,
    %swap3A_14 = vector.shape_cast %swap3A_13 : vector<16xf32> to vector<16xf32>
    %swap3A_15 = vector.shape_cast %broadcast_in_dim3A_11 : vector<16xf32> to vector<16xf32>
    tpu.vector_store %arg14[%swap3A_12], %swap3A_15 {strides = array<i32>} : memref<128xf32, #tpu.memory_space<vmem>>, vector<16xf32>,
    %broadcast_in_dim3A_16 = arith.constant 1.000000e+00 : f32
    %broadcast_in_dim3A_17 = vector.broadcast %broadcast_in_dim3A_16 : f32 to vector<16xf32>
    %swap3A_18 = arith.constant 48 : index
    %swap3A_19 = tpu.vector_load %arg14[%swap3A_18] {strides = array<i32>} : memref<128xf32, #tpu.memory_space<vmem>>, vector<16xf32>,
    %swap3A_20 = vector.shape_cast %swap3A_19 : vector<16xf32> to vector<16xf32>
    %swap3A_21 = vector.shape_cast %broadcast_in_dim3A_17 : vector<16xf32> to vector<16xf32>
    tpu.vector_store %arg14[%swap3A_18], %swap3A_21 {strides = array<i32>} : memref<128xf32, #tpu.memory_space<vmem>>, vector<16xf32>,
    %broadcast_in_dim3A_22 = arith.constant 1.000000e+00 : f32
    %broadcast_in_dim3A_23 = vector.broadcast %broadcast_in_dim3A_22 : f32 to vector<16xf32>
    %swap3A_24 = arith.constant 64 : index
    %swap3A_25 = tpu.vector_load %arg14[%swap3A_24] {strides = array<i32>} : memref<128xf32, #tpu.memory_space<vmem>>, vector<16xf32>,
    %swap3A_26 = vector.shape_cast %swap3A_25 : vector<16xf32> to vector<16xf32>
    %swap3A_27 = vector.shape_cast %broadcast_in_dim3A_23 : vector<16xf32> to vector<16xf32>
    tpu.vector_store %arg14[%swap3A_24], %swap3A_27 {strides = array<i32>} : memref<128xf32, #tpu.memory_space<vmem>>, vector<16xf32>,
    %broadcast_in_dim3A_28 = arith.constant 1.000000e+00 : f32
    %broadcast_in_dim3A_29 = vector.broadcast %broadcast_in_dim3A_28 : f32 to vector<16xf32>
    %swap3A_30 = arith.constant 80 : index
    %swap3A_31 = tpu.vector_load %arg14[%swap3A_30] {strides = array<i32>} : memref<128xf32, #tpu.memory_space<vmem>>, vector<16xf32>,
    %swap3A_32 = vector.shape_cast %swap3A_31 : vector<16xf32> to vector<16xf32>
    %swap3A_33 = vector.shape_cast %broadcast_in_dim3A_29 : vector<16xf32> to vector<16xf32>
    tpu.vector_store %arg14[%swap3A_30], %swap3A_33 {strides = array<i32>} : memref<128xf32, #tpu.memory_space<vmem>>, vector<16xf32>,
    %broadcast_in_dim3A_34 = arith.constant 1.000000e+00 : f32
    %broadcast_in_dim3A_35 = vector.broadcast %broadcast_in_dim3A_34 : f32 to vector<16xf32>
    %swap3A_36 = arith.constant 96 : index
    %swap3A_37 = tpu.vector_load %arg14[%swap3A_36] {strides = array<i32>} : memref<128xf32, #tpu.memory_space<vmem>>, vector<16xf32>,
    %swap3A_38 = vector.shape_cast %swap3A_37 : vector<16xf32> to vector<16xf32>
    %swap3A_39 = vector.shape_cast %broadcast_in_dim3A_35 : vector<16xf32> to vector<16xf32>
    tpu.vector_store %arg14[%swap3A_36], %swap3A_39 {strides = array<i32>} : memref<128xf32, #tpu.memory_space<vmem>>, vector<16xf32>,
    %broadcast_in_dim3A_40 = arith.constant 1.000000e+00 : f32
    %broadcast_in_dim3A_41 = vector.broadcast %broadcast_in_dim3A_40 : f32 to vector<16xf32>
    %swap3A_42 = arith.constant 112 : index
    %swap3A_43 = tpu.vector_load %arg14[%swap3A_42] {strides = array<i32>} : memref<128xf32, #tpu.memory_space<vmem>>, vector<16xf32>,
    %swap3A_44 = vector.shape_cast %swap3A_43 : vector<16xf32> to vector<16xf32>
    %swap3A_45 = vector.shape_cast %broadcast_in_dim3A_41 : vector<16xf32> to vector<16xf32>
    tpu.vector_store %arg14[%swap3A_42], %swap3A_45 {strides = array<i32>} : memref<128xf32, #tpu.memory_space<vmem>>, vector<16xf32>,
    %eq3A = arith.constant 0 : i32
    %eq3A_46 = arith.cmpi eq, %arg1, %eq3A : i32
    %convert_element_type3A = arith.extui %eq3A_46 : i1 to i32
    %cond3A = arith.constant 0 : i32
    %cond3A_47 = arith.cmpi ne, %convert_element_type3A, %cond3A : i32
    scf.if %cond3A_47 {
      "tpu.region"() ({
        %run_scoped3A_104 = tpu.sem_alloc : memref<!tpu.dma_semaphore, #tpu.memory_space<semaphore_mem>>
        tpu.enqueue_dma source(%arg6 : memref<10240xf32, #tpu.memory_space<hbm>>) target(%arg10 : memref<10240xf32, #tpu.memory_space<vmem_shared>>) target_semaphore(%run_scoped3A_104 : memref<!tpu.dma_semaphore, #tpu.memory_space<semaphore_mem>>)
        tpu.wait_dma2 semaphore(%run_scoped3A_104 : memref<!tpu.dma_semaphore, #tpu.memory_space<semaphore_mem>>) src(%arg6 : memref<10240xf32, #tpu.memory_space<hbm>>) dst(%arg10 : memref<10240xf32, #tpu.memory_space<vmem_shared>>)
        tpu.yield
      }) : () -> ()
    } else {
    }
    %eq3A_48 = arith.constant 1 : i32
    %eq3A_49 = arith.cmpi eq, %arg1, %eq3A_48 : i32
    %convert_element_type3A_50 = arith.extui %eq3A_49 : i1 to i32
    %cond3A_51 = arith.constant 0 : i32
    %cond3A_52 = arith.cmpi ne, %convert_element_type3A_50, %cond3A_51 : i32
    scf.if %cond3A_52 {
      "tpu.region"() ({
        %run_scoped3A_104 = tpu.sem_alloc : memref<!tpu.dma_semaphore, #tpu.memory_space<semaphore_mem>>
        %dma_start3A = arith.constant 0 : i32
        %dma_start3A_105 = tpu.memref_slice %arg6[%dma_start3A] : memref<10240xf32, #tpu.memory_space<hbm>> -> memref<640xf32, #tpu.memory_space<hbm>>
        tpu.enqueue_dma source(%dma_start3A_105 : memref<640xf32, #tpu.memory_space<hbm>>) target(%arg11 : memref<640xf32, #tpu.memory_space<vmem_shared>>) target_semaphore(%run_scoped3A_104 : memref<!tpu.dma_semaphore, #tpu.memory_space<semaphore_mem>>)
        %dma_wait3A = arith.constant 0 : i32
        %dma_wait3A_106 = tpu.memref_slice %arg6[%dma_wait3A] : memref<10240xf32, #tpu.memory_space<hbm>> -> memref<640xf32, #tpu.memory_space<hbm>>
        tpu.wait_dma2 semaphore(%run_scoped3A_104 : memref<!tpu.dma_semaphore, #tpu.memory_space<semaphore_mem>>) src(%dma_wait3A_106 : memref<640xf32, #tpu.memory_space<hbm>>) dst(%arg11 : memref<640xf32, #tpu.memory_space<vmem_shared>>)
        tpu.yield
      }) : () -> ()
    } else {
    }
    %barrier3A = arith.constant 0 : index
    tpu.barrier barrier_id(%barrier3A)
    %run_scoped3A = arith.constant 0 : i32
    "tpu.region"() ({
      %run_scoped3A_104 = tpu.sem_alloc : memref<!tpu.dma_semaphore, #tpu.memory_space<semaphore_mem>>
      %dma_start3A = arith.constant 0 : i32
      %dma_start3A_105 = tpu.memref_slice %arg12[%run_scoped3A, %dma_start3A] : memref<1x128xi32, #tpu.memory_space<vmem>> -> memref<1x128xi32, #tpu.memory_space<vmem>>
      %dma_start3A_106 = tpu.memref_squeeze %dma_start3A_105 : memref<1x128xi32, #tpu.memory_space<vmem>> -> memref<128xi32, #tpu.memory_space<vmem>>
      %dma_start3A_107 = arith.constant 0 : i32
      %dma_start3A_108 = tpu.memref_slice %arg2[%arg0, %arg1, %dma_start3A_107] : memref<2x2560x128xi32, #tpu.memory_space<hbm>> -> memref<1x1x128xi32, #tpu.memory_space<hbm>>
      %dma_start3A_109 = tpu.memref_squeeze %dma_start3A_108 : memref<1x1x128xi32, #tpu.memory_space<hbm>> -> memref<128xi32, #tpu.memory_space<hbm>>
      %dma_start3A_110 = arith.constant 0 : i32
      %dma_start3A_111 = tpu.memref_slice %arg12[%run_scoped3A, %dma_start3A_110] : memref<1x128xi32, #tpu.memory_space<vmem>> -> memref<1x128xi32, #tpu.memory_space<vmem>>
      %dma_start3A_112 = tpu.memref_squeeze %dma_start3A_111 : memref<1x128xi32, #tpu.memory_space<vmem>> -> memref<128xi32, #tpu.memory_space<vmem>>
      %dma_start3A_113 = arith.constant 0 : i32
      %dma_start3A_114 = tpu.memref_slice %arg2[%arg0, %arg1, %dma_start3A_113] : memref<2x2560x128xi32, #tpu.memory_space<hbm>> -> memref<1x1x128xi32, #tpu.memory_space<hbm>>
      %dma_start3A_115 = tpu.memref_squeeze %dma_start3A_114 : memref<1x1x128xi32, #tpu.memory_space<hbm>> -> memref<128xi32, #tpu.memory_space<hbm>>
      tpu.enqueue_dma source(%dma_start3A_115 : memref<128xi32, #tpu.memory_space<hbm>>) target(%dma_start3A_112 : memref<128xi32, #tpu.memory_space<vmem>>) target_semaphore(%run_scoped3A_104 : memref<!tpu.dma_semaphore, #tpu.memory_space<semaphore_mem>>)
      %dma_wait3A = arith.constant 0 : i32
      %dma_wait3A_116 = tpu.memref_slice %arg12[%run_scoped3A, %dma_wait3A] : memref<1x128xi32, #tpu.memory_space<vmem>> -> memref<1x128xi32, #tpu.memory_space<vmem>>
      %dma_wait3A_117 = tpu.memref_squeeze %dma_wait3A_116 : memref<1x128xi32, #tpu.memory_space<vmem>> -> memref<128xi32, #tpu.memory_space<vmem>>
      %dma_wait3A_118 = arith.constant 0 : i32
      %dma_wait3A_119 = tpu.memref_slice %arg2[%arg0, %arg1, %dma_wait3A_118] : memref<2x2560x128xi32, #tpu.memory_space<hbm>> -> memref<1x1x128xi32, #tpu.memory_space<hbm>>
      %dma_wait3A_120 = tpu.memref_squeeze %dma_wait3A_119 : memref<1x1x128xi32, #tpu.memory_space<hbm>> -> memref<128xi32, #tpu.memory_space<hbm>>
      %dma_wait3A_121 = arith.constant 0 : i32
      %dma_wait3A_122 = tpu.memref_slice %arg12[%run_scoped3A, %dma_wait3A_121] : memref<1x128xi32, #tpu.memory_space<vmem>> -> memref<1x128xi32, #tpu.memory_space<vmem>>
      %dma_wait3A_123 = tpu.memref_squeeze %dma_wait3A_122 : memref<1x128xi32, #tpu.memory_space<vmem>> -> memref<128xi32, #tpu.memory_space<vmem>>
      %dma_wait3A_124 = arith.constant 0 : i32
      %dma_wait3A_125 = tpu.memref_slice %arg2[%arg0, %arg1, %dma_wait3A_124] : memref<2x2560x128xi32, #tpu.memory_space<hbm>> -> memref<1x1x128xi32, #tpu.memory_space<hbm>>
      %dma_wait3A_126 = tpu.memref_squeeze %dma_wait3A_125 : memref<1x1x128xi32, #tpu.memory_space<hbm>> -> memref<128xi32, #tpu.memory_space<hbm>>
      tpu.wait_dma2 semaphore(%run_scoped3A_104 : memref<!tpu.dma_semaphore, #tpu.memory_space<semaphore_mem>>) src(%dma_wait3A_126 : memref<128xi32, #tpu.memory_space<hbm>>) dst(%dma_wait3A_123 : memref<128xi32, #tpu.memory_space<vmem>>)
      tpu.yield
    }) : () -> ()
    %scan3A = arith.constant 0 : i32
    %scan3A_53 = arith.constant 0 : i32
    %scan3A_54 = arith.constant 80 : i32
    %scan3A_55 = arith.addi %scan3A_53, %scan3A_54 : i32
    %scan3A_56 = arith.constant 1 : i32
    %scan3A_57 = scf.for %scan3A_104 = %scan3A_53 to %scan3A_55 step %scan3A_56 iter_args(%scan3A_105 = %scan3A) -> (i32)  : i32 {
      %mul3A_106 = arith.constant 2 : i32
      %mul3A_107 = arith.muli %mul3A_106, %scan3A_104 : i32
      %add3A_108 = arith.constant 0 : i32
      %add3A_109 = arith.addi %mul3A_107, %add3A_108 : i32
      %add3A_110 = arith.constant 1 : i32
      %add3A_111 = arith.addi %add3A_109, %add3A_110 : i32
      %lt3A_112 = arith.constant 160 : i32
      %lt3A_113 = arith.cmpi slt, %add3A_111, %lt3A_112 : i32
      %convert_element_type3A_114 = arith.extui %lt3A_113 : i1 to i32
      %cond3A_115 = arith.constant 0 : i32
      %cond3A_116 = arith.cmpi ne, %convert_element_type3A_114, %cond3A_115 : i32
      scf.if %cond3A_116 {
        %add3A_145 = arith.constant 1 : i32
        %add3A_146 = arith.addi %add3A_109, %add3A_145 : i32
        %mul3A_147 = arith.constant 16 : i32
        %mul3A_148 = arith.muli %mul3A_147, %add3A_146 : i32
        %add3A_149 = arith.addi %arg1, %mul3A_148 : i32
        %dma_start3A = arith.constant 0 : i32
        %dma_start3A_150 = arith.constant 0 : i32
        %dma_start3A_151 = tpu.memref_slice %arg13[%dma_start3A, %dma_start3A_150] : memref<1x128xi32, #tpu.memory_space<vmem>> -> memref<1x128xi32, #tpu.memory_space<vmem>>
        %dma_start3A_152 = tpu.memref_squeeze %dma_start3A_151 : memref<1x128xi32, #tpu.memory_space<vmem>> -> memref<128xi32, #tpu.memory_space<vmem>>
        %dma_start3A_153 = arith.constant 0 : i32
        %dma_start3A_154 = tpu.memref_slice %arg2[%arg0, %add3A_149, %dma_start3A_153] : memref<2x2560x128xi32, #tpu.memory_space<hbm>> -> memref<1x1x128xi32, #tpu.memory_space<hbm>>
        %dma_start3A_155 = tpu.memref_squeeze %dma_start3A_154 : memref<1x1x128xi32, #tpu.memory_space<hbm>> -> memref<128xi32, #tpu.memory_space<hbm>>
        %dma_start3A_156 = arith.constant 0 : i32
        %dma_start3A_157 = tpu.memref_slice %arg13[%dma_start3A, %dma_start3A_156] : memref<1x128xi32, #tpu.memory_space<vmem>> -> memref<1x128xi32, #tpu.memory_space<vmem>>
        %dma_start3A_158 = tpu.memref_squeeze %dma_start3A_157 : memref<1x128xi32, #tpu.memory_space<vmem>> -> memref<128xi32, #tpu.memory_space<vmem>>
        %dma_start3A_159 = arith.constant 0 : i32
        %dma_start3A_160 = tpu.memref_slice %arg2[%arg0, %add3A_149, %dma_start3A_159] : memref<2x2560x128xi32, #tpu.memory_space<hbm>> -> memref<1x1x128xi32, #tpu.memory_space<hbm>>
        %dma_start3A_161 = tpu.memref_squeeze %dma_start3A_160 : memref<1x1x128xi32, #tpu.memory_space<hbm>> -> memref<128xi32, #tpu.memory_space<hbm>>
        tpu.enqueue_dma source(%dma_start3A_161 : memref<128xi32, #tpu.memory_space<hbm>>) target(%dma_start3A_158 : memref<128xi32, #tpu.memory_space<vmem>>) target_semaphore(%arg18 : memref<!tpu.dma_semaphore, #tpu.memory_space<semaphore_mem>>)
      } else {
      }
      %run_scoped3A_117 = arith.constant 0 : i32
      "tpu.region"() ({
        %run_scoped3A_145 = tpu.sem_alloc : memref<!tpu.dma_semaphore, #tpu.memory_space<semaphore_mem>>
        %dma_start3A = arith.constant 0 : i32
        %dma_start3A_146 = tpu.memref_slice %arg12[%run_scoped3A_117, %dma_start3A] : memref<1x128xi32, #tpu.memory_space<vmem>> -> memref<1x128xi32, #tpu.memory_space<vmem>>
        %dma_start3A_147 = tpu.memref_squeeze %dma_start3A_146 : memref<1x128xi32, #tpu.memory_space<vmem>> -> memref<128xi32, #tpu.memory_space<vmem>>
        %dma_start3A_148 = arith.constant 0 : i32
        %dma_start3A_149 = tpu.memref_slice %arg10[%dma_start3A_148] : memref<10240xf32, #tpu.memory_space<vmem_shared>> -> memref<10240xf32, #tpu.memory_space<vmem_shared>>
        tpu.enqueue_indirect_dma source(%arg14 : memref<128xf32, #tpu.memory_space<vmem>>) target(%dma_start3A_149 : memref<10240xf32, #tpu.memory_space<vmem_shared>>) offsets(%dma_start3A_147 : memref<128xi32, #tpu.memory_space<vmem>>) semaphore(%run_scoped3A_145 : memref<!tpu.dma_semaphore, #tpu.memory_space<semaphore_mem>>) {add = true}
        %dma_wait3A = arith.constant 0 : i32
        %dma_wait3A_150 = tpu.memref_slice %arg12[%run_scoped3A_117, %dma_wait3A] : memref<1x128xi32, #tpu.memory_space<vmem>> -> memref<1x128xi32, #tpu.memory_space<vmem>>
        %dma_wait3A_151 = tpu.memref_squeeze %dma_wait3A_150 : memref<1x128xi32, #tpu.memory_space<vmem>> -> memref<128xi32, #tpu.memory_space<vmem>>
        %dma_wait3A_152 = arith.constant 0 : i32
        %dma_wait3A_153 = tpu.memref_slice %arg10[%dma_wait3A_152] : memref<10240xf32, #tpu.memory_space<vmem_shared>> -> memref<10240xf32, #tpu.memory_space<vmem_shared>>
        tpu.wait_indirect_dma semaphore(%run_scoped3A_145 : memref<!tpu.dma_semaphore, #tpu.memory_space<semaphore_mem>>) src(%arg14 : memref<128xf32, #tpu.memory_space<vmem>>) dst(%dma_wait3A_153 : memref<10240xf32, #tpu.memory_space<vmem_shared>>)
        tpu.yield
      }) : () -> ()
      %add3A_118 = arith.constant 1 : i32
      %add3A_119 = arith.addi %add3A_109, %add3A_118 : i32
      %lt3A_120 = arith.constant 160 : i32
      %lt3A_121 = arith.cmpi slt, %add3A_119, %lt3A_120 : i32
      %convert_element_type3A_122 = arith.extui %lt3A_121 : i1 to i32
      %cond3A_123 = arith.constant 0 : i32
      %cond3A_124 = arith.cmpi ne, %convert_element_type3A_122, %cond3A_123 : i32
      scf.if %cond3A_124 {
        %add3A_145 = arith.constant 1 : i32
        %add3A_146 = arith.addi %add3A_109, %add3A_145 : i32
        %mul3A_147 = arith.constant 16 : i32
        %mul3A_148 = arith.muli %mul3A_147, %add3A_146 : i32
        %add3A_149 = arith.addi %arg1, %mul3A_148 : i32
        %dma_wait3A = arith.constant 0 : i32
        %dma_wait3A_150 = arith.constant 0 : i32
        %dma_wait3A_151 = tpu.memref_slice %arg13[%dma_wait3A, %dma_wait3A_150] : memref<1x128xi32, #tpu.memory_space<vmem>> -> memref<1x128xi32, #tpu.memory_space<vmem>>
        %dma_wait3A_152 = tpu.memref_squeeze %dma_wait3A_151 : memref<1x128xi32, #tpu.memory_space<vmem>> -> memref<128xi32, #tpu.memory_space<vmem>>
        %dma_wait3A_153 = arith.constant 0 : i32
        %dma_wait3A_154 = tpu.memref_slice %arg2[%arg0, %add3A_149, %dma_wait3A_153] : memref<2x2560x128xi32, #tpu.memory_space<hbm>> -> memref<1x1x128xi32, #tpu.memory_space<hbm>>
        %dma_wait3A_155 = tpu.memref_squeeze %dma_wait3A_154 : memref<1x1x128xi32, #tpu.memory_space<hbm>> -> memref<128xi32, #tpu.memory_space<hbm>>
        %dma_wait3A_156 = arith.constant 0 : i32
        %dma_wait3A_157 = tpu.memref_slice %arg13[%dma_wait3A, %dma_wait3A_156] : memref<1x128xi32, #tpu.memory_space<vmem>> -> memref<1x128xi32, #tpu.memory_space<vmem>>
        %dma_wait3A_158 = tpu.memref_squeeze %dma_wait3A_157 : memref<1x128xi32, #tpu.memory_space<vmem>> -> memref<128xi32, #tpu.memory_space<vmem>>
        %dma_wait3A_159 = arith.constant 0 : i32
        %dma_wait3A_160 = tpu.memref_slice %arg2[%arg0, %add3A_149, %dma_wait3A_159] : memref<2x2560x128xi32, #tpu.memory_space<hbm>> -> memref<1x1x128xi32, #tpu.memory_space<hbm>>
        %dma_wait3A_161 = tpu.memref_squeeze %dma_wait3A_160 : memref<1x1x128xi32, #tpu.memory_space<hbm>> -> memref<128xi32, #tpu.memory_space<hbm>>
        tpu.wait_dma2 semaphore(%arg18 : memref<!tpu.dma_semaphore, #tpu.memory_space<semaphore_mem>>) src(%dma_wait3A_161 : memref<128xi32, #tpu.memory_space<hbm>>) dst(%dma_wait3A_158 : memref<128xi32, #tpu.memory_space<vmem>>)
      } else {
      }
      %mul3A_125 = arith.constant 2 : i32
      %mul3A_126 = arith.muli %mul3A_125, %scan3A_104 : i32
      %add3A_127 = arith.constant 1 : i32
      %add3A_128 = arith.addi %mul3A_126, %add3A_127 : i32
      %add3A_129 = arith.constant 1 : i32
      %add3A_130 = arith.addi %add3A_128, %add3A_129 : i32
      %lt3A_131 = arith.constant 160 : i32
      %lt3A_132 = arith.cmpi slt, %add3A_130, %lt3A_131 : i32
      %convert_element_type3A_133 = arith.extui %lt3A_132 : i1 to i32
      %cond3A_134 = arith.constant 0 : i32
      %cond3A_135 = arith.cmpi ne, %convert_element_type3A_133, %cond3A_134 : i32
      scf.if %cond3A_135 {
        %add3A_145 = arith.constant 1 : i32
        %add3A_146 = arith.addi %add3A_128, %add3A_145 : i32
        %mul3A_147 = arith.constant 16 : i32
        %mul3A_148 = arith.muli %mul3A_147, %add3A_146 : i32
        %add3A_149 = arith.addi %arg1, %mul3A_148 : i32
        %dma_start3A = arith.constant 0 : i32
        %dma_start3A_150 = arith.constant 0 : i32
        %dma_start3A_151 = tpu.memref_slice %arg12[%dma_start3A, %dma_start3A_150] : memref<1x128xi32, #tpu.memory_space<vmem>> -> memref<1x128xi32, #tpu.memory_space<vmem>>
        %dma_start3A_152 = tpu.memref_squeeze %dma_start3A_151 : memref<1x128xi32, #tpu.memory_space<vmem>> -> memref<128xi32, #tpu.memory_space<vmem>>
        %dma_start3A_153 = arith.constant 0 : i32
        %dma_start3A_154 = tpu.memref_slice %arg2[%arg0, %add3A_149, %dma_start3A_153] : memref<2x2560x128xi32, #tpu.memory_space<hbm>> -> memref<1x1x128xi32, #tpu.memory_space<hbm>>
        %dma_start3A_155 = tpu.memref_squeeze %dma_start3A_154 : memref<1x1x128xi32, #tpu.memory_space<hbm>> -> memref<128xi32, #tpu.memory_space<hbm>>
        %dma_start3A_156 = arith.constant 0 : i32
        %dma_start3A_157 = tpu.memref_slice %arg12[%dma_start3A, %dma_start3A_156] : memref<1x128xi32, #tpu.memory_space<vmem>> -> memref<1x128xi32, #tpu.memory_space<vmem>>
        %dma_start3A_158 = tpu.memref_squeeze %dma_start3A_157 : memref<1x128xi32, #tpu.memory_space<vmem>> -> memref<128xi32, #tpu.memory_space<vmem>>
        %dma_start3A_159 = arith.constant 0 : i32
        %dma_start3A_160 = tpu.memref_slice %arg2[%arg0, %add3A_149, %dma_start3A_159] : memref<2x2560x128xi32, #tpu.memory_space<hbm>> -> memref<1x1x128xi32, #tpu.memory_space<hbm>>
        %dma_start3A_161 = tpu.memref_squeeze %dma_start3A_160 : memref<1x1x128xi32, #tpu.memory_space<hbm>> -> memref<128xi32, #tpu.memory_space<hbm>>
        tpu.enqueue_dma source(%dma_start3A_161 : memref<128xi32, #tpu.memory_space<hbm>>) target(%dma_start3A_158 : memref<128xi32, #tpu.memory_space<vmem>>) target_semaphore(%arg17 : memref<!tpu.dma_semaphore, #tpu.memory_space<semaphore_mem>>)
      } else {
      }
      %run_scoped3A_136 = arith.constant 0 : i32
      "tpu.region"() ({
        %run_scoped3A_145 = tpu.sem_alloc : memref<!tpu.dma_semaphore, #tpu.memory_space<semaphore_mem>>
        %dma_start3A = arith.constant 0 : i32
        %dma_start3A_146 = tpu.memref_slice %arg13[%run_scoped3A_136, %dma_start3A] : memref<1x128xi32, #tpu.memory_space<vmem>> -> memref<1x128xi32, #tpu.memory_space<vmem>>
        %dma_start3A_147 = tpu.memref_squeeze %dma_start3A_146 : memref<1x128xi32, #tpu.memory_space<vmem>> -> memref<128xi32, #tpu.memory_space<vmem>>
        %dma_start3A_148 = arith.constant 0 : i32
        %dma_start3A_149 = tpu.memref_slice %arg10[%dma_start3A_148] : memref<10240xf32, #tpu.memory_space<vmem_shared>> -> memref<10240xf32, #tpu.memory_space<vmem_shared>>
        tpu.enqueue_indirect_dma source(%arg14 : memref<128xf32, #tpu.memory_space<vmem>>) target(%dma_start3A_149 : memref<10240xf32, #tpu.memory_space<vmem_shared>>) offsets(%dma_start3A_147 : memref<128xi32, #tpu.memory_space<vmem>>) semaphore(%run_scoped3A_145 : memref<!tpu.dma_semaphore, #tpu.memory_space<semaphore_mem>>) {add = true}
        %dma_wait3A = arith.constant 0 : i32
        %dma_wait3A_150 = tpu.memref_slice %arg13[%run_scoped3A_136, %dma_wait3A] : memref<1x128xi32, #tpu.memory_space<vmem>> -> memref<1x128xi32, #tpu.memory_space<vmem>>
        %dma_wait3A_151 = tpu.memref_squeeze %dma_wait3A_150 : memref<1x128xi32, #tpu.memory_space<vmem>> -> memref<128xi32, #tpu.memory_space<vmem>>
        %dma_wait3A_152 = arith.constant 0 : i32
        %dma_wait3A_153 = tpu.memref_slice %arg10[%dma_wait3A_152] : memref<10240xf32, #tpu.memory_space<vmem_shared>> -> memref<10240xf32, #tpu.memory_space<vmem_shared>>
        tpu.wait_indirect_dma semaphore(%run_scoped3A_145 : memref<!tpu.dma_semaphore, #tpu.memory_space<semaphore_mem>>) src(%arg14 : memref<128xf32, #tpu.memory_space<vmem>>) dst(%dma_wait3A_153 : memref<10240xf32, #tpu.memory_space<vmem_shared>>)
        tpu.yield
      }) : () -> ()
      %add3A_137 = arith.constant 1 : i32
      %add3A_138 = arith.addi %add3A_128, %add3A_137 : i32
      %lt3A_139 = arith.constant 160 : i32
      %lt3A_140 = arith.cmpi slt, %add3A_138, %lt3A_139 : i32
      %convert_element_type3A_141 = arith.extui %lt3A_140 : i1 to i32
      %cond3A_142 = arith.constant 0 : i32
      %cond3A_143 = arith.cmpi ne, %convert_element_type3A_141, %cond3A_142 : i32
      scf.if %cond3A_143 {
        %add3A_145 = arith.constant 1 : i32
        %add3A_146 = arith.addi %add3A_128, %add3A_145 : i32
        %mul3A_147 = arith.constant 16 : i32
        %mul3A_148 = arith.muli %mul3A_147, %add3A_146 : i32
        %add3A_149 = arith.addi %arg1, %mul3A_148 : i32
        %dma_wait3A = arith.constant 0 : i32
        %dma_wait3A_150 = arith.constant 0 : i32
        %dma_wait3A_151 = tpu.memref_slice %arg12[%dma_wait3A, %dma_wait3A_150] : memref<1x128xi32, #tpu.memory_space<vmem>> -> memref<1x128xi32, #tpu.memory_space<vmem>>
        %dma_wait3A_152 = tpu.memref_squeeze %dma_wait3A_151 : memref<1x128xi32, #tpu.memory_space<vmem>> -> memref<128xi32, #tpu.memory_space<vmem>>
        %dma_wait3A_153 = arith.constant 0 : i32
        %dma_wait3A_154 = tpu.memref_slice %arg2[%arg0, %add3A_149, %dma_wait3A_153] : memref<2x2560x128xi32, #tpu.memory_space<hbm>> -> memref<1x1x128xi32, #tpu.memory_space<hbm>>
        %dma_wait3A_155 = tpu.memref_squeeze %dma_wait3A_154 : memref<1x1x128xi32, #tpu.memory_space<hbm>> -> memref<128xi32, #tpu.memory_space<hbm>>
        %dma_wait3A_156 = arith.constant 0 : i32
        %dma_wait3A_157 = tpu.memref_slice %arg12[%dma_wait3A, %dma_wait3A_156] : memref<1x128xi32, #tpu.memory_space<vmem>> -> memref<1x128xi32, #tpu.memory_space<vmem>>
        %dma_wait3A_158 = tpu.memref_squeeze %dma_wait3A_157 : memref<1x128xi32, #tpu.memory_space<vmem>> -> memref<128xi32, #tpu.memory_space<vmem>>
        %dma_wait3A_159 = arith.constant 0 : i32
        %dma_wait3A_160 = tpu.memref_slice %arg2[%arg0, %add3A_149, %dma_wait3A_159] : memref<2x2560x128xi32, #tpu.memory_space<hbm>> -> memref<1x1x128xi32, #tpu.memory_space<hbm>>
        %dma_wait3A_161 = tpu.memref_squeeze %dma_wait3A_160 : memref<1x1x128xi32, #tpu.memory_space<hbm>> -> memref<128xi32, #tpu.memory_space<hbm>>
        tpu.wait_dma2 semaphore(%arg17 : memref<!tpu.dma_semaphore, #tpu.memory_space<semaphore_mem>>) src(%dma_wait3A_161 : memref<128xi32, #tpu.memory_space<hbm>>) dst(%dma_wait3A_158 : memref<128xi32, #tpu.memory_space<vmem>>)
      } else {
      }
      %scan3A_144 = arith.constant 0 : i32
      scf.yield %scan3A_144 : i32
    }
    %scan3A_58 = arith.constant 80 : i32
    %sub3A = arith.constant 80 : i32
    %sub3A_59 = arith.subi %sub3A, %arg1 : i32
    %add3A = arith.constant 16 : i32
    %add3A_60 = arith.addi %sub3A_59, %add3A : i32
    %sub3A_61 = arith.constant 1 : i32
    %sub3A_62 = arith.subi %add3A_60, %sub3A_61 : i32
    %jit3A = arith.constant 16 : i32
    %div3A = arith.divsi %sub3A_62, %jit3A : i32
    %sign3A = arith.constant 0 : i32
    %sign3A_63 = arith.cmpi sgt, %sub3A_62, %sign3A : i32
    %sign3A_64 = arith.extui %sign3A_63 : i1 to i32
    %sign3A_65 = arith.constant 0 : i32
    %sign3A_66 = arith.cmpi slt, %sub3A_62, %sign3A_65 : i32
    %sign3A_67 = arith.extui %sign3A_66 : i1 to i32
    %sign3A_68 = arith.subi %sign3A_64, %sign3A_67 : i32
    %sign3A_69 = arith.constant 0 : i32
    %sign3A_70 = arith.cmpi sgt, %jit3A, %sign3A_69 : i32
    %sign3A_71 = arith.extui %sign3A_70 : i1 to i32
    %sign3A_72 = arith.constant 0 : i32
    %sign3A_73 = arith.cmpi slt, %jit3A, %sign3A_72 : i32
    %sign3A_74 = arith.extui %sign3A_73 : i1 to i32
    %sign3A_75 = arith.subi %sign3A_71, %sign3A_74 : i32
    %ne3A = arith.cmpi ne, %sign3A_68, %sign3A_75 : i32
    %rem3A = arith.remsi %sub3A_62, %jit3A : i32
    %ne3A_76 = arith.constant 0 : i32
    %ne3A_77 = arith.cmpi ne, %rem3A, %ne3A_76 : i32
    %and3A = arith.andi %ne3A, %ne3A_77 : i1
    %sub3A_78 = arith.constant 1 : i32
    %sub3A_79 = arith.subi %div3A, %sub3A_78 : i32
    %select_n3A = arith.select %and3A, %sub3A_79, %div3A : i32
    %while3A = arith.constant 0 : i32
    %while3A_80 = arith.constant 0 : i32
    %while3A_81 = arith.subi %select_n3A, %while3A : i32
    %while3A_82 = arith.addi %while3A, %while3A_81 : i32
    %while3A_83 = arith.constant 1 : i32
    %while3A_84 = arith.divsi %while3A_81, %while3A_83 : i32
    %while3A_85 = arith.muli %while3A_84, %while3A_83 : i32
    %while3A_86 = arith.addi %while3A, %while3A_85 : i32
    %while3A_87 = arith.constant 1 : i32
    %while3A_88 = scf.for %while3A_104 = %while3A to %while3A_86 step %while3A_87 iter_args(%while3A_105 = %while3A_80) -> (i32)  : i32 {
      %mul3A_106 = arith.constant 16 : i32
      %mul3A_107 = arith.muli %mul3A_106, %while3A_104 : i32
      %add3A_108 = arith.addi %arg1, %mul3A_107 : i32
      %run_scoped3A_109 = arith.constant 0 : i32
      "tpu.region"() ({
        %run_scoped3A_112 = tpu.sem_alloc : memref<!tpu.dma_semaphore, #tpu.memory_space<semaphore_mem>>
        %dma_start3A = arith.constant 0 : i32
        %dma_start3A_113 = tpu.memref_slice %arg12[%run_scoped3A_109, %dma_start3A] : memref<1x128xi32, #tpu.memory_space<vmem>> -> memref<1x128xi32, #tpu.memory_space<vmem>>
        %dma_start3A_114 = tpu.memref_squeeze %dma_start3A_113 : memref<1x128xi32, #tpu.memory_space<vmem>> -> memref<128xi32, #tpu.memory_space<vmem>>
        %dma_start3A_115 = arith.constant 0 : i32
        %dma_start3A_116 = tpu.memref_slice %arg3[%arg0, %add3A_108, %dma_start3A_115] : memref<2x80x128xi32, #tpu.memory_space<hbm>> -> memref<1x1x128xi32, #tpu.memory_space<hbm>>
        %dma_start3A_117 = tpu.memref_squeeze %dma_start3A_116 : memref<1x1x128xi32, #tpu.memory_space<hbm>> -> memref<128xi32, #tpu.memory_space<hbm>>
        %dma_start3A_118 = arith.constant 0 : i32
        %dma_start3A_119 = tpu.memref_slice %arg12[%run_scoped3A_109, %dma_start3A_118] : memref<1x128xi32, #tpu.memory_space<vmem>> -> memref<1x128xi32, #tpu.memory_space<vmem>>
        %dma_start3A_120 = tpu.memref_squeeze %dma_start3A_119 : memref<1x128xi32, #tpu.memory_space<vmem>> -> memref<128xi32, #tpu.memory_space<vmem>>
        %dma_start3A_121 = arith.constant 0 : i32
        %dma_start3A_122 = tpu.memref_slice %arg3[%arg0, %add3A_108, %dma_start3A_121] : memref<2x80x128xi32, #tpu.memory_space<hbm>> -> memref<1x1x128xi32, #tpu.memory_space<hbm>>
        %dma_start3A_123 = tpu.memref_squeeze %dma_start3A_122 : memref<1x1x128xi32, #tpu.memory_space<hbm>> -> memref<128xi32, #tpu.memory_space<hbm>>
        tpu.enqueue_dma source(%dma_start3A_123 : memref<128xi32, #tpu.memory_space<hbm>>) target(%dma_start3A_120 : memref<128xi32, #tpu.memory_space<vmem>>) target_semaphore(%run_scoped3A_112 : memref<!tpu.dma_semaphore, #tpu.memory_space<semaphore_mem>>)
        %dma_wait3A = arith.constant 0 : i32
        %dma_wait3A_124 = tpu.memref_slice %arg12[%run_scoped3A_109, %dma_wait3A] : memref<1x128xi32, #tpu.memory_space<vmem>> -> memref<1x128xi32, #tpu.memory_space<vmem>>
        %dma_wait3A_125 = tpu.memref_squeeze %dma_wait3A_124 : memref<1x128xi32, #tpu.memory_space<vmem>> -> memref<128xi32, #tpu.memory_space<vmem>>
        %dma_wait3A_126 = arith.constant 0 : i32
        %dma_wait3A_127 = tpu.memref_slice %arg3[%arg0, %add3A_108, %dma_wait3A_126] : memref<2x80x128xi32, #tpu.memory_space<hbm>> -> memref<1x1x128xi32, #tpu.memory_space<hbm>>
        %dma_wait3A_128 = tpu.memref_squeeze %dma_wait3A_127 : memref<1x1x128xi32, #tpu.memory_space<hbm>> -> memref<128xi32, #tpu.memory_space<hbm>>
        %dma_wait3A_129 = arith.constant 0 : i32
        %dma_wait3A_130 = tpu.memref_slice %arg12[%run_scoped3A_109, %dma_wait3A_129] : memref<1x128xi32, #tpu.memory_space<vmem>> -> memref<1x128xi32, #tpu.memory_space<vmem>>
        %dma_wait3A_131 = tpu.memref_squeeze %dma_wait3A_130 : memref<1x128xi32, #tpu.memory_space<vmem>> -> memref<128xi32, #tpu.memory_space<vmem>>
        %dma_wait3A_132 = arith.constant 0 : i32
        %dma_wait3A_133 = tpu.memref_slice %arg3[%arg0, %add3A_108, %dma_wait3A_132] : memref<2x80x128xi32, #tpu.memory_space<hbm>> -> memref<1x1x128xi32, #tpu.memory_space<hbm>>
        %dma_wait3A_134 = tpu.memref_squeeze %dma_wait3A_133 : memref<1x1x128xi32, #tpu.memory_space<hbm>> -> memref<128xi32, #tpu.memory_space<hbm>>
        tpu.wait_dma2 semaphore(%run_scoped3A_112 : memref<!tpu.dma_semaphore, #tpu.memory_space<semaphore_mem>>) src(%dma_wait3A_134 : memref<128xi32, #tpu.memory_space<hbm>>) dst(%dma_wait3A_131 : memref<128xi32, #tpu.memory_space<vmem>>)
        tpu.yield
      }) : () -> ()
      %run_scoped3A_110 = arith.constant 0 : i32
      "tpu.region"() ({
        %run_scoped3A_112 = tpu.sem_alloc : memref<!tpu.dma_semaphore, #tpu.memory_space<semaphore_mem>>
        %dma_start3A = arith.constant 0 : i32
        %dma_start3A_113 = tpu.memref_slice %arg12[%run_scoped3A_110, %dma_start3A] : memref<1x128xi32, #tpu.memory_space<vmem>> -> memref<1x128xi32, #tpu.memory_space<vmem>>
        %dma_start3A_114 = tpu.memref_squeeze %dma_start3A_113 : memref<1x128xi32, #tpu.memory_space<vmem>> -> memref<128xi32, #tpu.memory_space<vmem>>
        %dma_start3A_115 = arith.constant 0 : i32
        %dma_start3A_116 = tpu.memref_slice %arg11[%dma_start3A_115] : memref<640xf32, #tpu.memory_space<vmem_shared>> -> memref<640xf32, #tpu.memory_space<vmem_shared>>
        tpu.enqueue_indirect_dma source(%arg14 : memref<128xf32, #tpu.memory_space<vmem>>) target(%dma_start3A_116 : memref<640xf32, #tpu.memory_space<vmem_shared>>) offsets(%dma_start3A_114 : memref<128xi32, #tpu.memory_space<vmem>>) semaphore(%run_scoped3A_112 : memref<!tpu.dma_semaphore, #tpu.memory_space<semaphore_mem>>) {add = true}
        %dma_wait3A = arith.constant 0 : i32
        %dma_wait3A_117 = tpu.memref_slice %arg12[%run_scoped3A_110, %dma_wait3A] : memref<1x128xi32, #tpu.memory_space<vmem>> -> memref<1x128xi32, #tpu.memory_space<vmem>>
        %dma_wait3A_118 = tpu.memref_squeeze %dma_wait3A_117 : memref<1x128xi32, #tpu.memory_space<vmem>> -> memref<128xi32, #tpu.memory_space<vmem>>
        %dma_wait3A_119 = arith.constant 0 : i32
        %dma_wait3A_120 = tpu.memref_slice %arg11[%dma_wait3A_119] : memref<640xf32, #tpu.memory_space<vmem_shared>> -> memref<640xf32, #tpu.memory_space<vmem_shared>>
        tpu.wait_indirect_dma semaphore(%run_scoped3A_112 : memref<!tpu.dma_semaphore, #tpu.memory_space<semaphore_mem>>) src(%arg14 : memref<128xf32, #tpu.memory_space<vmem>>) dst(%dma_wait3A_120 : memref<640xf32, #tpu.memory_space<vmem_shared>>)
        tpu.yield
      }) : () -> ()
      %while3A_111 = arith.constant 0 : i32
      scf.yield %while3A_111 : i32
    }
    %while3A_89 = arith.constant 1 : i32
    %while3A_90 = scf.for %while3A_104 = %while3A_86 to %while3A_82 step %while3A_89 iter_args(%while3A_105 = %while3A_88) -> (i32)  : i32 {
      %mul3A_106 = arith.constant 16 : i32
      %mul3A_107 = arith.muli %mul3A_106, %while3A_104 : i32
      %add3A_108 = arith.addi %arg1, %mul3A_107 : i32
      %run_scoped3A_109 = arith.constant 0 : i32
      "tpu.region"() ({
        %run_scoped3A_112 = tpu.sem_alloc : memref<!tpu.dma_semaphore, #tpu.memory_space<semaphore_mem>>
        %dma_start3A = arith.constant 0 : i32
        %dma_start3A_113 = tpu.memref_slice %arg12[%run_scoped3A_109, %dma_start3A] : memref<1x128xi32, #tpu.memory_space<vmem>> -> memref<1x128xi32, #tpu.memory_space<vmem>>
        %dma_start3A_114 = tpu.memref_squeeze %dma_start3A_113 : memref<1x128xi32, #tpu.memory_space<vmem>> -> memref<128xi32, #tpu.memory_space<vmem>>
        %dma_start3A_115 = arith.constant 0 : i32
        %dma_start3A_116 = tpu.memref_slice %arg3[%arg0, %add3A_108, %dma_start3A_115] : memref<2x80x128xi32, #tpu.memory_space<hbm>> -> memref<1x1x128xi32, #tpu.memory_space<hbm>>
        %dma_start3A_117 = tpu.memref_squeeze %dma_start3A_116 : memref<1x1x128xi32, #tpu.memory_space<hbm>> -> memref<128xi32, #tpu.memory_space<hbm>>
        %dma_start3A_118 = arith.constant 0 : i32
        %dma_start3A_119 = tpu.memref_slice %arg12[%run_scoped3A_109, %dma_start3A_118] : memref<1x128xi32, #tpu.memory_space<vmem>> -> memref<1x128xi32, #tpu.memory_space<vmem>>
        %dma_start3A_120 = tpu.memref_squeeze %dma_start3A_119 : memref<1x128xi32, #tpu.memory_space<vmem>> -> memref<128xi32, #tpu.memory_space<vmem>>
        %dma_start3A_121 = arith.constant 0 : i32
        %dma_start3A_122 = tpu.memref_slice %arg3[%arg0, %add3A_108, %dma_start3A_121] : memref<2x80x128xi32, #tpu.memory_space<hbm>> -> memref<1x1x128xi32, #tpu.memory_space<hbm>>
        %dma_start3A_123 = tpu.memref_squeeze %dma_start3A_122 : memref<1x1x128xi32, #tpu.memory_space<hbm>> -> memref<128xi32, #tpu.memory_space<hbm>>
        tpu.enqueue_dma source(%dma_start3A_123 : memref<128xi32, #tpu.memory_space<hbm>>) target(%dma_start3A_120 : memref<128xi32, #tpu.memory_space<vmem>>) target_semaphore(%run_scoped3A_112 : memref<!tpu.dma_semaphore, #tpu.memory_space<semaphore_mem>>)
        %dma_wait3A = arith.constant 0 : i32
        %dma_wait3A_124 = tpu.memref_slice %arg12[%run_scoped3A_109, %dma_wait3A] : memref<1x128xi32, #tpu.memory_space<vmem>> -> memref<1x128xi32, #tpu.memory_space<vmem>>
        %dma_wait3A_125 = tpu.memref_squeeze %dma_wait3A_124 : memref<1x128xi32, #tpu.memory_space<vmem>> -> memref<128xi32, #tpu.memory_space<vmem>>
        %dma_wait3A_126 = arith.constant 0 : i32
        %dma_wait3A_127 = tpu.memref_slice %arg3[%arg0, %add3A_108, %dma_wait3A_126] : memref<2x80x128xi32, #tpu.memory_space<hbm>> -> memref<1x1x128xi32, #tpu.memory_space<hbm>>
        %dma_wait3A_128 = tpu.memref_squeeze %dma_wait3A_127 : memref<1x1x128xi32, #tpu.memory_space<hbm>> -> memref<128xi32, #tpu.memory_space<hbm>>
        %dma_wait3A_129 = arith.constant 0 : i32
        %dma_wait3A_130 = tpu.memref_slice %arg12[%run_scoped3A_109, %dma_wait3A_129] : memref<1x128xi32, #tpu.memory_space<vmem>> -> memref<1x128xi32, #tpu.memory_space<vmem>>
        %dma_wait3A_131 = tpu.memref_squeeze %dma_wait3A_130 : memref<1x128xi32, #tpu.memory_space<vmem>> -> memref<128xi32, #tpu.memory_space<vmem>>
        %dma_wait3A_132 = arith.constant 0 : i32
        %dma_wait3A_133 = tpu.memref_slice %arg3[%arg0, %add3A_108, %dma_wait3A_132] : memref<2x80x128xi32, #tpu.memory_space<hbm>> -> memref<1x1x128xi32, #tpu.memory_space<hbm>>
        %dma_wait3A_134 = tpu.memref_squeeze %dma_wait3A_133 : memref<1x1x128xi32, #tpu.memory_space<hbm>> -> memref<128xi32, #tpu.memory_space<hbm>>
        tpu.wait_dma2 semaphore(%run_scoped3A_112 : memref<!tpu.dma_semaphore, #tpu.memory_space<semaphore_mem>>) src(%dma_wait3A_134 : memref<128xi32, #tpu.memory_space<hbm>>) dst(%dma_wait3A_131 : memref<128xi32, #tpu.memory_space<vmem>>)
        tpu.yield
      }) : () -> ()
      %run_scoped3A_110 = arith.constant 0 : i32
      "tpu.region"() ({
        %run_scoped3A_112 = tpu.sem_alloc : memref<!tpu.dma_semaphore, #tpu.memory_space<semaphore_mem>>
        %dma_start3A = arith.constant 0 : i32
        %dma_start3A_113 = tpu.memref_slice %arg12[%run_scoped3A_110, %dma_start3A] : memref<1x128xi32, #tpu.memory_space<vmem>> -> memref<1x128xi32, #tpu.memory_space<vmem>>
        %dma_start3A_114 = tpu.memref_squeeze %dma_start3A_113 : memref<1x128xi32, #tpu.memory_space<vmem>> -> memref<128xi32, #tpu.memory_space<vmem>>
        %dma_start3A_115 = arith.constant 0 : i32
        %dma_start3A_116 = tpu.memref_slice %arg11[%dma_start3A_115] : memref<640xf32, #tpu.memory_space<vmem_shared>> -> memref<640xf32, #tpu.memory_space<vmem_shared>>
        tpu.enqueue_indirect_dma source(%arg14 : memref<128xf32, #tpu.memory_space<vmem>>) target(%dma_start3A_116 : memref<640xf32, #tpu.memory_space<vmem_shared>>) offsets(%dma_start3A_114 : memref<128xi32, #tpu.memory_space<vmem>>) semaphore(%run_scoped3A_112 : memref<!tpu.dma_semaphore, #tpu.memory_space<semaphore_mem>>) {add = true}
        %dma_wait3A = arith.constant 0 : i32
        %dma_wait3A_117 = tpu.memref_slice %arg12[%run_scoped3A_110, %dma_wait3A] : memref<1x128xi32, #tpu.memory_space<vmem>> -> memref<1x128xi32, #tpu.memory_space<vmem>>
        %dma_wait3A_118 = tpu.memref_squeeze %dma_wait3A_117 : memref<1x128xi32, #tpu.memory_space<vmem>> -> memref<128xi32, #tpu.memory_space<vmem>>
        %dma_wait3A_119 = arith.constant 0 : i32
        %dma_wait3A_120 = tpu.memref_slice %arg11[%dma_wait3A_119] : memref<640xf32, #tpu.memory_space<vmem_shared>> -> memref<640xf32, #tpu.memory_space<vmem_shared>>
        tpu.wait_indirect_dma semaphore(%run_scoped3A_112 : memref<!tpu.dma_semaphore, #tpu.memory_space<semaphore_mem>>) src(%arg14 : memref<128xf32, #tpu.memory_space<vmem>>) dst(%dma_wait3A_120 : memref<640xf32, #tpu.memory_space<vmem_shared>>)
        tpu.yield
      }) : () -> ()
      %while3A_111 = arith.constant 0 : i32
      scf.yield %while3A_111 : i32
    }
    %lt3A = arith.constant 4 : i32
    %lt3A_91 = arith.cmpi slt, %arg1, %lt3A : i32
    %convert_element_type3A_92 = arith.extui %lt3A_91 : i1 to i32
    %cond3A_93 = arith.constant 0 : i32
    %cond3A_94 = arith.cmpi ne, %convert_element_type3A_92, %cond3A_93 : i32
    scf.if %cond3A_94 {
      "tpu.region"() ({
        %run_scoped3A_106 = tpu.sem_alloc : memref<!tpu.dma_semaphore, #tpu.memory_space<semaphore_mem>>
        %dma_start3A = arith.constant 0 : i32
        %dma_start3A_107 = tpu.memref_slice %arg4[%arg0, %arg1, %dma_start3A] : memref<2x4x128xi32, #tpu.memory_space<hbm>> -> memref<1x1x128xi32, #tpu.memory_space<hbm>>
        %dma_start3A_108 = tpu.memref_squeeze %dma_start3A_107 : memref<1x1x128xi32, #tpu.memory_space<hbm>> -> memref<128xi32, #tpu.memory_space<hbm>>
        %dma_start3A_109 = arith.constant 0 : i32
        %dma_start3A_110 = tpu.memref_slice %arg4[%arg0, %arg1, %dma_start3A_109] : memref<2x4x128xi32, #tpu.memory_space<hbm>> -> memref<1x1x128xi32, #tpu.memory_space<hbm>>
        %dma_start3A_111 = tpu.memref_squeeze %dma_start3A_110 : memref<1x1x128xi32, #tpu.memory_space<hbm>> -> memref<128xi32, #tpu.memory_space<hbm>>
        tpu.enqueue_dma source(%dma_start3A_111 : memref<128xi32, #tpu.memory_space<hbm>>) target(%arg16 : memref<128xi32, #tpu.memory_space<vmem>>) target_semaphore(%run_scoped3A_106 : memref<!tpu.dma_semaphore, #tpu.memory_space<semaphore_mem>>)
        %dma_wait3A = arith.constant 0 : i32
        %dma_wait3A_112 = tpu.memref_slice %arg4[%arg0, %arg1, %dma_wait3A] : memref<2x4x128xi32, #tpu.memory_space<hbm>> -> memref<1x1x128xi32, #tpu.memory_space<hbm>>
        %dma_wait3A_113 = tpu.memref_squeeze %dma_wait3A_112 : memref<1x1x128xi32, #tpu.memory_space<hbm>> -> memref<128xi32, #tpu.memory_space<hbm>>
        %dma_wait3A_114 = arith.constant 0 : i32
        %dma_wait3A_115 = tpu.memref_slice %arg4[%arg0, %arg1, %dma_wait3A_114] : memref<2x4x128xi32, #tpu.memory_space<hbm>> -> memref<1x1x128xi32, #tpu.memory_space<hbm>>
        %dma_wait3A_116 = tpu.memref_squeeze %dma_wait3A_115 : memref<1x1x128xi32, #tpu.memory_space<hbm>> -> memref<128xi32, #tpu.memory_space<hbm>>
        tpu.wait_dma2 semaphore(%run_scoped3A_106 : memref<!tpu.dma_semaphore, #tpu.memory_space<semaphore_mem>>) src(%dma_wait3A_116 : memref<128xi32, #tpu.memory_space<hbm>>) dst(%arg16 : memref<128xi32, #tpu.memory_space<vmem>>)
        tpu.yield
      }) : () -> ()
      "tpu.region"() ({
        %run_scoped3A_106 = tpu.sem_alloc : memref<!tpu.dma_semaphore, #tpu.memory_space<semaphore_mem>>
        %dma_start3A = arith.constant 0 : i32
        %dma_start3A_107 = arith.constant 0 : i32
        %dma_start3A_108 = tpu.memref_slice %arg5[%dma_start3A, %dma_start3A_107] : memref<100000x128xf32, #tpu.memory_space<hbm>> -> memref<100000x128xf32, #tpu.memory_space<hbm>>
        tpu.enqueue_indirect_dma source(%dma_start3A_108 : memref<100000x128xf32, #tpu.memory_space<hbm>>) target(%arg15 : memref<128x128xf32, #tpu.memory_space<vmem>>) offsets(%arg16 : memref<128xi32, #tpu.memory_space<vmem>>) semaphore(%run_scoped3A_106 : memref<!tpu.dma_semaphore, #tpu.memory_space<semaphore_mem>>)
        %dma_wait3A = arith.constant 0 : i32
        %dma_wait3A_109 = arith.constant 0 : i32
        %dma_wait3A_110 = tpu.memref_slice %arg5[%dma_wait3A, %dma_wait3A_109] : memref<100000x128xf32, #tpu.memory_space<hbm>> -> memref<100000x128xf32, #tpu.memory_space<hbm>>
        tpu.wait_indirect_dma semaphore(%run_scoped3A_106 : memref<!tpu.dma_semaphore, #tpu.memory_space<semaphore_mem>>) src(%dma_wait3A_110 : memref<100000x128xf32, #tpu.memory_space<hbm>>) dst(%arg15 : memref<128x128xf32, #tpu.memory_space<vmem>>)
        tpu.yield
      }) : () -> ()
      %mul3A_104 = arith.constant 128 : i32
      %mul3A_105 = arith.muli %arg1, %mul3A_104 : i32
      "tpu.region"() ({
        %run_scoped3A_106 = tpu.sem_alloc : memref<!tpu.dma_semaphore, #tpu.memory_space<semaphore_mem>>
        %dma_start3A = arith.constant 0 : i32
        %dma_start3A_107 = tpu.memref_slice %arg9[%arg0, %mul3A_105, %dma_start3A] : memref<2x512x128xf32, #tpu.memory_space<hbm>> -> memref<1x128x128xf32, #tpu.memory_space<hbm>>
        %dma_start3A_108 = tpu.memref_squeeze %dma_start3A_107 : memref<1x128x128xf32, #tpu.memory_space<hbm>> -> memref<128x128xf32, #tpu.memory_space<hbm>>
        %dma_start3A_109 = arith.constant 0 : i32
        %dma_start3A_110 = tpu.memref_slice %arg9[%arg0, %mul3A_105, %dma_start3A_109] : memref<2x512x128xf32, #tpu.memory_space<hbm>> -> memref<1x128x128xf32, #tpu.memory_space<hbm>>
        %dma_start3A_111 = tpu.memref_squeeze %dma_start3A_110 : memref<1x128x128xf32, #tpu.memory_space<hbm>> -> memref<128x128xf32, #tpu.memory_space<hbm>>
        tpu.enqueue_dma source(%arg15 : memref<128x128xf32, #tpu.memory_space<vmem>>) target(%dma_start3A_111 : memref<128x128xf32, #tpu.memory_space<hbm>>) target_semaphore(%run_scoped3A_106 : memref<!tpu.dma_semaphore, #tpu.memory_space<semaphore_mem>>)
        %dma_wait3A = arith.constant 0 : i32
        %dma_wait3A_112 = tpu.memref_slice %arg9[%arg0, %mul3A_105, %dma_wait3A] : memref<2x512x128xf32, #tpu.memory_space<hbm>> -> memref<1x128x128xf32, #tpu.memory_space<hbm>>
        %dma_wait3A_113 = tpu.memref_squeeze %dma_wait3A_112 : memref<1x128x128xf32, #tpu.memory_space<hbm>> -> memref<128x128xf32, #tpu.memory_space<hbm>>
        %dma_wait3A_114 = arith.constant 0 : i32
        %dma_wait3A_115 = tpu.memref_slice %arg9[%arg0, %mul3A_105, %dma_wait3A_114] : memref<2x512x128xf32, #tpu.memory_space<hbm>> -> memref<1x128x128xf32, #tpu.memory_space<hbm>>
        %dma_wait3A_116 = tpu.memref_squeeze %dma_wait3A_115 : memref<1x128x128xf32, #tpu.memory_space<hbm>> -> memref<128x128xf32, #tpu.memory_space<hbm>>
        tpu.wait_dma2 semaphore(%run_scoped3A_106 : memref<!tpu.dma_semaphore, #tpu.memory_space<semaphore_mem>>) src(%arg15 : memref<128x128xf32, #tpu.memory_space<vmem>>) dst(%dma_wait3A_116 : memref<128x128xf32, #tpu.memory_space<hbm>>)
        tpu.yield
      }) : () -> ()
    } else {
    }
    %barrier3A_95 = arith.constant 0 : index
    tpu.barrier barrier_id(%barrier3A_95)
    %mul3A = arith.constant 640 : i32
    %mul3A_96 = arith.muli %arg1, %mul3A : i32
    %mul3A_97 = arith.constant 640 : i32
    %mul3A_98 = arith.muli %arg1, %mul3A_97 : i32
    "tpu.region"() ({
      %run_scoped3A_104 = tpu.sem_alloc : memref<!tpu.dma_semaphore, #tpu.memory_space<semaphore_mem>>
      %dma_start3A = tpu.memref_slice %arg7[%arg0, %mul3A_98] : memref<2x10240xf32, #tpu.memory_space<hbm>> -> memref<1x640xf32, #tpu.memory_space<hbm>>
      %dma_start3A_105 = tpu.memref_squeeze %dma_start3A : memref<1x640xf32, #tpu.memory_space<hbm>> -> memref<640xf32, #tpu.memory_space<hbm>>
      %dma_start3A_106 = tpu.memref_slice %arg10[%mul3A_96] : memref<10240xf32, #tpu.memory_space<vmem_shared>> -> memref<640xf32, #tpu.memory_space<vmem_shared>>
      tpu.enqueue_dma source(%dma_start3A_106 : memref<640xf32, #tpu.memory_space<vmem_shared>>) target(%dma_start3A_105 : memref<640xf32, #tpu.memory_space<hbm>>) target_semaphore(%run_scoped3A_104 : memref<!tpu.dma_semaphore, #tpu.memory_space<semaphore_mem>>)
      %dma_wait3A = tpu.memref_slice %arg7[%arg0, %mul3A_98] : memref<2x10240xf32, #tpu.memory_space<hbm>> -> memref<1x640xf32, #tpu.memory_space<hbm>>
      %dma_wait3A_107 = tpu.memref_squeeze %dma_wait3A : memref<1x640xf32, #tpu.memory_space<hbm>> -> memref<640xf32, #tpu.memory_space<hbm>>
      %dma_wait3A_108 = tpu.memref_slice %arg10[%mul3A_96] : memref<10240xf32, #tpu.memory_space<vmem_shared>> -> memref<640xf32, #tpu.memory_space<vmem_shared>>
      tpu.wait_dma2 semaphore(%run_scoped3A_104 : memref<!tpu.dma_semaphore, #tpu.memory_space<semaphore_mem>>) src(%dma_wait3A_108 : memref<640xf32, #tpu.memory_space<vmem_shared>>) dst(%dma_wait3A_107 : memref<640xf32, #tpu.memory_space<hbm>>)
      tpu.yield
    }) : () -> ()
    %eq3A_99 = arith.constant 0 : i32
    %eq3A_100 = arith.cmpi eq, %arg1, %eq3A_99 : i32
    %convert_element_type3A_101 = arith.extui %eq3A_100 : i1 to i32
    %cond3A_102 = arith.constant 0 : i32
    %cond3A_103 = arith.cmpi ne, %convert_element_type3A_101, %cond3A_102 : i32
    scf.if %cond3A_103 {
      "tpu.region"() ({
        %run_scoped3A_104 = tpu.sem_alloc : memref<!tpu.dma_semaphore, #tpu.memory_space<semaphore_mem>>
        %dma_start3A = arith.constant 0 : i32
        %dma_start3A_105 = tpu.memref_slice %arg8[%arg0, %dma_start3A] : memref<2x640xf32, #tpu.memory_space<hbm>> -> memref<1x640xf32, #tpu.memory_space<hbm>>
        %dma_start3A_106 = tpu.memref_squeeze %dma_start3A_105 : memref<1x640xf32, #tpu.memory_space<hbm>> -> memref<640xf32, #tpu.memory_space<hbm>>
        tpu.enqueue_dma source(%arg11 : memref<640xf32, #tpu.memory_space<vmem_shared>>) target(%dma_start3A_106 : memref<640xf32, #tpu.memory_space<hbm>>) target_semaphore(%run_scoped3A_104 : memref<!tpu.dma_semaphore, #tpu.memory_space<semaphore_mem>>)
        %dma_wait3A = arith.constant 0 : i32
        %dma_wait3A_107 = tpu.memref_slice %arg8[%arg0, %dma_wait3A] : memref<2x640xf32, #tpu.memory_space<hbm>> -> memref<1x640xf32, #tpu.memory_space<hbm>>
        %dma_wait3A_108 = tpu.memref_squeeze %dma_wait3A_107 : memref<1x640xf32, #tpu.memory_space<hbm>> -> memref<640xf32, #tpu.memory_space<hbm>>
        tpu.wait_dma2 semaphore(%run_scoped3A_104 : memref<!tpu.dma_semaphore, #tpu.memory_space<semaphore_mem>>) src(%arg11 : memref<640xf32, #tpu.memory_space<vmem_shared>>) dst(%dma_wait3A_108 : memref<640xf32, #tpu.memory_space<hbm>>)
        tpu.yield
      }) : () -> ()
    } else {
    }
    return
  }
}

#map = affine_map<(d0, d1) -> (0, 0, 0, 0)>
#map1 = affine_map<(d0, d1) -> (0, 0, 0)>
#map2 = affine_map<(d0, d1) -> (0, 0)>
module attributes {stable_mosaic.version = 14 : i64} {
  func.func @_sc_edge_body(%arg0: i32, %arg1: i32, %arg2: memref<2x2x2560x128xi32, #tpu.memory_space<hbm>>, %arg3: memref<2x2560x128xi32, #tpu.memory_space<hbm>>, %arg4: memref<40960x128xf32, #tpu.memory_space<hbm>>, %arg5: memref<128x128xf32, #tpu.memory_space<hbm>>, %arg6: memref<2x2x10240x128xf32, #tpu.memory_space<hbm>>, %arg7: memref<10240x128xf32, #tpu.memory_space<vmem_shared>>, %arg8: memref<32x128xi32, #tpu.memory_space<vmem>>, %arg9: memref<32x128xi32, #tpu.memory_space<vmem>>, %arg10: memref<128x128xf32, #tpu.memory_space<vmem>>, %arg11: memref<128x128xf32, #tpu.memory_space<vmem>>, %arg12: memref<!tpu.dma_semaphore, #tpu.memory_space<semaphore_mem>>, %arg13: memref<!tpu.dma_semaphore, #tpu.memory_space<semaphore_mem>>, %arg14: memref<!tpu.dma_semaphore, #tpu.memory_space<semaphore_mem>>, %arg15: memref<!tpu.dma_semaphore, #tpu.memory_space<semaphore_mem>>) attributes {dimension_semantics = [#tpu.dimension_semantics<core_parallel>, #tpu.dimension_semantics<subcore_parallel>], iteration_bounds = array<i64: 2, 16>, scalar_prefetch = 0 : i64, scratch_operands = 9 : i64, tpu.core_type = #tpu.core_type<sc_vector_subcore>, window_params = [{transform_indices = #map}, {transform_indices = #map1}, {transform_indices = #map2}, {transform_indices = #map2}, {transform_indices = #map}]} {
    %mul3A = arith.constant 160 : i32
    %mul3A_0 = arith.muli %mul3A, %arg1 : i32
    %scan3A = arith.constant 0 : i32
    %scan3A_1 = arith.constant 0 : i32
    %scan3A_2 = arith.constant 2 : i32
    %scan3A_3 = arith.addi %scan3A_1, %scan3A_2 : i32
    %scan3A_4 = arith.constant 1 : i32
    %scan3A_5 = scf.for %scan3A_7 = %scan3A_1 to %scan3A_3 step %scan3A_4 iter_args(%scan3A_8 = %scan3A) -> (i32)  : i32 {
      %mul3A_9 = arith.constant 640 : i32
      %mul3A_10 = arith.muli %arg1, %mul3A_9 : i32
      %add3A = arith.constant 0 : i32
      %add3A_11 = arith.addi %mul3A_10, %add3A : i32
      "tpu.region"() ({
        %run_scoped3A = tpu.sem_alloc : memref<!tpu.dma_semaphore, #tpu.memory_space<semaphore_mem>>
        %dma_start3A = arith.constant 0 : i32
        %dma_start3A_78 = tpu.memref_slice %arg7[%add3A_11, %dma_start3A] : memref<10240x128xf32, #tpu.memory_space<vmem_shared>> -> memref<128x128xf32, #tpu.memory_space<vmem_shared>>
        tpu.enqueue_dma source(%arg5 : memref<128x128xf32, #tpu.memory_space<hbm>>) target(%dma_start3A_78 : memref<128x128xf32, #tpu.memory_space<vmem_shared>>) target_semaphore(%run_scoped3A : memref<!tpu.dma_semaphore, #tpu.memory_space<semaphore_mem>>)
        %dma_wait3A = arith.constant 0 : i32
        %dma_wait3A_79 = tpu.memref_slice %arg7[%add3A_11, %dma_wait3A] : memref<10240x128xf32, #tpu.memory_space<vmem_shared>> -> memref<128x128xf32, #tpu.memory_space<vmem_shared>>
        tpu.wait_dma2 semaphore(%run_scoped3A : memref<!tpu.dma_semaphore, #tpu.memory_space<semaphore_mem>>) src(%arg5 : memref<128x128xf32, #tpu.memory_space<hbm>>) dst(%dma_wait3A_79 : memref<128x128xf32, #tpu.memory_space<vmem_shared>>)
        tpu.yield
      }) : () -> ()
      %mul3A_12 = arith.constant 640 : i32
      %mul3A_13 = arith.muli %arg1, %mul3A_12 : i32
      %add3A_14 = arith.constant 128 : i32
      %add3A_15 = arith.addi %mul3A_13, %add3A_14 : i32
      "tpu.region"() ({
        %run_scoped3A = tpu.sem_alloc : memref<!tpu.dma_semaphore, #tpu.memory_space<semaphore_mem>>
        %dma_start3A = arith.constant 0 : i32
        %dma_start3A_78 = tpu.memref_slice %arg7[%add3A_15, %dma_start3A] : memref<10240x128xf32, #tpu.memory_space<vmem_shared>> -> memref<128x128xf32, #tpu.memory_space<vmem_shared>>
        tpu.enqueue_dma source(%arg5 : memref<128x128xf32, #tpu.memory_space<hbm>>) target(%dma_start3A_78 : memref<128x128xf32, #tpu.memory_space<vmem_shared>>) target_semaphore(%run_scoped3A : memref<!tpu.dma_semaphore, #tpu.memory_space<semaphore_mem>>)
        %dma_wait3A = arith.constant 0 : i32
        %dma_wait3A_79 = tpu.memref_slice %arg7[%add3A_15, %dma_wait3A] : memref<10240x128xf32, #tpu.memory_space<vmem_shared>> -> memref<128x128xf32, #tpu.memory_space<vmem_shared>>
        tpu.wait_dma2 semaphore(%run_scoped3A : memref<!tpu.dma_semaphore, #tpu.memory_space<semaphore_mem>>) src(%arg5 : memref<128x128xf32, #tpu.memory_space<hbm>>) dst(%dma_wait3A_79 : memref<128x128xf32, #tpu.memory_space<vmem_shared>>)
        tpu.yield
      }) : () -> ()
      %mul3A_16 = arith.constant 640 : i32
      %mul3A_17 = arith.muli %arg1, %mul3A_16 : i32
      %add3A_18 = arith.constant 256 : i32
      %add3A_19 = arith.addi %mul3A_17, %add3A_18 : i32
      "tpu.region"() ({
        %run_scoped3A = tpu.sem_alloc : memref<!tpu.dma_semaphore, #tpu.memory_space<semaphore_mem>>
        %dma_start3A = arith.constant 0 : i32
        %dma_start3A_78 = tpu.memref_slice %arg7[%add3A_19, %dma_start3A] : memref<10240x128xf32, #tpu.memory_space<vmem_shared>> -> memref<128x128xf32, #tpu.memory_space<vmem_shared>>
        tpu.enqueue_dma source(%arg5 : memref<128x128xf32, #tpu.memory_space<hbm>>) target(%dma_start3A_78 : memref<128x128xf32, #tpu.memory_space<vmem_shared>>) target_semaphore(%run_scoped3A : memref<!tpu.dma_semaphore, #tpu.memory_space<semaphore_mem>>)
        %dma_wait3A = arith.constant 0 : i32
        %dma_wait3A_79 = tpu.memref_slice %arg7[%add3A_19, %dma_wait3A] : memref<10240x128xf32, #tpu.memory_space<vmem_shared>> -> memref<128x128xf32, #tpu.memory_space<vmem_shared>>
        tpu.wait_dma2 semaphore(%run_scoped3A : memref<!tpu.dma_semaphore, #tpu.memory_space<semaphore_mem>>) src(%arg5 : memref<128x128xf32, #tpu.memory_space<hbm>>) dst(%dma_wait3A_79 : memref<128x128xf32, #tpu.memory_space<vmem_shared>>)
        tpu.yield
      }) : () -> ()
      %mul3A_20 = arith.constant 640 : i32
      %mul3A_21 = arith.muli %arg1, %mul3A_20 : i32
      %add3A_22 = arith.constant 384 : i32
      %add3A_23 = arith.addi %mul3A_21, %add3A_22 : i32
      "tpu.region"() ({
        %run_scoped3A = tpu.sem_alloc : memref<!tpu.dma_semaphore, #tpu.memory_space<semaphore_mem>>
        %dma_start3A = arith.constant 0 : i32
        %dma_start3A_78 = tpu.memref_slice %arg7[%add3A_23, %dma_start3A] : memref<10240x128xf32, #tpu.memory_space<vmem_shared>> -> memref<128x128xf32, #tpu.memory_space<vmem_shared>>
        tpu.enqueue_dma source(%arg5 : memref<128x128xf32, #tpu.memory_space<hbm>>) target(%dma_start3A_78 : memref<128x128xf32, #tpu.memory_space<vmem_shared>>) target_semaphore(%run_scoped3A : memref<!tpu.dma_semaphore, #tpu.memory_space<semaphore_mem>>)
        %dma_wait3A = arith.constant 0 : i32
        %dma_wait3A_79 = tpu.memref_slice %arg7[%add3A_23, %dma_wait3A] : memref<10240x128xf32, #tpu.memory_space<vmem_shared>> -> memref<128x128xf32, #tpu.memory_space<vmem_shared>>
        tpu.wait_dma2 semaphore(%run_scoped3A : memref<!tpu.dma_semaphore, #tpu.memory_space<semaphore_mem>>) src(%arg5 : memref<128x128xf32, #tpu.memory_space<hbm>>) dst(%dma_wait3A_79 : memref<128x128xf32, #tpu.memory_space<vmem_shared>>)
        tpu.yield
      }) : () -> ()
      %mul3A_24 = arith.constant 640 : i32
      %mul3A_25 = arith.muli %arg1, %mul3A_24 : i32
      %add3A_26 = arith.constant 512 : i32
      %add3A_27 = arith.addi %mul3A_25, %add3A_26 : i32
      "tpu.region"() ({
        %run_scoped3A = tpu.sem_alloc : memref<!tpu.dma_semaphore, #tpu.memory_space<semaphore_mem>>
        %dma_start3A = arith.constant 0 : i32
        %dma_start3A_78 = tpu.memref_slice %arg7[%add3A_27, %dma_start3A] : memref<10240x128xf32, #tpu.memory_space<vmem_shared>> -> memref<128x128xf32, #tpu.memory_space<vmem_shared>>
        tpu.enqueue_dma source(%arg5 : memref<128x128xf32, #tpu.memory_space<hbm>>) target(%dma_start3A_78 : memref<128x128xf32, #tpu.memory_space<vmem_shared>>) target_semaphore(%run_scoped3A : memref<!tpu.dma_semaphore, #tpu.memory_space<semaphore_mem>>)
        %dma_wait3A = arith.constant 0 : i32
        %dma_wait3A_79 = tpu.memref_slice %arg7[%add3A_27, %dma_wait3A] : memref<10240x128xf32, #tpu.memory_space<vmem_shared>> -> memref<128x128xf32, #tpu.memory_space<vmem_shared>>
        tpu.wait_dma2 semaphore(%run_scoped3A : memref<!tpu.dma_semaphore, #tpu.memory_space<semaphore_mem>>) src(%arg5 : memref<128x128xf32, #tpu.memory_space<hbm>>) dst(%dma_wait3A_79 : memref<128x128xf32, #tpu.memory_space<vmem_shared>>)
        tpu.yield
      }) : () -> ()
      %barrier3A = arith.constant 0 : index
      tpu.barrier barrier_id(%barrier3A)
      %scan3A_28 = arith.constant 0 : i32
      %scan3A_29 = arith.constant 0 : i32
      %scan3A_30 = arith.constant 5 : i32
      %scan3A_31 = arith.addi %scan3A_29, %scan3A_30 : i32
      %scan3A_32 = arith.constant 1 : i32
      %scan3A_33 = scf.for %scan3A_78 = %scan3A_29 to %scan3A_31 step %scan3A_32 iter_args(%scan3A_79 = %scan3A_28) -> (i32)  : i32 {
        %mul3A_80 = arith.constant 32 : i32
        %mul3A_81 = arith.muli %scan3A_78, %mul3A_80 : i32
        %add3A_82 = arith.addi %mul3A_0, %mul3A_81 : i32
        "tpu.region"() ({
          %run_scoped3A = tpu.sem_alloc : memref<!tpu.dma_semaphore, #tpu.memory_space<semaphore_mem>>
          %dma_start3A_103 = arith.constant 0 : i32
          %dma_start3A_104 = tpu.memref_slice %arg2[%scan3A_7, %arg0, %add3A_82, %dma_start3A_103] : memref<2x2x2560x128xi32, #tpu.memory_space<hbm>> -> memref<1x1x32x128xi32, #tpu.memory_space<hbm>>
          %dma_start3A_105 = tpu.memref_squeeze %dma_start3A_104 : memref<1x1x32x128xi32, #tpu.memory_space<hbm>> -> memref<32x128xi32, #tpu.memory_space<hbm>>
          %dma_start3A_106 = arith.constant 0 : i32
          %dma_start3A_107 = tpu.memref_slice %arg2[%scan3A_7, %arg0, %add3A_82, %dma_start3A_106] : memref<2x2x2560x128xi32, #tpu.memory_space<hbm>> -> memref<1x1x32x128xi32, #tpu.memory_space<hbm>>
          %dma_start3A_108 = tpu.memref_squeeze %dma_start3A_107 : memref<1x1x32x128xi32, #tpu.memory_space<hbm>> -> memref<32x128xi32, #tpu.memory_space<hbm>>
          tpu.enqueue_dma source(%dma_start3A_108 : memref<32x128xi32, #tpu.memory_space<hbm>>) target(%arg8 : memref<32x128xi32, #tpu.memory_space<vmem>>) target_semaphore(%run_scoped3A : memref<!tpu.dma_semaphore, #tpu.memory_space<semaphore_mem>>)
          %dma_wait3A_109 = arith.constant 0 : i32
          %dma_wait3A_110 = tpu.memref_slice %arg2[%scan3A_7, %arg0, %add3A_82, %dma_wait3A_109] : memref<2x2x2560x128xi32, #tpu.memory_space<hbm>> -> memref<1x1x32x128xi32, #tpu.memory_space<hbm>>
          %dma_wait3A_111 = tpu.memref_squeeze %dma_wait3A_110 : memref<1x1x32x128xi32, #tpu.memory_space<hbm>> -> memref<32x128xi32, #tpu.memory_space<hbm>>
          %dma_wait3A_112 = arith.constant 0 : i32
          %dma_wait3A_113 = tpu.memref_slice %arg2[%scan3A_7, %arg0, %add3A_82, %dma_wait3A_112] : memref<2x2x2560x128xi32, #tpu.memory_space<hbm>> -> memref<1x1x32x128xi32, #tpu.memory_space<hbm>>
          %dma_wait3A_114 = tpu.memref_squeeze %dma_wait3A_113 : memref<1x1x32x128xi32, #tpu.memory_space<hbm>> -> memref<32x128xi32, #tpu.memory_space<hbm>>
          tpu.wait_dma2 semaphore(%run_scoped3A : memref<!tpu.dma_semaphore, #tpu.memory_space<semaphore_mem>>) src(%dma_wait3A_114 : memref<32x128xi32, #tpu.memory_space<hbm>>) dst(%arg8 : memref<32x128xi32, #tpu.memory_space<vmem>>)
          tpu.yield
        }) : () -> ()
        "tpu.region"() ({
          %run_scoped3A = tpu.sem_alloc : memref<!tpu.dma_semaphore, #tpu.memory_space<semaphore_mem>>
          %dma_start3A_103 = arith.constant 0 : i32
          %dma_start3A_104 = tpu.memref_slice %arg3[%scan3A_7, %add3A_82, %dma_start3A_103] : memref<2x2560x128xi32, #tpu.memory_space<hbm>> -> memref<1x32x128xi32, #tpu.memory_space<hbm>>
          %dma_start3A_105 = tpu.memref_squeeze %dma_start3A_104 : memref<1x32x128xi32, #tpu.memory_space<hbm>> -> memref<32x128xi32, #tpu.memory_space<hbm>>
          %dma_start3A_106 = arith.constant 0 : i32
          %dma_start3A_107 = tpu.memref_slice %arg3[%scan3A_7, %add3A_82, %dma_start3A_106] : memref<2x2560x128xi32, #tpu.memory_space<hbm>> -> memref<1x32x128xi32, #tpu.memory_space<hbm>>
          %dma_start3A_108 = tpu.memref_squeeze %dma_start3A_107 : memref<1x32x128xi32, #tpu.memory_space<hbm>> -> memref<32x128xi32, #tpu.memory_space<hbm>>
          tpu.enqueue_dma source(%dma_start3A_108 : memref<32x128xi32, #tpu.memory_space<hbm>>) target(%arg9 : memref<32x128xi32, #tpu.memory_space<vmem>>) target_semaphore(%run_scoped3A : memref<!tpu.dma_semaphore, #tpu.memory_space<semaphore_mem>>)
          %dma_wait3A_109 = arith.constant 0 : i32
          %dma_wait3A_110 = tpu.memref_slice %arg3[%scan3A_7, %add3A_82, %dma_wait3A_109] : memref<2x2560x128xi32, #tpu.memory_space<hbm>> -> memref<1x32x128xi32, #tpu.memory_space<hbm>>
          %dma_wait3A_111 = tpu.memref_squeeze %dma_wait3A_110 : memref<1x32x128xi32, #tpu.memory_space<hbm>> -> memref<32x128xi32, #tpu.memory_space<hbm>>
          %dma_wait3A_112 = arith.constant 0 : i32
          %dma_wait3A_113 = tpu.memref_slice %arg3[%scan3A_7, %add3A_82, %dma_wait3A_112] : memref<2x2560x128xi32, #tpu.memory_space<hbm>> -> memref<1x32x128xi32, #tpu.memory_space<hbm>>
          %dma_wait3A_114 = tpu.memref_squeeze %dma_wait3A_113 : memref<1x32x128xi32, #tpu.memory_space<hbm>> -> memref<32x128xi32, #tpu.memory_space<hbm>>
          tpu.wait_dma2 semaphore(%run_scoped3A : memref<!tpu.dma_semaphore, #tpu.memory_space<semaphore_mem>>) src(%dma_wait3A_114 : memref<32x128xi32, #tpu.memory_space<hbm>>) dst(%arg9 : memref<32x128xi32, #tpu.memory_space<vmem>>)
          tpu.yield
        }) : () -> ()
        %dma_start3A = arith.constant 0 : i32
        %dma_start3A_83 = arith.constant 0 : i32
        %dma_start3A_84 = tpu.memref_slice %arg8[%dma_start3A, %dma_start3A_83] : memref<32x128xi32, #tpu.memory_space<vmem>> -> memref<1x128xi32, #tpu.memory_space<vmem>>
        %dma_start3A_85 = tpu.memref_squeeze %dma_start3A_84 : memref<1x128xi32, #tpu.memory_space<vmem>> -> memref<128xi32, #tpu.memory_space<vmem>>
        %dma_start3A_86 = arith.constant 0 : i32
        %dma_start3A_87 = arith.constant 0 : i32
        %dma_start3A_88 = tpu.memref_slice %arg4[%dma_start3A_86, %dma_start3A_87] : memref<40960x128xf32, #tpu.memory_space<hbm>> -> memref<40960x128xf32, #tpu.memory_space<hbm>>
        tpu.enqueue_indirect_dma source(%dma_start3A_88 : memref<40960x128xf32, #tpu.memory_space<hbm>>) target(%arg10 : memref<128x128xf32, #tpu.memory_space<vmem>>) offsets(%dma_start3A_85 : memref<128xi32, #tpu.memory_space<vmem>>) semaphore(%arg12 : memref<!tpu.dma_semaphore, #tpu.memory_space<semaphore_mem>>)
        %scan3A_89 = arith.constant 0 : i32
        %scan3A_90 = arith.constant 0 : i32
        %scan3A_91 = arith.constant 8 : i32
        %scan3A_92 = arith.addi %scan3A_90, %scan3A_91 : i32
        %scan3A_93 = arith.constant 1 : i32
        %scan3A_94 = scf.for %scan3A_103 = %scan3A_90 to %scan3A_92 step %scan3A_93 iter_args(%scan3A_104 = %scan3A_89) -> (i32)  : i32 {
          %mul3A_105 = arith.constant 4 : i32
          %mul3A_106 = arith.muli %mul3A_105, %scan3A_103 : i32
          %add3A_107 = arith.constant 0 : i32
          %add3A_108 = arith.addi %mul3A_106, %add3A_107 : i32
          %ge3A = arith.constant 1 : i32
          %ge3A_109 = arith.cmpi sge, %add3A_108, %ge3A : i32
          %convert_element_type3A = arith.extui %ge3A_109 : i1 to i32
          %cond3A = arith.constant 0 : i32
          %cond3A_110 = arith.cmpi ne, %convert_element_type3A, %cond3A : i32
          scf.if %cond3A_110 {
            %sub3A = arith.constant 1 : i32
            %sub3A_214 = arith.subi %add3A_108, %sub3A : i32
            %dma_wait3A_215 = arith.constant 0 : i32
            %dma_wait3A_216 = tpu.memref_slice %arg9[%sub3A_214, %dma_wait3A_215] : memref<32x128xi32, #tpu.memory_space<vmem>> -> memref<1x128xi32, #tpu.memory_space<vmem>>
            %dma_wait3A_217 = tpu.memref_squeeze %dma_wait3A_216 : memref<1x128xi32, #tpu.memory_space<vmem>> -> memref<128xi32, #tpu.memory_space<vmem>>
            %dma_wait3A_218 = arith.constant 0 : i32
            %dma_wait3A_219 = arith.constant 0 : i32
            %dma_wait3A_220 = tpu.memref_slice %arg7[%dma_wait3A_218, %dma_wait3A_219] : memref<10240x128xf32, #tpu.memory_space<vmem_shared>> -> memref<10240x128xf32, #tpu.memory_space<vmem_shared>>
            tpu.wait_indirect_dma semaphore(%arg15 : memref<!tpu.dma_semaphore, #tpu.memory_space<semaphore_mem>>) src(%arg11 : memref<128x128xf32, #tpu.memory_space<vmem>>) dst(%dma_wait3A_220 : memref<10240x128xf32, #tpu.memory_space<vmem_shared>>)
          } else {
          }
          %add3A_111 = arith.constant 1 : i32
          %add3A_112 = arith.addi %add3A_108, %add3A_111 : i32
          %lt3A = arith.constant 32 : i32
          %lt3A_113 = arith.cmpi slt, %add3A_112, %lt3A : i32
          %convert_element_type3A_114 = arith.extui %lt3A_113 : i1 to i32
          %cond3A_115 = arith.constant 0 : i32
          %cond3A_116 = arith.cmpi ne, %convert_element_type3A_114, %cond3A_115 : i32
          scf.if %cond3A_116 {
            %add3A_214 = arith.constant 1 : i32
            %add3A_215 = arith.addi %add3A_108, %add3A_214 : i32
            %dma_start3A_216 = arith.constant 0 : i32
            %dma_start3A_217 = tpu.memref_slice %arg8[%add3A_215, %dma_start3A_216] : memref<32x128xi32, #tpu.memory_space<vmem>> -> memref<1x128xi32, #tpu.memory_space<vmem>>
            %dma_start3A_218 = tpu.memref_squeeze %dma_start3A_217 : memref<1x128xi32, #tpu.memory_space<vmem>> -> memref<128xi32, #tpu.memory_space<vmem>>
            %dma_start3A_219 = arith.constant 0 : i32
            %dma_start3A_220 = arith.constant 0 : i32
            %dma_start3A_221 = tpu.memref_slice %arg4[%dma_start3A_219, %dma_start3A_220] : memref<40960x128xf32, #tpu.memory_space<hbm>> -> memref<40960x128xf32, #tpu.memory_space<hbm>>
            tpu.enqueue_indirect_dma source(%dma_start3A_221 : memref<40960x128xf32, #tpu.memory_space<hbm>>) target(%arg11 : memref<128x128xf32, #tpu.memory_space<vmem>>) offsets(%dma_start3A_218 : memref<128xi32, #tpu.memory_space<vmem>>) semaphore(%arg13 : memref<!tpu.dma_semaphore, #tpu.memory_space<semaphore_mem>>)
          } else {
          }
          %dma_wait3A_117 = arith.constant 0 : i32
          %dma_wait3A_118 = tpu.memref_slice %arg8[%add3A_108, %dma_wait3A_117] : memref<32x128xi32, #tpu.memory_space<vmem>> -> memref<1x128xi32, #tpu.memory_space<vmem>>
          %dma_wait3A_119 = tpu.memref_squeeze %dma_wait3A_118 : memref<1x128xi32, #tpu.memory_space<vmem>> -> memref<128xi32, #tpu.memory_space<vmem>>
          %dma_wait3A_120 = arith.constant 0 : i32
          %dma_wait3A_121 = arith.constant 0 : i32
          %dma_wait3A_122 = tpu.memref_slice %arg4[%dma_wait3A_120, %dma_wait3A_121] : memref<40960x128xf32, #tpu.memory_space<hbm>> -> memref<40960x128xf32, #tpu.memory_space<hbm>>
          tpu.wait_indirect_dma semaphore(%arg12 : memref<!tpu.dma_semaphore, #tpu.memory_space<semaphore_mem>>) src(%dma_wait3A_122 : memref<40960x128xf32, #tpu.memory_space<hbm>>) dst(%arg10 : memref<128x128xf32, #tpu.memory_space<vmem>>)
          %dma_start3A_123 = arith.constant 0 : i32
          %dma_start3A_124 = tpu.memref_slice %arg9[%add3A_108, %dma_start3A_123] : memref<32x128xi32, #tpu.memory_space<vmem>> -> memref<1x128xi32, #tpu.memory_space<vmem>>
          %dma_start3A_125 = tpu.memref_squeeze %dma_start3A_124 : memref<1x128xi32, #tpu.memory_space<vmem>> -> memref<128xi32, #tpu.memory_space<vmem>>
          %dma_start3A_126 = arith.constant 0 : i32
          %dma_start3A_127 = arith.constant 0 : i32
          %dma_start3A_128 = tpu.memref_slice %arg7[%dma_start3A_126, %dma_start3A_127] : memref<10240x128xf32, #tpu.memory_space<vmem_shared>> -> memref<10240x128xf32, #tpu.memory_space<vmem_shared>>
          tpu.enqueue_indirect_dma source(%arg10 : memref<128x128xf32, #tpu.memory_space<vmem>>) target(%dma_start3A_128 : memref<10240x128xf32, #tpu.memory_space<vmem_shared>>) offsets(%dma_start3A_125 : memref<128xi32, #tpu.memory_space<vmem>>) semaphore(%arg14 : memref<!tpu.dma_semaphore, #tpu.memory_space<semaphore_mem>>) {add = true}
          %mul3A_129 = arith.constant 4 : i32
          %mul3A_130 = arith.muli %mul3A_129, %scan3A_103 : i32
          %add3A_131 = arith.constant 1 : i32
          %add3A_132 = arith.addi %mul3A_130, %add3A_131 : i32
          %ge3A_133 = arith.constant 1 : i32
          %ge3A_134 = arith.cmpi sge, %add3A_132, %ge3A_133 : i32
          %convert_element_type3A_135 = arith.extui %ge3A_134 : i1 to i32
          %cond3A_136 = arith.constant 0 : i32
          %cond3A_137 = arith.cmpi ne, %convert_element_type3A_135, %cond3A_136 : i32
          scf.if %cond3A_137 {
            %sub3A = arith.constant 1 : i32
            %sub3A_214 = arith.subi %add3A_132, %sub3A : i32
            %dma_wait3A_215 = arith.constant 0 : i32
            %dma_wait3A_216 = tpu.memref_slice %arg9[%sub3A_214, %dma_wait3A_215] : memref<32x128xi32, #tpu.memory_space<vmem>> -> memref<1x128xi32, #tpu.memory_space<vmem>>
            %dma_wait3A_217 = tpu.memref_squeeze %dma_wait3A_216 : memref<1x128xi32, #tpu.memory_space<vmem>> -> memref<128xi32, #tpu.memory_space<vmem>>
            %dma_wait3A_218 = arith.constant 0 : i32
            %dma_wait3A_219 = arith.constant 0 : i32
            %dma_wait3A_220 = tpu.memref_slice %arg7[%dma_wait3A_218, %dma_wait3A_219] : memref<10240x128xf32, #tpu.memory_space<vmem_shared>> -> memref<10240x128xf32, #tpu.memory_space<vmem_shared>>
            tpu.wait_indirect_dma semaphore(%arg14 : memref<!tpu.dma_semaphore, #tpu.memory_space<semaphore_mem>>) src(%arg10 : memref<128x128xf32, #tpu.memory_space<vmem>>) dst(%dma_wait3A_220 : memref<10240x128xf32, #tpu.memory_space<vmem_shared>>)
          } else {
          }
          %add3A_138 = arith.constant 1 : i32
          %add3A_139 = arith.addi %add3A_132, %add3A_138 : i32
          %lt3A_140 = arith.constant 32 : i32
          %lt3A_141 = arith.cmpi slt, %add3A_139, %lt3A_140 : i32
          %convert_element_type3A_142 = arith.extui %lt3A_141 : i1 to i32
          %cond3A_143 = arith.constant 0 : i32
          %cond3A_144 = arith.cmpi ne, %convert_element_type3A_142, %cond3A_143 : i32
          scf.if %cond3A_144 {
            %add3A_214 = arith.constant 1 : i32
            %add3A_215 = arith.addi %add3A_132, %add3A_214 : i32
            %dma_start3A_216 = arith.constant 0 : i32
            %dma_start3A_217 = tpu.memref_slice %arg8[%add3A_215, %dma_start3A_216] : memref<32x128xi32, #tpu.memory_space<vmem>> -> memref<1x128xi32, #tpu.memory_space<vmem>>
            %dma_start3A_218 = tpu.memref_squeeze %dma_start3A_217 : memref<1x128xi32, #tpu.memory_space<vmem>> -> memref<128xi32, #tpu.memory_space<vmem>>
            %dma_start3A_219 = arith.constant 0 : i32
            %dma_start3A_220 = arith.constant 0 : i32
            %dma_start3A_221 = tpu.memref_slice %arg4[%dma_start3A_219, %dma_start3A_220] : memref<40960x128xf32, #tpu.memory_space<hbm>> -> memref<40960x128xf32, #tpu.memory_space<hbm>>
            tpu.enqueue_indirect_dma source(%dma_start3A_221 : memref<40960x128xf32, #tpu.memory_space<hbm>>) target(%arg10 : memref<128x128xf32, #tpu.memory_space<vmem>>) offsets(%dma_start3A_218 : memref<128xi32, #tpu.memory_space<vmem>>) semaphore(%arg12 : memref<!tpu.dma_semaphore, #tpu.memory_space<semaphore_mem>>)
          } else {
          }
          %dma_wait3A_145 = arith.constant 0 : i32
          %dma_wait3A_146 = tpu.memref_slice %arg8[%add3A_132, %dma_wait3A_145] : memref<32x128xi32, #tpu.memory_space<vmem>> -> memref<1x128xi32, #tpu.memory_space<vmem>>
          %dma_wait3A_147 = tpu.memref_squeeze %dma_wait3A_146 : memref<1x128xi32, #tpu.memory_space<vmem>> -> memref<128xi32, #tpu.memory_space<vmem>>
          %dma_wait3A_148 = arith.constant 0 : i32
          %dma_wait3A_149 = arith.constant 0 : i32
          %dma_wait3A_150 = tpu.memref_slice %arg4[%dma_wait3A_148, %dma_wait3A_149] : memref<40960x128xf32, #tpu.memory_space<hbm>> -> memref<40960x128xf32, #tpu.memory_space<hbm>>
          tpu.wait_indirect_dma semaphore(%arg13 : memref<!tpu.dma_semaphore, #tpu.memory_space<semaphore_mem>>) src(%dma_wait3A_150 : memref<40960x128xf32, #tpu.memory_space<hbm>>) dst(%arg11 : memref<128x128xf32, #tpu.memory_space<vmem>>)
          %dma_start3A_151 = arith.constant 0 : i32
          %dma_start3A_152 = tpu.memref_slice %arg9[%add3A_132, %dma_start3A_151] : memref<32x128xi32, #tpu.memory_space<vmem>> -> memref<1x128xi32, #tpu.memory_space<vmem>>
          %dma_start3A_153 = tpu.memref_squeeze %dma_start3A_152 : memref<1x128xi32, #tpu.memory_space<vmem>> -> memref<128xi32, #tpu.memory_space<vmem>>
          %dma_start3A_154 = arith.constant 0 : i32
          %dma_start3A_155 = arith.constant 0 : i32
          %dma_start3A_156 = tpu.memref_slice %arg7[%dma_start3A_154, %dma_start3A_155] : memref<10240x128xf32, #tpu.memory_space<vmem_shared>> -> memref<10240x128xf32, #tpu.memory_space<vmem_shared>>
          tpu.enqueue_indirect_dma source(%arg11 : memref<128x128xf32, #tpu.memory_space<vmem>>) target(%dma_start3A_156 : memref<10240x128xf32, #tpu.memory_space<vmem_shared>>) offsets(%dma_start3A_153 : memref<128xi32, #tpu.memory_space<vmem>>) semaphore(%arg15 : memref<!tpu.dma_semaphore, #tpu.memory_space<semaphore_mem>>) {add = true}
          %mul3A_157 = arith.constant 4 : i32
          %mul3A_158 = arith.muli %mul3A_157, %scan3A_103 : i32
          %add3A_159 = arith.constant 2 : i32
          %add3A_160 = arith.addi %mul3A_158, %add3A_159 : i32
          %ge3A_161 = arith.constant 1 : i32
          %ge3A_162 = arith.cmpi sge, %add3A_160, %ge3A_161 : i32
          %convert_element_type3A_163 = arith.extui %ge3A_162 : i1 to i32
          %cond3A_164 = arith.constant 0 : i32
          %cond3A_165 = arith.cmpi ne, %convert_element_type3A_163, %cond3A_164 : i32
          scf.if %cond3A_165 {
            %sub3A = arith.constant 1 : i32
            %sub3A_214 = arith.subi %add3A_160, %sub3A : i32
            %dma_wait3A_215 = arith.constant 0 : i32
            %dma_wait3A_216 = tpu.memref_slice %arg9[%sub3A_214, %dma_wait3A_215] : memref<32x128xi32, #tpu.memory_space<vmem>> -> memref<1x128xi32, #tpu.memory_space<vmem>>
            %dma_wait3A_217 = tpu.memref_squeeze %dma_wait3A_216 : memref<1x128xi32, #tpu.memory_space<vmem>> -> memref<128xi32, #tpu.memory_space<vmem>>
            %dma_wait3A_218 = arith.constant 0 : i32
            %dma_wait3A_219 = arith.constant 0 : i32
            %dma_wait3A_220 = tpu.memref_slice %arg7[%dma_wait3A_218, %dma_wait3A_219] : memref<10240x128xf32, #tpu.memory_space<vmem_shared>> -> memref<10240x128xf32, #tpu.memory_space<vmem_shared>>
            tpu.wait_indirect_dma semaphore(%arg15 : memref<!tpu.dma_semaphore, #tpu.memory_space<semaphore_mem>>) src(%arg11 : memref<128x128xf32, #tpu.memory_space<vmem>>) dst(%dma_wait3A_220 : memref<10240x128xf32, #tpu.memory_space<vmem_shared>>)
          } else {
          }
          %add3A_166 = arith.constant 1 : i32
          %add3A_167 = arith.addi %add3A_160, %add3A_166 : i32
          %lt3A_168 = arith.constant 32 : i32
          %lt3A_169 = arith.cmpi slt, %add3A_167, %lt3A_168 : i32
          %convert_element_type3A_170 = arith.extui %lt3A_169 : i1 to i32
          %cond3A_171 = arith.constant 0 : i32
          %cond3A_172 = arith.cmpi ne, %convert_element_type3A_170, %cond3A_171 : i32
          scf.if %cond3A_172 {
            %add3A_214 = arith.constant 1 : i32
            %add3A_215 = arith.addi %add3A_160, %add3A_214 : i32
            %dma_start3A_216 = arith.constant 0 : i32
            %dma_start3A_217 = tpu.memref_slice %arg8[%add3A_215, %dma_start3A_216] : memref<32x128xi32, #tpu.memory_space<vmem>> -> memref<1x128xi32, #tpu.memory_space<vmem>>
            %dma_start3A_218 = tpu.memref_squeeze %dma_start3A_217 : memref<1x128xi32, #tpu.memory_space<vmem>> -> memref<128xi32, #tpu.memory_space<vmem>>
            %dma_start3A_219 = arith.constant 0 : i32
            %dma_start3A_220 = arith.constant 0 : i32
            %dma_start3A_221 = tpu.memref_slice %arg4[%dma_start3A_219, %dma_start3A_220] : memref<40960x128xf32, #tpu.memory_space<hbm>> -> memref<40960x128xf32, #tpu.memory_space<hbm>>
            tpu.enqueue_indirect_dma source(%dma_start3A_221 : memref<40960x128xf32, #tpu.memory_space<hbm>>) target(%arg11 : memref<128x128xf32, #tpu.memory_space<vmem>>) offsets(%dma_start3A_218 : memref<128xi32, #tpu.memory_space<vmem>>) semaphore(%arg13 : memref<!tpu.dma_semaphore, #tpu.memory_space<semaphore_mem>>)
          } else {
          }
          %dma_wait3A_173 = arith.constant 0 : i32
          %dma_wait3A_174 = tpu.memref_slice %arg8[%add3A_160, %dma_wait3A_173] : memref<32x128xi32, #tpu.memory_space<vmem>> -> memref<1x128xi32, #tpu.memory_space<vmem>>
          %dma_wait3A_175 = tpu.memref_squeeze %dma_wait3A_174 : memref<1x128xi32, #tpu.memory_space<vmem>> -> memref<128xi32, #tpu.memory_space<vmem>>
          %dma_wait3A_176 = arith.constant 0 : i32
          %dma_wait3A_177 = arith.constant 0 : i32
          %dma_wait3A_178 = tpu.memref_slice %arg4[%dma_wait3A_176, %dma_wait3A_177] : memref<40960x128xf32, #tpu.memory_space<hbm>> -> memref<40960x128xf32, #tpu.memory_space<hbm>>
          tpu.wait_indirect_dma semaphore(%arg12 : memref<!tpu.dma_semaphore, #tpu.memory_space<semaphore_mem>>) src(%dma_wait3A_178 : memref<40960x128xf32, #tpu.memory_space<hbm>>) dst(%arg10 : memref<128x128xf32, #tpu.memory_space<vmem>>)
          %dma_start3A_179 = arith.constant 0 : i32
          %dma_start3A_180 = tpu.memref_slice %arg9[%add3A_160, %dma_start3A_179] : memref<32x128xi32, #tpu.memory_space<vmem>> -> memref<1x128xi32, #tpu.memory_space<vmem>>
          %dma_start3A_181 = tpu.memref_squeeze %dma_start3A_180 : memref<1x128xi32, #tpu.memory_space<vmem>> -> memref<128xi32, #tpu.memory_space<vmem>>
          %dma_start3A_182 = arith.constant 0 : i32
          %dma_start3A_183 = arith.constant 0 : i32
          %dma_start3A_184 = tpu.memref_slice %arg7[%dma_start3A_182, %dma_start3A_183] : memref<10240x128xf32, #tpu.memory_space<vmem_shared>> -> memref<10240x128xf32, #tpu.memory_space<vmem_shared>>
          tpu.enqueue_indirect_dma source(%arg10 : memref<128x128xf32, #tpu.memory_space<vmem>>) target(%dma_start3A_184 : memref<10240x128xf32, #tpu.memory_space<vmem_shared>>) offsets(%dma_start3A_181 : memref<128xi32, #tpu.memory_space<vmem>>) semaphore(%arg14 : memref<!tpu.dma_semaphore, #tpu.memory_space<semaphore_mem>>) {add = true}
          %mul3A_185 = arith.constant 4 : i32
          %mul3A_186 = arith.muli %mul3A_185, %scan3A_103 : i32
          %add3A_187 = arith.constant 3 : i32
          %add3A_188 = arith.addi %mul3A_186, %add3A_187 : i32
          %ge3A_189 = arith.constant 1 : i32
          %ge3A_190 = arith.cmpi sge, %add3A_188, %ge3A_189 : i32
          %convert_element_type3A_191 = arith.extui %ge3A_190 : i1 to i32
          %cond3A_192 = arith.constant 0 : i32
          %cond3A_193 = arith.cmpi ne, %convert_element_type3A_191, %cond3A_192 : i32
          scf.if %cond3A_193 {
            %sub3A = arith.constant 1 : i32
            %sub3A_214 = arith.subi %add3A_188, %sub3A : i32
            %dma_wait3A_215 = arith.constant 0 : i32
            %dma_wait3A_216 = tpu.memref_slice %arg9[%sub3A_214, %dma_wait3A_215] : memref<32x128xi32, #tpu.memory_space<vmem>> -> memref<1x128xi32, #tpu.memory_space<vmem>>
            %dma_wait3A_217 = tpu.memref_squeeze %dma_wait3A_216 : memref<1x128xi32, #tpu.memory_space<vmem>> -> memref<128xi32, #tpu.memory_space<vmem>>
            %dma_wait3A_218 = arith.constant 0 : i32
            %dma_wait3A_219 = arith.constant 0 : i32
            %dma_wait3A_220 = tpu.memref_slice %arg7[%dma_wait3A_218, %dma_wait3A_219] : memref<10240x128xf32, #tpu.memory_space<vmem_shared>> -> memref<10240x128xf32, #tpu.memory_space<vmem_shared>>
            tpu.wait_indirect_dma semaphore(%arg14 : memref<!tpu.dma_semaphore, #tpu.memory_space<semaphore_mem>>) src(%arg10 : memref<128x128xf32, #tpu.memory_space<vmem>>) dst(%dma_wait3A_220 : memref<10240x128xf32, #tpu.memory_space<vmem_shared>>)
          } else {
          }
          %add3A_194 = arith.constant 1 : i32
          %add3A_195 = arith.addi %add3A_188, %add3A_194 : i32
          %lt3A_196 = arith.constant 32 : i32
          %lt3A_197 = arith.cmpi slt, %add3A_195, %lt3A_196 : i32
          %convert_element_type3A_198 = arith.extui %lt3A_197 : i1 to i32
          %cond3A_199 = arith.constant 0 : i32
          %cond3A_200 = arith.cmpi ne, %convert_element_type3A_198, %cond3A_199 : i32
          scf.if %cond3A_200 {
            %add3A_214 = arith.constant 1 : i32
            %add3A_215 = arith.addi %add3A_188, %add3A_214 : i32
            %dma_start3A_216 = arith.constant 0 : i32
            %dma_start3A_217 = tpu.memref_slice %arg8[%add3A_215, %dma_start3A_216] : memref<32x128xi32, #tpu.memory_space<vmem>> -> memref<1x128xi32, #tpu.memory_space<vmem>>
            %dma_start3A_218 = tpu.memref_squeeze %dma_start3A_217 : memref<1x128xi32, #tpu.memory_space<vmem>> -> memref<128xi32, #tpu.memory_space<vmem>>
            %dma_start3A_219 = arith.constant 0 : i32
            %dma_start3A_220 = arith.constant 0 : i32
            %dma_start3A_221 = tpu.memref_slice %arg4[%dma_start3A_219, %dma_start3A_220] : memref<40960x128xf32, #tpu.memory_space<hbm>> -> memref<40960x128xf32, #tpu.memory_space<hbm>>
            tpu.enqueue_indirect_dma source(%dma_start3A_221 : memref<40960x128xf32, #tpu.memory_space<hbm>>) target(%arg10 : memref<128x128xf32, #tpu.memory_space<vmem>>) offsets(%dma_start3A_218 : memref<128xi32, #tpu.memory_space<vmem>>) semaphore(%arg12 : memref<!tpu.dma_semaphore, #tpu.memory_space<semaphore_mem>>)
          } else {
          }
          %dma_wait3A_201 = arith.constant 0 : i32
          %dma_wait3A_202 = tpu.memref_slice %arg8[%add3A_188, %dma_wait3A_201] : memref<32x128xi32, #tpu.memory_space<vmem>> -> memref<1x128xi32, #tpu.memory_space<vmem>>
          %dma_wait3A_203 = tpu.memref_squeeze %dma_wait3A_202 : memref<1x128xi32, #tpu.memory_space<vmem>> -> memref<128xi32, #tpu.memory_space<vmem>>
          %dma_wait3A_204 = arith.constant 0 : i32
          %dma_wait3A_205 = arith.constant 0 : i32
          %dma_wait3A_206 = tpu.memref_slice %arg4[%dma_wait3A_204, %dma_wait3A_205] : memref<40960x128xf32, #tpu.memory_space<hbm>> -> memref<40960x128xf32, #tpu.memory_space<hbm>>
          tpu.wait_indirect_dma semaphore(%arg13 : memref<!tpu.dma_semaphore, #tpu.memory_space<semaphore_mem>>) src(%dma_wait3A_206 : memref<40960x128xf32, #tpu.memory_space<hbm>>) dst(%arg11 : memref<128x128xf32, #tpu.memory_space<vmem>>)
          %dma_start3A_207 = arith.constant 0 : i32
          %dma_start3A_208 = tpu.memref_slice %arg9[%add3A_188, %dma_start3A_207] : memref<32x128xi32, #tpu.memory_space<vmem>> -> memref<1x128xi32, #tpu.memory_space<vmem>>
          %dma_start3A_209 = tpu.memref_squeeze %dma_start3A_208 : memref<1x128xi32, #tpu.memory_space<vmem>> -> memref<128xi32, #tpu.memory_space<vmem>>
          %dma_start3A_210 = arith.constant 0 : i32
          %dma_start3A_211 = arith.constant 0 : i32
          %dma_start3A_212 = tpu.memref_slice %arg7[%dma_start3A_210, %dma_start3A_211] : memref<10240x128xf32, #tpu.memory_space<vmem_shared>> -> memref<10240x128xf32, #tpu.memory_space<vmem_shared>>
          tpu.enqueue_indirect_dma source(%arg11 : memref<128x128xf32, #tpu.memory_space<vmem>>) target(%dma_start3A_212 : memref<10240x128xf32, #tpu.memory_space<vmem_shared>>) offsets(%dma_start3A_209 : memref<128xi32, #tpu.memory_space<vmem>>) semaphore(%arg15 : memref<!tpu.dma_semaphore, #tpu.memory_space<semaphore_mem>>) {add = true}
          %scan3A_213 = arith.constant 0 : i32
          scf.yield %scan3A_213 : i32
        }
        %scan3A_95 = arith.constant 8 : i32
        %dma_wait3A = arith.constant 31 : i32
        %dma_wait3A_96 = arith.constant 0 : i32
        %dma_wait3A_97 = tpu.memref_slice %arg9[%dma_wait3A, %dma_wait3A_96] : memref<32x128xi32, #tpu.memory_space<vmem>> -> memref<1x128xi32, #tpu.memory_space<vmem>>
        %dma_wait3A_98 = tpu.memref_squeeze %dma_wait3A_97 : memref<1x128xi32, #tpu.memory_space<vmem>> -> memref<128xi32, #tpu.memory_space<vmem>>
        %dma_wait3A_99 = arith.constant 0 : i32
        %dma_wait3A_100 = arith.constant 0 : i32
        %dma_wait3A_101 = tpu.memref_slice %arg7[%dma_wait3A_99, %dma_wait3A_100] : memref<10240x128xf32, #tpu.memory_space<vmem_shared>> -> memref<10240x128xf32, #tpu.memory_space<vmem_shared>>
        tpu.wait_indirect_dma semaphore(%arg15 : memref<!tpu.dma_semaphore, #tpu.memory_space<semaphore_mem>>) src(%arg11 : memref<128x128xf32, #tpu.memory_space<vmem>>) dst(%dma_wait3A_101 : memref<10240x128xf32, #tpu.memory_space<vmem_shared>>)
        %scan3A_102 = arith.constant 0 : i32
        scf.yield %scan3A_102 : i32
      }
      %scan3A_34 = arith.constant 5 : i32
      %barrier3A_35 = arith.constant 0 : index
      tpu.barrier barrier_id(%barrier3A_35)
      %mul3A_36 = arith.constant 640 : i32
      %mul3A_37 = arith.muli %arg1, %mul3A_36 : i32
      %add3A_38 = arith.constant 0 : i32
      %add3A_39 = arith.addi %mul3A_37, %add3A_38 : i32
      %mul3A_40 = arith.constant 640 : i32
      %mul3A_41 = arith.muli %arg1, %mul3A_40 : i32
      %add3A_42 = arith.constant 0 : i32
      %add3A_43 = arith.addi %mul3A_41, %add3A_42 : i32
      "tpu.region"() ({
        %run_scoped3A = tpu.sem_alloc : memref<!tpu.dma_semaphore, #tpu.memory_space<semaphore_mem>>
        %dma_start3A = arith.constant 0 : i32
        %dma_start3A_78 = tpu.memref_slice %arg6[%scan3A_7, %arg0, %add3A_43, %dma_start3A] : memref<2x2x10240x128xf32, #tpu.memory_space<hbm>> -> memref<1x1x128x128xf32, #tpu.memory_space<hbm>>
        %dma_start3A_79 = tpu.memref_squeeze %dma_start3A_78 : memref<1x1x128x128xf32, #tpu.memory_space<hbm>> -> memref<128x128xf32, #tpu.memory_space<hbm>>
        %dma_start3A_80 = arith.constant 0 : i32
        %dma_start3A_81 = tpu.memref_slice %arg7[%add3A_39, %dma_start3A_80] : memref<10240x128xf32, #tpu.memory_space<vmem_shared>> -> memref<128x128xf32, #tpu.memory_space<vmem_shared>>
        tpu.enqueue_dma source(%dma_start3A_81 : memref<128x128xf32, #tpu.memory_space<vmem_shared>>) target(%dma_start3A_79 : memref<128x128xf32, #tpu.memory_space<hbm>>) target_semaphore(%run_scoped3A : memref<!tpu.dma_semaphore, #tpu.memory_space<semaphore_mem>>)
        %dma_wait3A = arith.constant 0 : i32
        %dma_wait3A_82 = tpu.memref_slice %arg6[%scan3A_7, %arg0, %add3A_43, %dma_wait3A] : memref<2x2x10240x128xf32, #tpu.memory_space<hbm>> -> memref<1x1x128x128xf32, #tpu.memory_space<hbm>>
        %dma_wait3A_83 = tpu.memref_squeeze %dma_wait3A_82 : memref<1x1x128x128xf32, #tpu.memory_space<hbm>> -> memref<128x128xf32, #tpu.memory_space<hbm>>
        %dma_wait3A_84 = arith.constant 0 : i32
        %dma_wait3A_85 = tpu.memref_slice %arg7[%add3A_39, %dma_wait3A_84] : memref<10240x128xf32, #tpu.memory_space<vmem_shared>> -> memref<128x128xf32, #tpu.memory_space<vmem_shared>>
        tpu.wait_dma2 semaphore(%run_scoped3A : memref<!tpu.dma_semaphore, #tpu.memory_space<semaphore_mem>>) src(%dma_wait3A_85 : memref<128x128xf32, #tpu.memory_space<vmem_shared>>) dst(%dma_wait3A_83 : memref<128x128xf32, #tpu.memory_space<hbm>>)
        tpu.yield
      }) : () -> ()
      %mul3A_44 = arith.constant 640 : i32
      %mul3A_45 = arith.muli %arg1, %mul3A_44 : i32
      %add3A_46 = arith.constant 128 : i32
      %add3A_47 = arith.addi %mul3A_45, %add3A_46 : i32
      %mul3A_48 = arith.constant 640 : i32
      %mul3A_49 = arith.muli %arg1, %mul3A_48 : i32
      %add3A_50 = arith.constant 128 : i32
      %add3A_51 = arith.addi %mul3A_49, %add3A_50 : i32
      "tpu.region"() ({
        %run_scoped3A = tpu.sem_alloc : memref<!tpu.dma_semaphore, #tpu.memory_space<semaphore_mem>>
        %dma_start3A = arith.constant 0 : i32
        %dma_start3A_78 = tpu.memref_slice %arg6[%scan3A_7, %arg0, %add3A_51, %dma_start3A] : memref<2x2x10240x128xf32, #tpu.memory_space<hbm>> -> memref<1x1x128x128xf32, #tpu.memory_space<hbm>>
        %dma_start3A_79 = tpu.memref_squeeze %dma_start3A_78 : memref<1x1x128x128xf32, #tpu.memory_space<hbm>> -> memref<128x128xf32, #tpu.memory_space<hbm>>
        %dma_start3A_80 = arith.constant 0 : i32
        %dma_start3A_81 = tpu.memref_slice %arg7[%add3A_47, %dma_start3A_80] : memref<10240x128xf32, #tpu.memory_space<vmem_shared>> -> memref<128x128xf32, #tpu.memory_space<vmem_shared>>
        tpu.enqueue_dma source(%dma_start3A_81 : memref<128x128xf32, #tpu.memory_space<vmem_shared>>) target(%dma_start3A_79 : memref<128x128xf32, #tpu.memory_space<hbm>>) target_semaphore(%run_scoped3A : memref<!tpu.dma_semaphore, #tpu.memory_space<semaphore_mem>>)
        %dma_wait3A = arith.constant 0 : i32
        %dma_wait3A_82 = tpu.memref_slice %arg6[%scan3A_7, %arg0, %add3A_51, %dma_wait3A] : memref<2x2x10240x128xf32, #tpu.memory_space<hbm>> -> memref<1x1x128x128xf32, #tpu.memory_space<hbm>>
        %dma_wait3A_83 = tpu.memref_squeeze %dma_wait3A_82 : memref<1x1x128x128xf32, #tpu.memory_space<hbm>> -> memref<128x128xf32, #tpu.memory_space<hbm>>
        %dma_wait3A_84 = arith.constant 0 : i32
        %dma_wait3A_85 = tpu.memref_slice %arg7[%add3A_47, %dma_wait3A_84] : memref<10240x128xf32, #tpu.memory_space<vmem_shared>> -> memref<128x128xf32, #tpu.memory_space<vmem_shared>>
        tpu.wait_dma2 semaphore(%run_scoped3A : memref<!tpu.dma_semaphore, #tpu.memory_space<semaphore_mem>>) src(%dma_wait3A_85 : memref<128x128xf32, #tpu.memory_space<vmem_shared>>) dst(%dma_wait3A_83 : memref<128x128xf32, #tpu.memory_space<hbm>>)
        tpu.yield
      }) : () -> ()
      %mul3A_52 = arith.constant 640 : i32
      %mul3A_53 = arith.muli %arg1, %mul3A_52 : i32
      %add3A_54 = arith.constant 256 : i32
      %add3A_55 = arith.addi %mul3A_53, %add3A_54 : i32
      %mul3A_56 = arith.constant 640 : i32
      %mul3A_57 = arith.muli %arg1, %mul3A_56 : i32
      %add3A_58 = arith.constant 256 : i32
      %add3A_59 = arith.addi %mul3A_57, %add3A_58 : i32
      "tpu.region"() ({
        %run_scoped3A = tpu.sem_alloc : memref<!tpu.dma_semaphore, #tpu.memory_space<semaphore_mem>>
        %dma_start3A = arith.constant 0 : i32
        %dma_start3A_78 = tpu.memref_slice %arg6[%scan3A_7, %arg0, %add3A_59, %dma_start3A] : memref<2x2x10240x128xf32, #tpu.memory_space<hbm>> -> memref<1x1x128x128xf32, #tpu.memory_space<hbm>>
        %dma_start3A_79 = tpu.memref_squeeze %dma_start3A_78 : memref<1x1x128x128xf32, #tpu.memory_space<hbm>> -> memref<128x128xf32, #tpu.memory_space<hbm>>
        %dma_start3A_80 = arith.constant 0 : i32
        %dma_start3A_81 = tpu.memref_slice %arg7[%add3A_55, %dma_start3A_80] : memref<10240x128xf32, #tpu.memory_space<vmem_shared>> -> memref<128x128xf32, #tpu.memory_space<vmem_shared>>
        tpu.enqueue_dma source(%dma_start3A_81 : memref<128x128xf32, #tpu.memory_space<vmem_shared>>) target(%dma_start3A_79 : memref<128x128xf32, #tpu.memory_space<hbm>>) target_semaphore(%run_scoped3A : memref<!tpu.dma_semaphore, #tpu.memory_space<semaphore_mem>>)
        %dma_wait3A = arith.constant 0 : i32
        %dma_wait3A_82 = tpu.memref_slice %arg6[%scan3A_7, %arg0, %add3A_59, %dma_wait3A] : memref<2x2x10240x128xf32, #tpu.memory_space<hbm>> -> memref<1x1x128x128xf32, #tpu.memory_space<hbm>>
        %dma_wait3A_83 = tpu.memref_squeeze %dma_wait3A_82 : memref<1x1x128x128xf32, #tpu.memory_space<hbm>> -> memref<128x128xf32, #tpu.memory_space<hbm>>
        %dma_wait3A_84 = arith.constant 0 : i32
        %dma_wait3A_85 = tpu.memref_slice %arg7[%add3A_55, %dma_wait3A_84] : memref<10240x128xf32, #tpu.memory_space<vmem_shared>> -> memref<128x128xf32, #tpu.memory_space<vmem_shared>>
        tpu.wait_dma2 semaphore(%run_scoped3A : memref<!tpu.dma_semaphore, #tpu.memory_space<semaphore_mem>>) src(%dma_wait3A_85 : memref<128x128xf32, #tpu.memory_space<vmem_shared>>) dst(%dma_wait3A_83 : memref<128x128xf32, #tpu.memory_space<hbm>>)
        tpu.yield
      }) : () -> ()
      %mul3A_60 = arith.constant 640 : i32
      %mul3A_61 = arith.muli %arg1, %mul3A_60 : i32
      %add3A_62 = arith.constant 384 : i32
      %add3A_63 = arith.addi %mul3A_61, %add3A_62 : i32
      %mul3A_64 = arith.constant 640 : i32
      %mul3A_65 = arith.muli %arg1, %mul3A_64 : i32
      %add3A_66 = arith.constant 384 : i32
      %add3A_67 = arith.addi %mul3A_65, %add3A_66 : i32
      "tpu.region"() ({
        %run_scoped3A = tpu.sem_alloc : memref<!tpu.dma_semaphore, #tpu.memory_space<semaphore_mem>>
        %dma_start3A = arith.constant 0 : i32
        %dma_start3A_78 = tpu.memref_slice %arg6[%scan3A_7, %arg0, %add3A_67, %dma_start3A] : memref<2x2x10240x128xf32, #tpu.memory_space<hbm>> -> memref<1x1x128x128xf32, #tpu.memory_space<hbm>>
        %dma_start3A_79 = tpu.memref_squeeze %dma_start3A_78 : memref<1x1x128x128xf32, #tpu.memory_space<hbm>> -> memref<128x128xf32, #tpu.memory_space<hbm>>
        %dma_start3A_80 = arith.constant 0 : i32
        %dma_start3A_81 = tpu.memref_slice %arg7[%add3A_63, %dma_start3A_80] : memref<10240x128xf32, #tpu.memory_space<vmem_shared>> -> memref<128x128xf32, #tpu.memory_space<vmem_shared>>
        tpu.enqueue_dma source(%dma_start3A_81 : memref<128x128xf32, #tpu.memory_space<vmem_shared>>) target(%dma_start3A_79 : memref<128x128xf32, #tpu.memory_space<hbm>>) target_semaphore(%run_scoped3A : memref<!tpu.dma_semaphore, #tpu.memory_space<semaphore_mem>>)
        %dma_wait3A = arith.constant 0 : i32
        %dma_wait3A_82 = tpu.memref_slice %arg6[%scan3A_7, %arg0, %add3A_67, %dma_wait3A] : memref<2x2x10240x128xf32, #tpu.memory_space<hbm>> -> memref<1x1x128x128xf32, #tpu.memory_space<hbm>>
        %dma_wait3A_83 = tpu.memref_squeeze %dma_wait3A_82 : memref<1x1x128x128xf32, #tpu.memory_space<hbm>> -> memref<128x128xf32, #tpu.memory_space<hbm>>
        %dma_wait3A_84 = arith.constant 0 : i32
        %dma_wait3A_85 = tpu.memref_slice %arg7[%add3A_63, %dma_wait3A_84] : memref<10240x128xf32, #tpu.memory_space<vmem_shared>> -> memref<128x128xf32, #tpu.memory_space<vmem_shared>>
        tpu.wait_dma2 semaphore(%run_scoped3A : memref<!tpu.dma_semaphore, #tpu.memory_space<semaphore_mem>>) src(%dma_wait3A_85 : memref<128x128xf32, #tpu.memory_space<vmem_shared>>) dst(%dma_wait3A_83 : memref<128x128xf32, #tpu.memory_space<hbm>>)
        tpu.yield
      }) : () -> ()
      %mul3A_68 = arith.constant 640 : i32
      %mul3A_69 = arith.muli %arg1, %mul3A_68 : i32
      %add3A_70 = arith.constant 512 : i32
      %add3A_71 = arith.addi %mul3A_69, %add3A_70 : i32
      %mul3A_72 = arith.constant 640 : i32
      %mul3A_73 = arith.muli %arg1, %mul3A_72 : i32
      %add3A_74 = arith.constant 512 : i32
      %add3A_75 = arith.addi %mul3A_73, %add3A_74 : i32
      "tpu.region"() ({
        %run_scoped3A = tpu.sem_alloc : memref<!tpu.dma_semaphore, #tpu.memory_space<semaphore_mem>>
        %dma_start3A = arith.constant 0 : i32
        %dma_start3A_78 = tpu.memref_slice %arg6[%scan3A_7, %arg0, %add3A_75, %dma_start3A] : memref<2x2x10240x128xf32, #tpu.memory_space<hbm>> -> memref<1x1x128x128xf32, #tpu.memory_space<hbm>>
        %dma_start3A_79 = tpu.memref_squeeze %dma_start3A_78 : memref<1x1x128x128xf32, #tpu.memory_space<hbm>> -> memref<128x128xf32, #tpu.memory_space<hbm>>
        %dma_start3A_80 = arith.constant 0 : i32
        %dma_start3A_81 = tpu.memref_slice %arg7[%add3A_71, %dma_start3A_80] : memref<10240x128xf32, #tpu.memory_space<vmem_shared>> -> memref<128x128xf32, #tpu.memory_space<vmem_shared>>
        tpu.enqueue_dma source(%dma_start3A_81 : memref<128x128xf32, #tpu.memory_space<vmem_shared>>) target(%dma_start3A_79 : memref<128x128xf32, #tpu.memory_space<hbm>>) target_semaphore(%run_scoped3A : memref<!tpu.dma_semaphore, #tpu.memory_space<semaphore_mem>>)
        %dma_wait3A = arith.constant 0 : i32
        %dma_wait3A_82 = tpu.memref_slice %arg6[%scan3A_7, %arg0, %add3A_75, %dma_wait3A] : memref<2x2x10240x128xf32, #tpu.memory_space<hbm>> -> memref<1x1x128x128xf32, #tpu.memory_space<hbm>>
        %dma_wait3A_83 = tpu.memref_squeeze %dma_wait3A_82 : memref<1x1x128x128xf32, #tpu.memory_space<hbm>> -> memref<128x128xf32, #tpu.memory_space<hbm>>
        %dma_wait3A_84 = arith.constant 0 : i32
        %dma_wait3A_85 = tpu.memref_slice %arg7[%add3A_71, %dma_wait3A_84] : memref<10240x128xf32, #tpu.memory_space<vmem_shared>> -> memref<128x128xf32, #tpu.memory_space<vmem_shared>>
        tpu.wait_dma2 semaphore(%run_scoped3A : memref<!tpu.dma_semaphore, #tpu.memory_space<semaphore_mem>>) src(%dma_wait3A_85 : memref<128x128xf32, #tpu.memory_space<vmem_shared>>) dst(%dma_wait3A_83 : memref<128x128xf32, #tpu.memory_space<hbm>>)
        tpu.yield
      }) : () -> ()
      %barrier3A_76 = arith.constant 0 : index
      tpu.barrier barrier_id(%barrier3A_76)
      %scan3A_77 = arith.constant 0 : i32
      scf.yield %scan3A_77 : i32
    }
    %scan3A_6 = arith.constant 2 : i32
    return
  }
}

module attributes {stable_mosaic.version = 14 : i64} {
  func.func @_tc1_body(%arg0: i32, %arg1: i32, %arg2: memref<1x512x1xf32, #tpu.memory_space<vmem>>, %arg3: memref<1x512x1xf32, #tpu.memory_space<vmem>>, %arg4: memref<16x128xf32, #tpu.memory_space<vmem>>, %arg5: memref<128x256xf32, #tpu.memory_space<vmem>>, %arg6: memref<1x2x512x128xf32, #tpu.memory_space<vmem>>) attributes {dimension_semantics = [#tpu.dimension_semantics<arbitrary>, #tpu.dimension_semantics<arbitrary>], iteration_bounds = array<i64: 2, 20>, scalar_prefetch = 0 : i64, scratch_operands = 0 : i64, tpu.core_type = #tpu.core_type<tc>, window_params = [{transform_indices = @transform_0, window_bounds = array<i64: 1, 512, 1>}, {transform_indices = @transform_1, window_bounds = array<i64: 1, 512, 1>}, {pipeline_mode = #tpu.pipeline_mode<synchronous>, transform_indices = @transform_2, window_bounds = array<i64: 16, 128>}, {pipeline_mode = #tpu.pipeline_mode<synchronous>, transform_indices = @transform_3, window_bounds = array<i64: 128, 256>}, {transform_indices = @transform_4, window_bounds = array<i64: 1, 2, 512, 128>}]} {
    %get3A = arith.constant 0 : index
    %get3A_0 = arith.constant 0 : index
    %get3A_1 = arith.constant 0 : index
    %get3A_2 = vector.load %arg2[%get3A, %get3A_0, %get3A_1] : memref<1x512x1xf32, #tpu.memory_space<vmem>>, vector<1x512x1xf32>
    %get3A_3 = vector.shape_cast %get3A_2 : vector<1x512x1xf32> to vector<512x1xf32>
    %iota3A = tpu.iota {dimensions = array<i32: 1>} : vector<512x16xi32>
    %convert_element_type3A = arith.sitofp %iota3A : vector<512x16xi32> to vector<512x16xf32>
    %eq3A = vector.broadcast %get3A_3 : vector<512x1xf32> to vector<512x16xf32>
    %eq3A_4 = arith.cmpf oeq, %eq3A, %convert_element_type3A : vector<512x16xf32>
    %convert_element_type3A_5 = arith.extui %eq3A_4 : vector<512x16xi1> to vector<512x16xi32>
    %convert_element_type3A_6 = arith.sitofp %convert_element_type3A_5 : vector<512x16xi32> to vector<512x16xf32>
    %get3A_7 = arith.constant 0 : index
    %get3A_8 = arith.constant 0 : index
    %get3A_9 = vector.load %arg4[%get3A_7, %get3A_8] : memref<16x128xf32, #tpu.memory_space<vmem>>, vector<16x128xf32>
    %get3A_10 = arith.constant 0 : index
    %get3A_11 = arith.constant 0 : index
    %get3A_12 = vector.load %arg5[%get3A_10, %get3A_11] : memref<128x256xf32, #tpu.memory_space<vmem>>, vector<128x256xf32>
    %dot_general3A = arith.constant dense<0.000000e+00> : vector<16x256xf32>
    %dot_general3A_13 = tpu.matmul %get3A_9, %get3A_12, %dot_general3A {dimension_numbers = #tpu.dot_dimension_numbers<[1], [0], [0], [1], [0, 0, 1, 1], [], []>, transpose_lhs_hint = false} : vector<16x128xf32>, vector<128x256xf32>, vector<16x256xf32> -> vector<16x256xf32>
    %dot_general3A_14 = arith.constant dense<0.000000e+00> : vector<512x256xf32>
    %dot_general3A_15 = tpu.matmul %convert_element_type3A_6, %dot_general3A_13, %dot_general3A_14 {dimension_numbers = #tpu.dot_dimension_numbers<[1], [0], [0], [1], [0, 0, 1, 1], [], []>, transpose_lhs_hint = false} : vector<512x16xf32>, vector<16x256xf32>, vector<512x256xf32> -> vector<512x256xf32>
    %get3A_16 = arith.constant 0 : index
    %get3A_17 = arith.constant 0 : index
    %get3A_18 = arith.constant 0 : index
    %get3A_19 = vector.load %arg3[%get3A_16, %get3A_17, %get3A_18] : memref<1x512x1xf32, #tpu.memory_space<vmem>>, vector<1x512x1xf32>
    %get3A_20 = vector.shape_cast %get3A_19 : vector<1x512x1xf32> to vector<512x1xf32>
    %add3A = arith.constant 1.000000e+00 : f32
    %add3A_21 = vector.broadcast %add3A : f32 to vector<512x1xf32>
    %add3A_22 = arith.addf %get3A_20, %add3A_21 : vector<512x1xf32>
    %rsqrt3A = math.rsqrt %add3A_22 : vector<512x1xf32>
    %mul3A = vector.broadcast %rsqrt3A : vector<512x1xf32> to vector<512x256xf32>
    %mul3A_23 = arith.mulf %dot_general3A_15, %mul3A : vector<512x256xf32>
    %slice3A = vector.extract_strided_slice %mul3A_23 {offsets = [0, 0], sizes = [512, 128], strides = [1, 1]} : vector<512x256xf32> to vector<512x128xf32>
    %swap3A = arith.constant 0 : index
    %swap3A_24 = arith.constant 0 : index
    %swap3A_25 = arith.constant 0 : index
    %swap3A_26 = arith.constant 0 : index
    %swap3A_27 = vector.load %arg6[%swap3A, %swap3A_24, %swap3A_25, %swap3A_26] : memref<1x2x512x128xf32, #tpu.memory_space<vmem>>, vector<1x1x512x128xf32>
    %swap3A_28 = vector.shape_cast %swap3A_27 : vector<1x1x512x128xf32> to vector<512x128xf32>
    %swap3A_29 = vector.shape_cast %slice3A : vector<512x128xf32> to vector<1x1x512x128xf32>
    tpu.vector_store %arg6[%swap3A, %swap3A_24, %swap3A_25, %swap3A_26], %swap3A_29 {strides = array<i32>} : memref<1x2x512x128xf32, #tpu.memory_space<vmem>>, vector<1x1x512x128xf32>,
    %slice3A_30 = vector.extract_strided_slice %mul3A_23 {offsets = [0, 128], sizes = [512, 128], strides = [1, 1]} : vector<512x256xf32> to vector<512x128xf32>
    %swap3A_31 = arith.constant 0 : index
    %swap3A_32 = arith.constant 1 : index
    %swap3A_33 = arith.constant 0 : index
    %swap3A_34 = arith.constant 0 : index
    %swap3A_35 = vector.load %arg6[%swap3A_31, %swap3A_32, %swap3A_33, %swap3A_34] : memref<1x2x512x128xf32, #tpu.memory_space<vmem>>, vector<1x1x512x128xf32>
    %swap3A_36 = vector.shape_cast %swap3A_35 : vector<1x1x512x128xf32> to vector<512x128xf32>
    %swap3A_37 = vector.shape_cast %slice3A_30 : vector<512x128xf32> to vector<1x1x512x128xf32>
    tpu.vector_store %arg6[%swap3A_31, %swap3A_32, %swap3A_33, %swap3A_34], %swap3A_37 {strides = array<i32>} : memref<1x2x512x128xf32, #tpu.memory_space<vmem>>, vector<1x1x512x128xf32>,
    return
  }
  func.func @transform_0(%arg0: i32, %arg1: i32) -> (i32, i32, i32) {
    %c0_i32 = arith.constant 0 : i32
    %c0_i32_0 = arith.constant 0 : i32
    return %arg0, %arg1, %c0_i32 : i32, i32, i32
  }
  func.func @transform_1(%arg0: i32, %arg1: i32) -> (i32, i32, i32) {
    %c0_i32 = arith.constant 0 : i32
    %c0_i32_0 = arith.constant 0 : i32
    return %arg0, %arg1, %c0_i32 : i32, i32, i32
  }
  func.func @transform_2(%arg0: i32, %arg1: i32) -> (i32, i32) {
    %c0_i32 = arith.constant 0 : i32
    %c0_i32_0 = arith.constant 0 : i32
    %c0_i32_1 = arith.constant 0 : i32
    return %c0_i32, %c0_i32_0 : i32, i32
  }
  func.func @transform_3(%arg0: i32, %arg1: i32) -> (i32, i32) {
    %c0_i32 = arith.constant 0 : i32
    %c0_i32_0 = arith.constant 0 : i32
    %c0_i32_1 = arith.constant 0 : i32
    return %c0_i32, %c0_i32_0 : i32, i32
  }
  func.func @transform_4(%arg0: i32, %arg1: i32) -> (i32, i32, i32, i32) {
    %c0_i32 = arith.constant 0 : i32
    %c0_i32_0 = arith.constant 0 : i32
    %c0_i32_1 = arith.constant 0 : i32
    return %arg0, %c0_i32, %arg1, %c0_i32_0 : i32, i32, i32, i32
  }
}

module attributes {stable_mosaic.version = 14 : i64} {
  func.func @_tc3_body(%arg0: i32, %arg1: i32, %arg2: memref<1x2x512x128xf32, #tpu.memory_space<vmem>>, %arg3: memref<1x2x512x128xf32, #tpu.memory_space<vmem>>, %arg4: memref<1x512x1xf32, #tpu.memory_space<vmem>>, %arg5: memref<1x256xf32, #tpu.memory_space<vmem>>, %arg6: memref<256x256xf32, #tpu.memory_space<vmem>>, %arg7: memref<1x2x512x128xf32, #tpu.memory_space<vmem>>) attributes {dimension_semantics = [#tpu.dimension_semantics<arbitrary>, #tpu.dimension_semantics<arbitrary>], iteration_bounds = array<i64: 2, 20>, scalar_prefetch = 0 : i64, scratch_operands = 0 : i64, tpu.core_type = #tpu.core_type<tc>, window_params = [{transform_indices = @transform_0, window_bounds = array<i64: 1, 2, 512, 128>}, {transform_indices = @transform_1, window_bounds = array<i64: 1, 2, 512, 128>}, {transform_indices = @transform_2, window_bounds = array<i64: 1, 512, 1>}, {pipeline_mode = #tpu.pipeline_mode<synchronous>, transform_indices = @transform_3, window_bounds = array<i64: 1, 256>}, {pipeline_mode = #tpu.pipeline_mode<synchronous>, transform_indices = @transform_4, window_bounds = array<i64: 256, 256>}, {transform_indices = @transform_5, window_bounds = array<i64: 1, 2, 512, 128>}]} {
    %get3A = arith.constant 0 : index
    %get3A_0 = arith.constant 0 : index
    %get3A_1 = arith.constant 0 : index
    %get3A_2 = vector.load %arg4[%get3A, %get3A_0, %get3A_1] : memref<1x512x1xf32, #tpu.memory_space<vmem>>, vector<1x512x1xf32>
    %get3A_3 = vector.shape_cast %get3A_2 : vector<1x512x1xf32> to vector<512x1xf32>
    %add3A = arith.constant 1.000000e+00 : f32
    %add3A_4 = vector.broadcast %add3A : f32 to vector<512x1xf32>
    %add3A_5 = arith.addf %get3A_3, %add3A_4 : vector<512x1xf32>
    %rsqrt3A = math.rsqrt %add3A_5 : vector<512x1xf32>
    %get3A_6 = arith.constant 0 : index
    %get3A_7 = arith.constant 0 : index
    %get3A_8 = arith.constant 0 : index
    %get3A_9 = arith.constant 0 : index
    %get3A_10 = vector.load %arg2[%get3A_6, %get3A_7, %get3A_8, %get3A_9] : memref<1x2x512x128xf32, #tpu.memory_space<vmem>>, vector<1x1x512x128xf32>
    %get3A_11 = vector.shape_cast %get3A_10 : vector<1x1x512x128xf32> to vector<512x128xf32>
    %get3A_12 = arith.constant 0 : index
    %get3A_13 = arith.constant 1 : index
    %get3A_14 = arith.constant 0 : index
    %get3A_15 = arith.constant 0 : index
    %get3A_16 = vector.load %arg2[%get3A_12, %get3A_13, %get3A_14, %get3A_15] : memref<1x2x512x128xf32, #tpu.memory_space<vmem>>, vector<1x1x512x128xf32>
    %get3A_17 = vector.shape_cast %get3A_16 : vector<1x1x512x128xf32> to vector<512x128xf32>
    %concatenate3A = tpu.concatenate %get3A_11, %get3A_17 in 1 : vector<512x128xf32>, vector<512x128xf32> -> vector<512x256xf32>
    %get3A_18 = arith.constant 0 : index
    %get3A_19 = arith.constant 0 : index
    %get3A_20 = arith.constant 0 : index
    %get3A_21 = arith.constant 0 : index
    %get3A_22 = vector.load %arg3[%get3A_18, %get3A_19, %get3A_20, %get3A_21] : memref<1x2x512x128xf32, #tpu.memory_space<vmem>>, vector<1x1x512x128xf32>
    %get3A_23 = vector.shape_cast %get3A_22 : vector<1x1x512x128xf32> to vector<512x128xf32>
    %get3A_24 = arith.constant 0 : index
    %get3A_25 = arith.constant 1 : index
    %get3A_26 = arith.constant 0 : index
    %get3A_27 = arith.constant 0 : index
    %get3A_28 = vector.load %arg3[%get3A_24, %get3A_25, %get3A_26, %get3A_27] : memref<1x2x512x128xf32, #tpu.memory_space<vmem>>, vector<1x1x512x128xf32>
    %get3A_29 = vector.shape_cast %get3A_28 : vector<1x1x512x128xf32> to vector<512x128xf32>
    %concatenate3A_30 = tpu.concatenate %get3A_23, %get3A_29 in 1 : vector<512x128xf32>, vector<512x128xf32> -> vector<512x256xf32>
    %add3A_31 = arith.addf %concatenate3A, %concatenate3A_30 : vector<512x256xf32>
    %mul3A = vector.broadcast %rsqrt3A : vector<512x1xf32> to vector<512x256xf32>
    %mul3A_32 = arith.mulf %add3A_31, %mul3A : vector<512x256xf32>
    %get3A_33 = arith.constant 0 : index
    %get3A_34 = arith.constant 0 : index
    %get3A_35 = vector.load %arg5[%get3A_33, %get3A_34] : memref<1x256xf32, #tpu.memory_space<vmem>>, vector<1x256xf32>
    %add3A_36 = vector.broadcast %get3A_35 : vector<1x256xf32> to vector<512x256xf32>
    %add3A_37 = arith.addf %mul3A_32, %add3A_36 : vector<512x256xf32>
    %max3A = arith.constant 0.000000e+00 : f32
    %max3A_38 = vector.broadcast %max3A : f32 to vector<512x256xf32>
    %max3A_39 = arith.maximumf %add3A_37, %max3A_38 : vector<512x256xf32>
    %get3A_40 = arith.constant 0 : index
    %get3A_41 = arith.constant 0 : index
    %get3A_42 = vector.load %arg6[%get3A_40, %get3A_41] : memref<256x256xf32, #tpu.memory_space<vmem>>, vector<256x256xf32>
    %dot_general3A = arith.constant dense<0.000000e+00> : vector<512x256xf32>
    %dot_general3A_43 = tpu.matmul %max3A_39, %get3A_42, %dot_general3A {dimension_numbers = #tpu.dot_dimension_numbers<[1], [0], [0], [1], [0, 0, 1, 1], [], []>, transpose_lhs_hint = false} : vector<512x256xf32>, vector<256x256xf32>, vector<512x256xf32> -> vector<512x256xf32>
    %mul3A_44 = vector.broadcast %rsqrt3A : vector<512x1xf32> to vector<512x256xf32>
    %mul3A_45 = arith.mulf %dot_general3A_43, %mul3A_44 : vector<512x256xf32>
    %slice3A = vector.extract_strided_slice %mul3A_45 {offsets = [0, 0], sizes = [512, 128], strides = [1, 1]} : vector<512x256xf32> to vector<512x128xf32>
    %swap3A = arith.constant 0 : index
    %swap3A_46 = arith.constant 0 : index
    %swap3A_47 = arith.constant 0 : index
    %swap3A_48 = arith.constant 0 : index
    %swap3A_49 = vector.load %arg7[%swap3A, %swap3A_46, %swap3A_47, %swap3A_48] : memref<1x2x512x128xf32, #tpu.memory_space<vmem>>, vector<1x1x512x128xf32>
    %swap3A_50 = vector.shape_cast %swap3A_49 : vector<1x1x512x128xf32> to vector<512x128xf32>
    %swap3A_51 = vector.shape_cast %slice3A : vector<512x128xf32> to vector<1x1x512x128xf32>
    tpu.vector_store %arg7[%swap3A, %swap3A_46, %swap3A_47, %swap3A_48], %swap3A_51 {strides = array<i32>} : memref<1x2x512x128xf32, #tpu.memory_space<vmem>>, vector<1x1x512x128xf32>,
    %slice3A_52 = vector.extract_strided_slice %mul3A_45 {offsets = [0, 128], sizes = [512, 128], strides = [1, 1]} : vector<512x256xf32> to vector<512x128xf32>
    %swap3A_53 = arith.constant 0 : index
    %swap3A_54 = arith.constant 1 : index
    %swap3A_55 = arith.constant 0 : index
    %swap3A_56 = arith.constant 0 : index
    %swap3A_57 = vector.load %arg7[%swap3A_53, %swap3A_54, %swap3A_55, %swap3A_56] : memref<1x2x512x128xf32, #tpu.memory_space<vmem>>, vector<1x1x512x128xf32>
    %swap3A_58 = vector.shape_cast %swap3A_57 : vector<1x1x512x128xf32> to vector<512x128xf32>
    %swap3A_59 = vector.shape_cast %slice3A_52 : vector<512x128xf32> to vector<1x1x512x128xf32>
    tpu.vector_store %arg7[%swap3A_53, %swap3A_54, %swap3A_55, %swap3A_56], %swap3A_59 {strides = array<i32>} : memref<1x2x512x128xf32, #tpu.memory_space<vmem>>, vector<1x1x512x128xf32>,
    return
  }
  func.func @transform_0(%arg0: i32, %arg1: i32) -> (i32, i32, i32, i32) {
    %c0_i32 = arith.constant 0 : i32
    %c0_i32_0 = arith.constant 0 : i32
    %c0_i32_1 = arith.constant 0 : i32
    return %arg0, %c0_i32, %arg1, %c0_i32_0 : i32, i32, i32, i32
  }
  func.func @transform_1(%arg0: i32, %arg1: i32) -> (i32, i32, i32, i32) {
    %c0_i32 = arith.constant 0 : i32
    %c0_i32_0 = arith.constant 0 : i32
    %c0_i32_1 = arith.constant 0 : i32
    return %arg0, %c0_i32, %arg1, %c0_i32_0 : i32, i32, i32, i32
  }
  func.func @transform_2(%arg0: i32, %arg1: i32) -> (i32, i32, i32) {
    %c0_i32 = arith.constant 0 : i32
    %c0_i32_0 = arith.constant 0 : i32
    return %arg0, %arg1, %c0_i32 : i32, i32, i32
  }
  func.func @transform_3(%arg0: i32, %arg1: i32) -> (i32, i32) {
    %c0_i32 = arith.constant 0 : i32
    %c0_i32_0 = arith.constant 0 : i32
    %c0_i32_1 = arith.constant 0 : i32
    return %c0_i32, %c0_i32_0 : i32, i32
  }
  func.func @transform_4(%arg0: i32, %arg1: i32) -> (i32, i32) {
    %c0_i32 = arith.constant 0 : i32
    %c0_i32_0 = arith.constant 0 : i32
    %c0_i32_1 = arith.constant 0 : i32
    return %c0_i32, %c0_i32_0 : i32, i32
  }
  func.func @transform_5(%arg0: i32, %arg1: i32) -> (i32, i32, i32, i32) {
    %c0_i32 = arith.constant 0 : i32
    %c0_i32_0 = arith.constant 0 : i32
    %c0_i32_1 = arith.constant 0 : i32
    return %arg0, %c0_i32, %arg1, %c0_i32_0 : i32, i32, i32, i32
  }
}

module attributes {stable_mosaic.version = 14 : i64} {
  func.func @_tc5_body(%arg0: i32, %arg1: i32, %arg2: memref<1x2x512x128xf32, #tpu.memory_space<vmem>>, %arg3: memref<1x2x512x128xf32, #tpu.memory_space<vmem>>, %arg4: memref<1x512x1xf32, #tpu.memory_space<vmem>>, %arg5: memref<1x256xf32, #tpu.memory_space<vmem>>, %arg6: memref<1x512x1xf32, #tpu.memory_space<vmem>>, %arg7: memref<1x512x256xf32, #tpu.memory_space<vmem>>) attributes {dimension_semantics = [#tpu.dimension_semantics<arbitrary>, #tpu.dimension_semantics<arbitrary>], iteration_bounds = array<i64: 2, 20>, scalar_prefetch = 0 : i64, scratch_operands = 0 : i64, tpu.core_type = #tpu.core_type<tc>, window_params = [{transform_indices = @transform_0, window_bounds = array<i64: 1, 2, 512, 128>}, {transform_indices = @transform_1, window_bounds = array<i64: 1, 2, 512, 128>}, {transform_indices = @transform_2, window_bounds = array<i64: 1, 512, 1>}, {pipeline_mode = #tpu.pipeline_mode<synchronous>, transform_indices = @transform_3, window_bounds = array<i64: 1, 256>}, {transform_indices = @transform_4, window_bounds = array<i64: 1, 512, 1>}, {transform_indices = @transform_5, window_bounds = array<i64: 1, 512, 256>}]} {
    %get3A = arith.constant 0 : index
    %get3A_0 = arith.constant 0 : index
    %get3A_1 = arith.constant 0 : index
    %get3A_2 = vector.load %arg4[%get3A, %get3A_0, %get3A_1] : memref<1x512x1xf32, #tpu.memory_space<vmem>>, vector<1x512x1xf32>
    %get3A_3 = vector.shape_cast %get3A_2 : vector<1x512x1xf32> to vector<512x1xf32>
    %add3A = arith.constant 1.000000e+00 : f32
    %add3A_4 = vector.broadcast %add3A : f32 to vector<512x1xf32>
    %add3A_5 = arith.addf %get3A_3, %add3A_4 : vector<512x1xf32>
    %rsqrt3A = math.rsqrt %add3A_5 : vector<512x1xf32>
    %get3A_6 = arith.constant 0 : index
    %get3A_7 = arith.constant 0 : index
    %get3A_8 = arith.constant 0 : index
    %get3A_9 = arith.constant 0 : index
    %get3A_10 = vector.load %arg2[%get3A_6, %get3A_7, %get3A_8, %get3A_9] : memref<1x2x512x128xf32, #tpu.memory_space<vmem>>, vector<1x1x512x128xf32>
    %get3A_11 = vector.shape_cast %get3A_10 : vector<1x1x512x128xf32> to vector<512x128xf32>
    %get3A_12 = arith.constant 0 : index
    %get3A_13 = arith.constant 1 : index
    %get3A_14 = arith.constant 0 : index
    %get3A_15 = arith.constant 0 : index
    %get3A_16 = vector.load %arg2[%get3A_12, %get3A_13, %get3A_14, %get3A_15] : memref<1x2x512x128xf32, #tpu.memory_space<vmem>>, vector<1x1x512x128xf32>
    %get3A_17 = vector.shape_cast %get3A_16 : vector<1x1x512x128xf32> to vector<512x128xf32>
    %concatenate3A = tpu.concatenate %get3A_11, %get3A_17 in 1 : vector<512x128xf32>, vector<512x128xf32> -> vector<512x256xf32>
    %get3A_18 = arith.constant 0 : index
    %get3A_19 = arith.constant 0 : index
    %get3A_20 = arith.constant 0 : index
    %get3A_21 = arith.constant 0 : index
    %get3A_22 = vector.load %arg3[%get3A_18, %get3A_19, %get3A_20, %get3A_21] : memref<1x2x512x128xf32, #tpu.memory_space<vmem>>, vector<1x1x512x128xf32>
    %get3A_23 = vector.shape_cast %get3A_22 : vector<1x1x512x128xf32> to vector<512x128xf32>
    %get3A_24 = arith.constant 0 : index
    %get3A_25 = arith.constant 1 : index
    %get3A_26 = arith.constant 0 : index
    %get3A_27 = arith.constant 0 : index
    %get3A_28 = vector.load %arg3[%get3A_24, %get3A_25, %get3A_26, %get3A_27] : memref<1x2x512x128xf32, #tpu.memory_space<vmem>>, vector<1x1x512x128xf32>
    %get3A_29 = vector.shape_cast %get3A_28 : vector<1x1x512x128xf32> to vector<512x128xf32>
    %concatenate3A_30 = tpu.concatenate %get3A_23, %get3A_29 in 1 : vector<512x128xf32>, vector<512x128xf32> -> vector<512x256xf32>
    %add3A_31 = arith.addf %concatenate3A, %concatenate3A_30 : vector<512x256xf32>
    %mul3A = vector.broadcast %rsqrt3A : vector<512x1xf32> to vector<512x256xf32>
    %mul3A_32 = arith.mulf %add3A_31, %mul3A : vector<512x256xf32>
    %get3A_33 = arith.constant 0 : index
    %get3A_34 = arith.constant 0 : index
    %get3A_35 = vector.load %arg5[%get3A_33, %get3A_34] : memref<1x256xf32, #tpu.memory_space<vmem>>, vector<1x256xf32>
    %add3A_36 = vector.broadcast %get3A_35 : vector<1x256xf32> to vector<512x256xf32>
    %add3A_37 = arith.addf %mul3A_32, %add3A_36 : vector<512x256xf32>
    %max3A = arith.constant 0.000000e+00 : f32
    %max3A_38 = vector.broadcast %max3A : f32 to vector<512x256xf32>
    %max3A_39 = arith.maximumf %add3A_37, %max3A_38 : vector<512x256xf32>
    %iota3A = tpu.iota {dimensions = array<i32: 1>} : vector<512x512xi32>
    %convert_element_type3A = arith.sitofp %iota3A : vector<512x512xi32> to vector<512x512xf32>
    %get3A_40 = arith.constant 0 : index
    %get3A_41 = arith.constant 0 : index
    %get3A_42 = arith.constant 0 : index
    %get3A_43 = vector.load %arg6[%get3A_40, %get3A_41, %get3A_42] : memref<1x512x1xf32, #tpu.memory_space<vmem>>, vector<1x512x1xf32>
    %get3A_44 = vector.shape_cast %get3A_43 : vector<1x512x1xf32> to vector<512x1xf32>
    %eq3A = vector.broadcast %get3A_44 : vector<512x1xf32> to vector<512x512xf32>
    %eq3A_45 = arith.cmpf oeq, %eq3A, %convert_element_type3A : vector<512x512xf32>
    %convert_element_type3A_46 = arith.extui %eq3A_45 : vector<512x512xi1> to vector<512x512xi32>
    %convert_element_type3A_47 = arith.sitofp %convert_element_type3A_46 : vector<512x512xi32> to vector<512x512xf32>
    %dot_general3A = arith.constant dense<0.000000e+00> : vector<512x256xf32>
    %dot_general3A_48 = tpu.matmul %convert_element_type3A_47, %max3A_39, %dot_general3A {dimension_numbers = #tpu.dot_dimension_numbers<[0], [0], [1], [1], [0, 1, 1, 1], [], []>, transpose_lhs_hint = false} : vector<512x512xf32>, vector<512x256xf32>, vector<512x256xf32> -> vector<512x256xf32>
    %eq3A_49 = arith.constant 0 : i32
    %eq3A_50 = arith.cmpi eq, %arg1, %eq3A_49 : i32
    %convert_element_type3A_51 = arith.extui %eq3A_50 : i1 to i32
    %cond3A = arith.constant 0 : i32
    %cond3A_52 = arith.cmpi ne, %convert_element_type3A_51, %cond3A : i32
    scf.if %cond3A_52 {
      %broadcast_in_dim3A = arith.constant 0.000000e+00 : f32
      %broadcast_in_dim3A_64 = vector.broadcast %broadcast_in_dim3A : f32 to vector<512x256xf32>
      %swap3A_65 = arith.constant 0 : index
      %swap3A_66 = arith.constant 0 : index
      %swap3A_67 = arith.constant 0 : index
      %swap3A_68 = vector.load %arg7[%swap3A_65, %swap3A_66, %swap3A_67] : memref<1x512x256xf32, #tpu.memory_space<vmem>>, vector<1x512x256xf32>
      %swap3A_69 = vector.shape_cast %swap3A_68 : vector<1x512x256xf32> to vector<512x256xf32>
      %swap3A_70 = vector.shape_cast %broadcast_in_dim3A_64 : vector<512x256xf32> to vector<1x512x256xf32>
      tpu.vector_store %arg7[%swap3A_65, %swap3A_66, %swap3A_67], %swap3A_70 {strides = array<i32>} : memref<1x512x256xf32, #tpu.memory_space<vmem>>, vector<1x512x256xf32>,
    } else {
    }
    %get3A_53 = arith.constant 0 : index
    %get3A_54 = arith.constant 0 : index
    %get3A_55 = arith.constant 0 : index
    %get3A_56 = vector.load %arg7[%get3A_53, %get3A_54, %get3A_55] : memref<1x512x256xf32, #tpu.memory_space<vmem>>, vector<1x512x256xf32>
    %get3A_57 = vector.shape_cast %get3A_56 : vector<1x512x256xf32> to vector<512x256xf32>
    %add3A_58 = arith.addf %get3A_57, %dot_general3A_48 : vector<512x256xf32>
    %swap3A = arith.constant 0 : index
    %swap3A_59 = arith.constant 0 : index
    %swap3A_60 = arith.constant 0 : index
    %swap3A_61 = vector.load %arg7[%swap3A, %swap3A_59, %swap3A_60] : memref<1x512x256xf32, #tpu.memory_space<vmem>>, vector<1x512x256xf32>
    %swap3A_62 = vector.shape_cast %swap3A_61 : vector<1x512x256xf32> to vector<512x256xf32>
    %swap3A_63 = vector.shape_cast %add3A_58 : vector<512x256xf32> to vector<1x512x256xf32>
    tpu.vector_store %arg7[%swap3A, %swap3A_59, %swap3A_60], %swap3A_63 {strides = array<i32>} : memref<1x512x256xf32, #tpu.memory_space<vmem>>, vector<1x512x256xf32>,
    return
  }
  func.func @transform_0(%arg0: i32, %arg1: i32) -> (i32, i32, i32, i32) {
    %c0_i32 = arith.constant 0 : i32
    %c0_i32_0 = arith.constant 0 : i32
    %c0_i32_1 = arith.constant 0 : i32
    return %arg0, %c0_i32, %arg1, %c0_i32_0 : i32, i32, i32, i32
  }
  func.func @transform_1(%arg0: i32, %arg1: i32) -> (i32, i32, i32, i32) {
    %c0_i32 = arith.constant 0 : i32
    %c0_i32_0 = arith.constant 0 : i32
    %c0_i32_1 = arith.constant 0 : i32
    return %arg0, %c0_i32, %arg1, %c0_i32_0 : i32, i32, i32, i32
  }
  func.func @transform_2(%arg0: i32, %arg1: i32) -> (i32, i32, i32) {
    %c0_i32 = arith.constant 0 : i32
    %c0_i32_0 = arith.constant 0 : i32
    return %arg0, %arg1, %c0_i32 : i32, i32, i32
  }
  func.func @transform_3(%arg0: i32, %arg1: i32) -> (i32, i32) {
    %c0_i32 = arith.constant 0 : i32
    %c0_i32_0 = arith.constant 0 : i32
    %c0_i32_1 = arith.constant 0 : i32
    return %c0_i32, %c0_i32_0 : i32, i32
  }
  func.func @transform_4(%arg0: i32, %arg1: i32) -> (i32, i32, i32) {
    %c0_i32 = arith.constant 0 : i32
    %c0_i32_0 = arith.constant 0 : i32
    return %arg0, %arg1, %c0_i32 : i32, i32, i32
  }
  func.func @transform_5(%arg0: i32, %arg1: i32) -> (i32, i32, i32) {
    %c0_i32 = arith.constant 0 : i32
    %c0_i32_0 = arith.constant 0 : i32
    %c0_i32_1 = arith.constant 0 : i32
    return %arg0, %c0_i32, %c0_i32_0 : i32, i32, i32
  }
}

module attributes {stable_mosaic.version = 14 : i64} {
  func.func @_tc7_body(%arg0: memref<2x512x256xf32, #tpu.memory_space<vmem>>, %arg1: memref<2x512x1xf32, #tpu.memory_space<vmem>>, %arg2: memref<2x512x128xf32, #tpu.memory_space<vmem>>, %arg3: memref<256x256xf32, #tpu.memory_space<vmem>>, %arg4: memref<1x256xf32, #tpu.memory_space<vmem>>, %arg5: memref<128x256xf32, #tpu.memory_space<vmem>>, %arg6: memref<1x256xf32, #tpu.memory_space<vmem>>, %arg7: memref<256x256xf32, #tpu.memory_space<vmem>>, %arg8: memref<1x256xf32, #tpu.memory_space<vmem>>, %arg9: memref<512x512xf32, #tpu.memory_space<vmem>>, %arg10: memref<1x512xf32, #tpu.memory_space<vmem>>, %arg11: memref<512x512xf32, #tpu.memory_space<vmem>>, %arg12: memref<1x512xf32, #tpu.memory_space<vmem>>, %arg13: memref<512x128xf32, #tpu.memory_space<vmem>>, %arg14: memref<1x128xf32, #tpu.memory_space<vmem>>, %arg15: memref<512x128xf32, #tpu.memory_space<vmem>>) attributes {dimension_semantics = [], scalar_prefetch = 0 : i64, scratch_operands = 0 : i64, tpu.core_type = #tpu.core_type<tc>} {
    %get3A = arith.constant 0 : index
    %get3A_0 = arith.constant 0 : index
    %get3A_1 = arith.constant 0 : index
    %get3A_2 = vector.load %arg0[%get3A, %get3A_0, %get3A_1] : memref<2x512x256xf32, #tpu.memory_space<vmem>>, vector<1x512x256xf32>
    %get3A_3 = vector.shape_cast %get3A_2 : vector<1x512x256xf32> to vector<512x256xf32>
    %get3A_4 = arith.constant 0 : index
    %get3A_5 = arith.constant 0 : index
    %get3A_6 = arith.constant 0 : index
    %get3A_7 = vector.load %arg1[%get3A_4, %get3A_5, %get3A_6] : memref<2x512x1xf32, #tpu.memory_space<vmem>>, vector<1x512x1xf32>
    %get3A_8 = vector.shape_cast %get3A_7 : vector<1x512x1xf32> to vector<512x1xf32>
    %max3A = arith.constant 1.000000e+00 : f32
    %max3A_9 = vector.broadcast %max3A : f32 to vector<512x1xf32>
    %max3A_10 = arith.maximumf %get3A_8, %max3A_9 : vector<512x1xf32>
    %div3A = vector.broadcast %max3A_10 : vector<512x1xf32> to vector<512x256xf32>
    %div3A_11 = arith.divf %get3A_3, %div3A : vector<512x256xf32>
    %get3A_12 = arith.constant 0 : index
    %get3A_13 = arith.constant 0 : index
    %get3A_14 = vector.load %arg3[%get3A_12, %get3A_13] : memref<256x256xf32, #tpu.memory_space<vmem>>, vector<256x256xf32>
    %dot_general3A = arith.constant dense<0.000000e+00> : vector<512x256xf32>
    %dot_general3A_15 = tpu.matmul %div3A_11, %get3A_14, %dot_general3A {dimension_numbers = #tpu.dot_dimension_numbers<[1], [0], [0], [1], [0, 0, 1, 1], [], []>, transpose_lhs_hint = false} : vector<512x256xf32>, vector<256x256xf32>, vector<512x256xf32> -> vector<512x256xf32>
    %get3A_16 = arith.constant 0 : index
    %get3A_17 = arith.constant 0 : index
    %get3A_18 = vector.load %arg4[%get3A_16, %get3A_17] : memref<1x256xf32, #tpu.memory_space<vmem>>, vector<1x256xf32>
    %add3A = vector.broadcast %get3A_18 : vector<1x256xf32> to vector<512x256xf32>
    %add3A_19 = arith.addf %dot_general3A_15, %add3A : vector<512x256xf32>
    %get3A_20 = arith.constant 0 : index
    %get3A_21 = arith.constant 0 : index
    %get3A_22 = arith.constant 0 : index
    %get3A_23 = vector.load %arg2[%get3A_20, %get3A_21, %get3A_22] : memref<2x512x128xf32, #tpu.memory_space<vmem>>, vector<1x512x128xf32>
    %get3A_24 = vector.shape_cast %get3A_23 : vector<1x512x128xf32> to vector<512x128xf32>
    %max3A_25 = arith.constant 0.000000e+00 : f32
    %max3A_26 = vector.broadcast %max3A_25 : f32 to vector<512x128xf32>
    %max3A_27 = arith.maximumf %get3A_24, %max3A_26 : vector<512x128xf32>
    %get3A_28 = arith.constant 0 : index
    %get3A_29 = arith.constant 0 : index
    %get3A_30 = vector.load %arg5[%get3A_28, %get3A_29] : memref<128x256xf32, #tpu.memory_space<vmem>>, vector<128x256xf32>
    %dot_general3A_31 = arith.constant dense<0.000000e+00> : vector<512x256xf32>
    %dot_general3A_32 = tpu.matmul %max3A_27, %get3A_30, %dot_general3A_31 {dimension_numbers = #tpu.dot_dimension_numbers<[1], [0], [0], [1], [0, 0, 1, 1], [], []>, transpose_lhs_hint = false} : vector<512x128xf32>, vector<128x256xf32>, vector<512x256xf32> -> vector<512x256xf32>
    %get3A_33 = arith.constant 0 : index
    %get3A_34 = arith.constant 0 : index
    %get3A_35 = vector.load %arg6[%get3A_33, %get3A_34] : memref<1x256xf32, #tpu.memory_space<vmem>>, vector<1x256xf32>
    %add3A_36 = vector.broadcast %get3A_35 : vector<1x256xf32> to vector<512x256xf32>
    %add3A_37 = arith.addf %dot_general3A_32, %add3A_36 : vector<512x256xf32>
    %max3A_38 = arith.constant 0.000000e+00 : f32
    %max3A_39 = vector.broadcast %max3A_38 : f32 to vector<512x256xf32>
    %max3A_40 = arith.maximumf %add3A_37, %max3A_39 : vector<512x256xf32>
    %get3A_41 = arith.constant 0 : index
    %get3A_42 = arith.constant 0 : index
    %get3A_43 = vector.load %arg7[%get3A_41, %get3A_42] : memref<256x256xf32, #tpu.memory_space<vmem>>, vector<256x256xf32>
    %dot_general3A_44 = arith.constant dense<0.000000e+00> : vector<512x256xf32>
    %dot_general3A_45 = tpu.matmul %max3A_40, %get3A_43, %dot_general3A_44 {dimension_numbers = #tpu.dot_dimension_numbers<[1], [0], [0], [1], [0, 0, 1, 1], [], []>, transpose_lhs_hint = false} : vector<512x256xf32>, vector<256x256xf32>, vector<512x256xf32> -> vector<512x256xf32>
    %get3A_46 = arith.constant 0 : index
    %get3A_47 = arith.constant 0 : index
    %get3A_48 = vector.load %arg8[%get3A_46, %get3A_47] : memref<1x256xf32, #tpu.memory_space<vmem>>, vector<1x256xf32>
    %add3A_49 = vector.broadcast %get3A_48 : vector<1x256xf32> to vector<512x256xf32>
    %add3A_50 = arith.addf %dot_general3A_45, %add3A_49 : vector<512x256xf32>
    %max3A_51 = arith.constant 0.000000e+00 : f32
    %max3A_52 = vector.broadcast %max3A_51 : f32 to vector<512x256xf32>
    %max3A_53 = arith.maximumf %add3A_50, %max3A_52 : vector<512x256xf32>
    %get3A_54 = arith.constant 1 : index
    %get3A_55 = arith.constant 0 : index
    %get3A_56 = arith.constant 0 : index
    %get3A_57 = vector.load %arg0[%get3A_54, %get3A_55, %get3A_56] : memref<2x512x256xf32, #tpu.memory_space<vmem>>, vector<1x512x256xf32>
    %get3A_58 = vector.shape_cast %get3A_57 : vector<1x512x256xf32> to vector<512x256xf32>
    %get3A_59 = arith.constant 1 : index
    %get3A_60 = arith.constant 0 : index
    %get3A_61 = arith.constant 0 : index
    %get3A_62 = vector.load %arg1[%get3A_59, %get3A_60, %get3A_61] : memref<2x512x1xf32, #tpu.memory_space<vmem>>, vector<1x512x1xf32>
    %get3A_63 = vector.shape_cast %get3A_62 : vector<1x512x1xf32> to vector<512x1xf32>
    %max3A_64 = arith.constant 1.000000e+00 : f32
    %max3A_65 = vector.broadcast %max3A_64 : f32 to vector<512x1xf32>
    %max3A_66 = arith.maximumf %get3A_63, %max3A_65 : vector<512x1xf32>
    %div3A_67 = vector.broadcast %max3A_66 : vector<512x1xf32> to vector<512x256xf32>
    %div3A_68 = arith.divf %get3A_58, %div3A_67 : vector<512x256xf32>
    %get3A_69 = arith.constant 0 : index
    %get3A_70 = arith.constant 0 : index
    %get3A_71 = vector.load %arg3[%get3A_69, %get3A_70] : memref<256x256xf32, #tpu.memory_space<vmem>>, vector<256x256xf32>
    %dot_general3A_72 = arith.constant dense<0.000000e+00> : vector<512x256xf32>
    %dot_general3A_73 = tpu.matmul %div3A_68, %get3A_71, %dot_general3A_72 {dimension_numbers = #tpu.dot_dimension_numbers<[1], [0], [0], [1], [0, 0, 1, 1], [], []>, transpose_lhs_hint = false} : vector<512x256xf32>, vector<256x256xf32>, vector<512x256xf32> -> vector<512x256xf32>
    %get3A_74 = arith.constant 0 : index
    %get3A_75 = arith.constant 0 : index
    %get3A_76 = vector.load %arg4[%get3A_74, %get3A_75] : memref<1x256xf32, #tpu.memory_space<vmem>>, vector<1x256xf32>
    %add3A_77 = vector.broadcast %get3A_76 : vector<1x256xf32> to vector<512x256xf32>
    %add3A_78 = arith.addf %dot_general3A_73, %add3A_77 : vector<512x256xf32>
    %get3A_79 = arith.constant 1 : index
    %get3A_80 = arith.constant 0 : index
    %get3A_81 = arith.constant 0 : index
    %get3A_82 = vector.load %arg2[%get3A_79, %get3A_80, %get3A_81] : memref<2x512x128xf32, #tpu.memory_space<vmem>>, vector<1x512x128xf32>
    %get3A_83 = vector.shape_cast %get3A_82 : vector<1x512x128xf32> to vector<512x128xf32>
    %max3A_84 = arith.constant 0.000000e+00 : f32
    %max3A_85 = vector.broadcast %max3A_84 : f32 to vector<512x128xf32>
    %max3A_86 = arith.maximumf %get3A_83, %max3A_85 : vector<512x128xf32>
    %get3A_87 = arith.constant 0 : index
    %get3A_88 = arith.constant 0 : index
    %get3A_89 = vector.load %arg5[%get3A_87, %get3A_88] : memref<128x256xf32, #tpu.memory_space<vmem>>, vector<128x256xf32>
    %dot_general3A_90 = arith.constant dense<0.000000e+00> : vector<512x256xf32>
    %dot_general3A_91 = tpu.matmul %max3A_86, %get3A_89, %dot_general3A_90 {dimension_numbers = #tpu.dot_dimension_numbers<[1], [0], [0], [1], [0, 0, 1, 1], [], []>, transpose_lhs_hint = false} : vector<512x128xf32>, vector<128x256xf32>, vector<512x256xf32> -> vector<512x256xf32>
    %get3A_92 = arith.constant 0 : index
    %get3A_93 = arith.constant 0 : index
    %get3A_94 = vector.load %arg6[%get3A_92, %get3A_93] : memref<1x256xf32, #tpu.memory_space<vmem>>, vector<1x256xf32>
    %add3A_95 = vector.broadcast %get3A_94 : vector<1x256xf32> to vector<512x256xf32>
    %add3A_96 = arith.addf %dot_general3A_91, %add3A_95 : vector<512x256xf32>
    %max3A_97 = arith.constant 0.000000e+00 : f32
    %max3A_98 = vector.broadcast %max3A_97 : f32 to vector<512x256xf32>
    %max3A_99 = arith.maximumf %add3A_96, %max3A_98 : vector<512x256xf32>
    %get3A_100 = arith.constant 0 : index
    %get3A_101 = arith.constant 0 : index
    %get3A_102 = vector.load %arg7[%get3A_100, %get3A_101] : memref<256x256xf32, #tpu.memory_space<vmem>>, vector<256x256xf32>
    %dot_general3A_103 = arith.constant dense<0.000000e+00> : vector<512x256xf32>
    %dot_general3A_104 = tpu.matmul %max3A_99, %get3A_102, %dot_general3A_103 {dimension_numbers = #tpu.dot_dimension_numbers<[1], [0], [0], [1], [0, 0, 1, 1], [], []>, transpose_lhs_hint = false} : vector<512x256xf32>, vector<256x256xf32>, vector<512x256xf32> -> vector<512x256xf32>
    %get3A_105 = arith.constant 0 : index
    %get3A_106 = arith.constant 0 : index
    %get3A_107 = vector.load %arg8[%get3A_105, %get3A_106] : memref<1x256xf32, #tpu.memory_space<vmem>>, vector<1x256xf32>
    %add3A_108 = vector.broadcast %get3A_107 : vector<1x256xf32> to vector<512x256xf32>
    %add3A_109 = arith.addf %dot_general3A_104, %add3A_108 : vector<512x256xf32>
    %max3A_110 = arith.constant 0.000000e+00 : f32
    %max3A_111 = vector.broadcast %max3A_110 : f32 to vector<512x256xf32>
    %max3A_112 = arith.maximumf %add3A_109, %max3A_111 : vector<512x256xf32>
    %add3A_113 = arith.addf %add3A_19, %add3A_78 : vector<512x256xf32>
    %add3A_114 = arith.addf %max3A_53, %max3A_112 : vector<512x256xf32>
    %get3A_115 = arith.constant 0 : index
    %get3A_116 = arith.constant 0 : index
    %get3A_117 = vector.load %arg9[%get3A_115, %get3A_116] : memref<512x512xf32, #tpu.memory_space<vmem>>, vector<256x512xf32>
    %dot_general3A_118 = arith.constant dense<0.000000e+00> : vector<512x512xf32>
    %dot_general3A_119 = tpu.matmul %add3A_113, %get3A_117, %dot_general3A_118 {dimension_numbers = #tpu.dot_dimension_numbers<[1], [0], [0], [1], [0, 0, 1, 1], [], []>, transpose_lhs_hint = false} : vector<512x256xf32>, vector<256x512xf32>, vector<512x512xf32> -> vector<512x512xf32>
    %get3A_120 = arith.constant 256 : index
    %get3A_121 = arith.constant 0 : index
    %get3A_122 = vector.load %arg9[%get3A_120, %get3A_121] : memref<512x512xf32, #tpu.memory_space<vmem>>, vector<256x512xf32>
    %dot_general3A_123 = arith.constant dense<0.000000e+00> : vector<512x512xf32>
    %dot_general3A_124 = tpu.matmul %add3A_114, %get3A_122, %dot_general3A_123 {dimension_numbers = #tpu.dot_dimension_numbers<[1], [0], [0], [1], [0, 0, 1, 1], [], []>, transpose_lhs_hint = false} : vector<512x256xf32>, vector<256x512xf32>, vector<512x512xf32> -> vector<512x512xf32>
    %add3A_125 = arith.addf %dot_general3A_119, %dot_general3A_124 : vector<512x512xf32>
    %get3A_126 = arith.constant 0 : index
    %get3A_127 = arith.constant 0 : index
    %get3A_128 = vector.load %arg10[%get3A_126, %get3A_127] : memref<1x512xf32, #tpu.memory_space<vmem>>, vector<1x512xf32>
    %add3A_129 = vector.broadcast %get3A_128 : vector<1x512xf32> to vector<512x512xf32>
    %add3A_130 = arith.addf %add3A_125, %add3A_129 : vector<512x512xf32>
    %max3A_131 = arith.constant 0.000000e+00 : f32
    %max3A_132 = vector.broadcast %max3A_131 : f32 to vector<512x512xf32>
    %max3A_133 = arith.maximumf %add3A_130, %max3A_132 : vector<512x512xf32>
    %get3A_134 = arith.constant 0 : index
    %get3A_135 = arith.constant 0 : index
    %get3A_136 = vector.load %arg11[%get3A_134, %get3A_135] : memref<512x512xf32, #tpu.memory_space<vmem>>, vector<512x512xf32>
    %dot_general3A_137 = arith.constant dense<0.000000e+00> : vector<512x512xf32>
    %dot_general3A_138 = tpu.matmul %max3A_133, %get3A_136, %dot_general3A_137 {dimension_numbers = #tpu.dot_dimension_numbers<[1], [0], [0], [1], [0, 0, 1, 1], [], []>, transpose_lhs_hint = false} : vector<512x512xf32>, vector<512x512xf32>, vector<512x512xf32> -> vector<512x512xf32>
    %get3A_139 = arith.constant 0 : index
    %get3A_140 = arith.constant 0 : index
    %get3A_141 = vector.load %arg12[%get3A_139, %get3A_140] : memref<1x512xf32, #tpu.memory_space<vmem>>, vector<1x512xf32>
    %add3A_142 = vector.broadcast %get3A_141 : vector<1x512xf32> to vector<512x512xf32>
    %add3A_143 = arith.addf %dot_general3A_138, %add3A_142 : vector<512x512xf32>
    %max3A_144 = arith.constant 0.000000e+00 : f32
    %max3A_145 = vector.broadcast %max3A_144 : f32 to vector<512x512xf32>
    %max3A_146 = arith.maximumf %add3A_143, %max3A_145 : vector<512x512xf32>
    %get3A_147 = arith.constant 0 : index
    %get3A_148 = arith.constant 0 : index
    %get3A_149 = vector.load %arg13[%get3A_147, %get3A_148] : memref<512x128xf32, #tpu.memory_space<vmem>>, vector<512x128xf32>
    %dot_general3A_150 = arith.constant dense<0.000000e+00> : vector<512x128xf32>
    %dot_general3A_151 = tpu.matmul %max3A_146, %get3A_149, %dot_general3A_150 {dimension_numbers = #tpu.dot_dimension_numbers<[1], [0], [0], [1], [0, 0, 1, 1], [], []>, transpose_lhs_hint = false} : vector<512x512xf32>, vector<512x128xf32>, vector<512x128xf32> -> vector<512x128xf32>
    %get3A_152 = arith.constant 0 : index
    %get3A_153 = arith.constant 0 : index
    %get3A_154 = vector.load %arg14[%get3A_152, %get3A_153] : memref<1x128xf32, #tpu.memory_space<vmem>>, vector<1x128xf32>
    %add3A_155 = vector.broadcast %get3A_154 : vector<1x128xf32> to vector<512x128xf32>
    %add3A_156 = arith.addf %dot_general3A_151, %add3A_155 : vector<512x128xf32>
    %swap3A = arith.constant 0 : index
    %swap3A_157 = arith.constant 0 : index
    %swap3A_158 = vector.load %arg15[%swap3A, %swap3A_157] : memref<512x128xf32, #tpu.memory_space<vmem>>, vector<512x128xf32>
    tpu.vector_store %arg15[%swap3A, %swap3A_157], %add3A_156 {strides = array<i32>} : memref<512x128xf32, #tpu.memory_space<vmem>>, vector<512x128xf32>,
    return
  }
}

</mosaic_0001>

<sc_bundles>
// kernel: kernel.12.cloned.1.call-start
scs
__scs_entry_jumppad:
0x0: {  	(pc) =	sbr.rel $0x88, $3  }
0x1: {  	(tag) =	ssettag $0x0;
	lr =	simm.s32 $0x1  }
0x2: {  	[smem:$0x3F87] =	sst lr;
	_ =	strace $0xD0000000  }
0x3: {  	_ = 	snop  }
0x4: {  	_ = 	snop  }
0x5: {  	_ = 	snop  }
0x6: {  	_ = 	snop  }
0x7: {  	_ = 	snop  }
__scs_overlays_trampoline_lowered:
0x8: {  	[smem:$0x3F96] =	sst s0  }
0x9: {  	[smem:$0x3F97] =	sst s1  }
0xa: {  	[smem:$0x3F98] =	sst s2  }
0xb: {  	[smem:$0x3F99] =	sst s3  }
0xc: {  	[smem:$0x3F9A] =	sst s4  }
0xd: {  	[smem:$0x3F9B] =	sst s5  }
0xe: {  	[smem:$0x3F9C] =	sst s6  }
0xf: {  	[smem:$0x3F9D] =	sst s7  }
0x10: {  	[smem:$0x3F9E] =	sst s8  }
0x11: {  	[smem:$0x3F9F] =	sst s9;
	s0 =	simm.s32 @!p0 $0x0  }
0x12: {  	s1 =	sld [smem:$0x3F85];
	s0 =	simm.s32 @p0 $0x1  }
0x13: {  	[smem:$0x3FA0] =	sst s0;
	s0 =	simm.s32 @!p1 $0x0  }
0x14: {  	s2 =	sld [smem:$0x3F84];
	s0 =	simm.s32 @p1 $0x1  }
0x15: {  	[smem:$0x3FA1] =	sst s0;
	s0 =	simm.s32 @!p2 $0x0  }
0x16: {  	s3 =	sld [smem:$0x3FDB];
	s0 =	simm.s32 @p2 $0x1  }
0x17: {  	s4 =	simm.s32 $0x1BF5;
	[smem:$0x3FA3] =	sst s0  }
0x18: {  	s0 =	sld [smem:$0x3F86];
	_ =	swait.ge [sflag:s4], $0x0  }
0x19: {  	s7 =	sld [smem:$0x3F87]  }
0x1a: {  	s8 =	sadd.s32 $0xFFFFE003, lr  }
0x1b: {  	s9 =	sadd.s32 $0xFFFFFEF7, lr;
	s5 =	simm.s32 $0xFFFFFFFF;
	p2 =	slt.u32 s8, $0xFFFFF086  }
0x1c: {  	p1 =	slt.u32 s9, $0xF7A;
	s5 =	simm.s32 @!p2 $0x0  }
0x1d: {  	s5 =	simm.s32 @p1 $0x1;
	p0 =	seq.s32 s7, s2  }
0x1e: {  	s7 =	smul.u32 @!p0 $0xF7A, s2;
	p2 =	seq.s32 @!p0 s5, $0x0  }
0x1f: {  	s9 =	smul.u32 $0xF7A, s1;
	s8 =	simm.s32 @!p0 $0x1BF5;
	p2 =	por !p2, p0  }
0x20: {  	[sflag:s8] =	ssyncset.s32 @!p0 $0xFFFFF086;
	s6 =	sadd.s32 @!p0 s3, s7;
	s7 =	simm.s32 @!p0 $0x108  }
0x21: {  	s3 =	sadd.s32 s3, s9;
	s6 =	sadd.s32 @!p0 $0x88, s6;
	s7 =	simm.s32 @p2 $0x1082  }
0x22: {  	[simem:s7], [sflag:s8] =	dma.local @!p0 [hbm:s6], $0xF7A  }
0x23: {  	s9 =	sor.u32 $0xD0000000, s2;
	s6 =	simm.s32 $0x108;
	_ =	swait.ge @!p0 [sflag:s8], $0x0  }
0x24: {  	s3 =	sadd.s32 $0x88, s3;
	s6 =	simm.s32 @!p1 $0x1082;
	[sflag:s4] =	ssyncset.s32 $0xFFFFF086  }
0x25: {  	[simem:s6], [sflag:s4] =	dma.local [hbm:s3], $0xF7A  }
0x26: {  	[smem:$0x3F87] =	sst s1;
	(tag) =	ssettag s2;
	_ =	strace s9  }
0x27: {  	s1 =	sld [smem:$0x3F97]  }
0x28: {  	s2 =	sld [smem:$0x3F98]  }
0x29: {  	s4 =	sld [smem:$0x3F9A]  }
0x2a: {  	p0 =	seq.s32 s5, $0x0;
	s5 =	sld [smem:$0x3F9B]  }
0x2b: {  	s6 =	sld [smem:$0x3F9C]  }
0x2c: {  	s7 =	sld [smem:$0x3F9D]  }
0x2d: {  	s3 =	simm.s32 $0x108;
	s8 =	sld [smem:$0x3F9E]  }
0x2e: {  	s3 =	simm.s32 @!p0 $0x1082;
	s9 =	sld [smem:$0x3F9F]  }
0x2f: {  	lr =	sadd.s32 s0, s3;
	s0 =	sld [smem:$0x3F96]  }
0x30: {  	s3 =	sld [smem:$0x3F99]  }
0x31: {  	[smem:$0x3FA2] =	sst s10  }
0x32: {  	s10 =	sld [smem:$0x3FA0];
	_ =	sdelay $0x3  }
0x33: {  	p0 =	seq.s32 s10, $0x1;
	s10 =	sld [smem:$0x3FA2];
	_ =	sdelay $0x3  }
0x34: {  	[smem:$0x3FA2] =	sst s10  }
0x35: {  	s10 =	sld [smem:$0x3FA1];
	_ =	sdelay $0x3  }
0x36: {  	p1 =	seq.s32 s10, $0x1;
	s10 =	sld [smem:$0x3FA2];
	_ =	sdelay $0x3  }
0x37: {  	[smem:$0x3FA2] =	sst s10  }
0x38: {  	s10 =	sld [smem:$0x3FA3]  }
0x39: {  	_ = 	snop;
	(pc) =	sbr.ind lr, $3  }
0x3a: {  	_ = 	snop  }
0x3b: {  	_ = 	snop  }
0x3c: {  	p2 =	seq.s32 s10, $0x1;
	s10 =	sld [smem:$0x3FA2]  }
0x3d: {  	_ =	shalt  }
0x3e: {  	_ =	shalt  }
0x3f: {  	_ =	shalt  }
0x40: {  	_ =	shalt  }
0x41: {  	_ =	shalt  }
0x42: {  	_ =	shalt  }
0x43: {  	_ =	shalt  }
0x44: {  	_ =	shalt  }
0x45: {  	_ =	shalt  }
0x46: {  	_ =	shalt  }
0x47: {  	_ =	shalt  }
0x48: {  	_ =	shalt  }
0x49: {  	_ =	shalt  }
0x4a: {  	_ =	shalt  }
0x4b: {  	_ =	shalt  }
0x4c: {  	_ =	shalt  }
0x4d: {  	_ =	shalt  }
0x4e: {  	_ =	shalt  }
0x4f: {  	_ =	shalt  }
0x50: {  	_ =	shalt  }
0x51: {  	_ =	shalt  }
0x52: {  	_ =	shalt  }
0x53: {  	_ =	shalt  }
0x54: {  	_ =	shalt  }
0x55: {  	_ =	shalt  }
0x56: {  	_ =	shalt  }
0x57: {  	_ =	shalt  }
0x58: {  	_ =	shalt  }
0x59: {  	_ =	shalt  }
0x5a: {  	_ =	shalt  }
0x5b: {  	_ =	shalt  }
0x5c: {  	_ =	shalt  }
0x5d: {  	_ =	shalt  }
0x5e: {  	_ =	shalt  }
0x5f: {  	_ =	shalt  }
0x60: {  	_ =	shalt  }
0x61: {  	_ =	shalt  }
0x62: {  	_ =	shalt  }
0x63: {  	_ =	shalt  }
0x64: {  	_ =	shalt  }
0x65: {  	_ =	shalt  }
0x66: {  	_ =	shalt  }
0x67: {  	_ =	shalt  }
0x68: {  	_ =	shalt  }
0x69: {  	_ =	shalt  }
0x6a: {  	_ =	shalt  }
0x6b: {  	_ =	shalt  }
0x6c: {  	_ =	shalt  }
0x6d: {  	_ =	shalt  }
0x6e: {  	_ =	shalt  }
0x6f: {  	_ =	shalt  }
0x70: {  	_ =	shalt  }
0x71: {  	_ =	shalt  }
0x72: {  	_ =	shalt  }
0x73: {  	_ =	shalt  }
0x74: {  	_ =	shalt  }
0x75: {  	_ =	shalt  }
0x76: {  	_ =	shalt  }
0x77: {  	_ =	shalt  }
0x78: {  	_ =	shalt  }
0x79: {  	_ =	shalt  }
0x7a: {  	_ =	shalt  }
0x7b: {  	_ =	shalt  }
0x7c: {  	_ =	shalt  }
0x7d: {  	_ =	shalt  }
0x7e: {  	_ =	shalt  }
0x7f: {  	_ =	shalt  }
0x80: {  	_ =	shalt  }
0x81: {  	_ =	shalt  }
0x82: {  	_ =	shalt  }
0x83: {  	_ =	shalt  }
0x84: {  	_ =	shalt  }
0x85: {  	_ =	shalt  }
0x86: {  	_ =	shalt  }
0x87: {  	_ =	shalt  }
.Lfunc_end0:
.L_simem_size_0:
called_computation.1_lowered:
.L_overlay_start_0:
0x88: {  	s2 =	sld [smem:$0x3FD9]  }
0x89: {  	s3 =	sld [smem:$0x3FFE];
	_ =	sdelay $0x1  }
0x8a: {  	s1 =	srdreg.scid  }
0x8b: {  	s0 =	sand.u32 $0x1, s1  }
0x8c: {  	s17 =	sshll.u32 s0, $0xA;
	s2 =	sadd.s32 s3, s2  }
0x8d: {  	s2 =	sadd.s32 s2, s17  }
0x8e: {  	[smem:$0x3FAE] =	sst s2  }
0x8f: {  	_ = 	snop  }
0x90: {  	s2 =	sld [smem:$0x3FD0];
	(tm) =	ssettm $0x1  }
0x91: {  	s18 =	sld [smem:$0x3FFB];
	_ =	sdelay $0x3  }
0x92: {  	_ =	strace s18  }
0x93: {  	s3 =	sld [smem:$0x3FFC];
	_ =	sdelay $0x3  }
0x94: {  	_ =	strace s3  }
0x95: {  	s3 =	sld [smem:$0x3FFD];
	_ =	sdelay $0x3  }
0x96: {  	_ =	strace s3  }
0x97: {  	_ =	strace $0x8FFFFFFF  }
0x98: {  	s19 =	sld [smem:$0x3FDB];
	_ =	sdelay $0x1  }
0x99: {  	s4 =	simm.s32 $_scs_section_size  }
0x9a: {  	s5 =	simm.s32 $_size__tile_overlayer_lowered;
	s6 =	simm.s32 $_tile_overlayer_lowered  }
0x9b: {  	s22 =	simm.s32 $0x1BFF;
	s21 =	sshll.u32 s6, $0x1;
	s3 =	sadd.s32 s4, s19  }
0x9c: {  	s7 =	simm.s32 $0x0;
	s20 =	sshll.u32 s5, $0x1;
	s5 =	sadd.s32 s21, s3  }
0x9d: {  	[timem:s7], [sflag:s22] =	dma.local [hbm:s5], s20  }
0x9e: {  	_ =	swait.ge [sflag:s22], s20  }
0x9f: {  	s4 =	ssub.s32 $0x0, s20;
	[sflag:s22] =	ssyncset.done $0x0  }
0xa0: {  	[sflag:s22] =	ssyncadd.s32 s4;
	_ =	sdelay $0x1  }
0xa1: {  	s23 =	simm.s32 $0x1B8B  }
0xa2: {  	_ =	swait.ge [sflag:s23], $0x1  }
0xa3: {  	[sflag:s23] =	ssyncset.done $0x0  }
0xa4: {  	s25 =	simm.s32 $0x1B8E;
	s24 =	sld [smem:$0x3FFE];
	[sflag:s23] =	ssyncadd.s32 $0xFFFFFFFF  }
0xa5: {  	s26 =	simm.s32 $execute0_lowered;
	[smem:$0x3FD2] =	sst s25  }
0xa6: {  	s5 =	sshll.u32 s26, $0x1;
	_ =	strace $0x80000049;
	[dreg:$0x1] =	wrdreg $0xFFFFFFFF  }
0xa7: {  	s28 =	simm.s32 $_size_execute0_lowered;
	s3 =	sadd.s32 s3, s5;
	[dreg:$0x0] =	wrdreg $0x0  }
0xa8: {  	s5 =	sshll.u32 s28, $0x1;
	[dreg:$0x2] =	wrdreg s3  }
0xa9: {  	[dreg:$0x3] =	wrdreg s5  }
0xaa: {  	[dreg:$0x4] =	wrdreg $0xC0  }
0xab: {  	_ =	task [dreg:s7], $0x5FFFF  }
0xac: {  	[dreg:$0x1] =	wrdreg $0xFFFFFFFF  }
0xad: {  	[dreg:$0x0] =	wrdreg $0x60  }
0xae: {  	[dreg:$0x2] =	wrdreg s24  }
0xaf: {  	[dreg:$0x3] =	wrdreg s2  }
0xb0: {  	[dreg:$0x4] =	wrdreg $0x0  }
0xb1: {  	[dreg:$0x5] =	wrdreg $0x9  }
0xb2: {  	_ =	task.clear_ibuf [dreg:s7], $0x6FFFF;
	_ =	strace $0x90000049  }
0xb3: {  	s29 =	simm.s32 $0x9;
	_ =	strace $0x8000004B  }
0xb4: {  	_ =	swait.ge [sflag:s29], $0x1  }
0xb5: {  	[sflag:s29] =	ssyncadd.s32 $0xFFFFFFFF  }
0xb6: {  	_ =	strace $0x9000004B  }
0xb7: {  	_ =	sfence  }
0xb8: {  	s30 =	sld [smem:$0x0];
	_ =	sdelay $0x2  }
0xb9: {  	s31 =	sshll.u32 s1, $0xD;
	s1 =	sshrl.u32 s1, $0x2  }
0xba: {  	s3 =	sand.u32 $0x4000, s31;
	s1 =	sadd.s32 s1, s30  }
0xbb: {  	s0 =	sor.u32 s3, s0;
	s1 =	sshll.u32 s1, $0x11  }
0xbc: {  	s0 =	sor.u32 s1, s0  }
0xbd: {  	s0 =	sadd.s32 $0x8F2B, s0  }
0xbe: {  	[sflag:s0] =	ssyncadd.remote.s32 $0x1  }
0xbf: {  	_ =	sfence.sel $0xFFFF  }
0xc0: {  	[dreg:$0x0] =	wrdreg $0xFFFFFFFF;
	(pc) =	sbr.abs _section_cstart, $3  }
0xc1: {  	[dreg:$0x1] =	wrdreg $0xFFFFFFFF  }
0xc2: {  	_ =	task.clear_ibuf [dreg:s7], $0x2FFFF;
	_ =	strace $0x9FFFFFFF  }
0xc3: {  	(tm) =	ssettm $0x7FFFFFFF  }
tec
execute0_lowered:
.L_overlay_start_1:
0x0: {  	(tag) =	ssettag $0x1  }
0x1: {  	s0 =	rddreg [dreg:$0x0]  }
0x2: {  	s2 =	rddreg [dreg:$0x2];
	s11 =	simm.s32 $0x0  }
0x3: {  	s1 =	srdreg.scid;
	s9 =	stileid.u32;
	s28 =	simm.s32 $0x80  }
0x4: {  	s29 =	simm.s32 $0x16000;
	s31 =	simm.s32 $0x1A000;
	s14 =	simm.s32 $0x14200  }
0x5: {  	s15 =	simm.s32 $0x15180;
	s16 =	simm.s32 $0x14E80;
	s17 =	simm.s32 $0x15E00  }
0x6: {  	s30 =	simm.s32 $0x0;
	[smem:$0x7FF] =	sst s11;
	s5 =	sadd.s32 $0x1EE00, s0  }
0x7: {  	s1 =	sand.u32 $0x1, s1;
	s3 =	smul.u32 $0x50000, s9;
	s6 =	sadd.s32 $0x5000, s0  }
0x8: {  	s7 =	sadd.s32 $0x46E00, s0;
	s10 =	smul.u32 $0x14000, s9;
	s0 =	sadd.s32 $0xE6E00, s0  }
0x9: {  	s19 =	sshll.u32 s9, $0x6;
	_ =	strace $0x8000004A;
	[dreg:$0x6] =	wrdreg s0  }
0xa: {  	s4 =	ssub.s32 $0x2, s1;
	s13 =	sor.u32 $0x1C05, s19;
	[dreg:$0x5] =	wrdreg s10  }
0xb: {  	s25 =	smul.u32 $0x50000, s1;
	s20 =	sadd.s32 $0x4000, s10;
	[dreg:$0x9] =	wrdreg s13  }
0xc: {  	s1 =	smul.u32 $0x140000, s1;
	s12 =	sadd.s32 $0x8000, s10;
	[dreg:$0x7] =	wrdreg s20  }
0xd: {  	s19 =	simm.s32 $0x15E80;
	s8 =	sshrl.u32 s4, $0x1;
	[dreg:$0x8] =	wrdreg s12  }
0xe: {  	s3 =	sshrl.u32 s3, $0x2;
	s23 =	sadd.s32 $0xC000, s10;
	[dreg:$0xe] =	wrdreg s25  }
0xf: {  	s24 =	sadd.s32 $0x10000, s10;
	s10 =	simm.s32 $0x4;
	[dreg:$0xc] =	wrdreg s23  }
0x10: {  	s18 =	ssub.s32 s4, s8;
	s3 =	sadd.s32 s3, s2;
	[dreg:$0xd] =	wrdreg s24  }
0x11: {  	s21 =	sadd.s32 s20, s2;
	s22 =	sadd.s32 s12, s2;
	[dreg:$0x11] =	wrdreg s1  }
0x12: {  	s4 =	sadd.s32 s23, s2;
	s26 =	sadd.s32 s24, s2;
	[dreg:$0xa] =	wrdreg s21  }
0x13: {  	s20 =	smul.u32 $0x5000, s9;
	s24 =	simm.s32 $0x5;
	[dreg:$0xb] =	wrdreg s22  }
0x14: {  	s25 =	simm.s32 $0x14000;
	s23 =	simm.s32 $0x15F00;
	[dreg:$0xf] =	wrdreg s4  }
0x15: {  	s1 =	simm.s32 $0x15F80;
	[dreg:$0x10] =	wrdreg s26;
	s0 =	smax.u32 s18, $0x1  }
0x16: {  	s12 =	sshrl.u32 s3, $0x3;
	s26 =	simm.s32 $0x15000;
	s3 =	simm.s32 $0x3  }
0x17: {  	s4 =	simm.s32 $0x2;
	s18 =	simm.s32 $0x14F00;
	[dreg:$0x12] =	wrdreg s0  }
0x18: {  	s21 =	simm.s32 $0x14F80;
	s0 =	simm.s32 $0x1;
	[dreg:$0x13] =	wrdreg s12  }
.LBB2_1:
0x19: {  	[dreg:$0x4] =	wrdreg s11;
	p1 =	por $0x1, $0x1;
	s11 =	simm.s32 $0x0  }
.LBB2_2:
0x1a: {  	s8 =	rddreg [dreg:$0x1]  }
0x1b: {  	[spmem:s12], [sflag:s13] =	dma.local [hbm:s8], $0x800  }
0x1c: {  	_ =	swait.ge [sflag:s24], $0x800  }
0x1d: {  	s9 =	rddreg [dreg:$0xa]  }
0x1e: {  	[sflag:s24] =	ssyncset.done $0x0;
	s9 =	sshrl.u32 s9, $0x3  }
0x1f: {  	[sflag:s24] =	ssyncadd.s32 $0xFFFFF800;
	[dreg:$0x17] =	wrdreg s9  }
0x20: {  	[spmem:s9], [sflag:s13] =	dma.local [hbm:s8], $0x800  }
0x21: {  	_ =	swait.ge [sflag:s24], $0x800  }
0x22: {  	s12 =	rddreg [dreg:$0xb]  }
0x23: {  	[sflag:s24] =	ssyncset.done $0x0;
	s9 =	sshrl.u32 s12, $0x3  }
0x24: {  	[sflag:s24] =	ssyncadd.s32 $0xFFFFF800;
	[dreg:$0x16] =	wrdreg s9  }
0x25: {  	[spmem:s9], [sflag:s13] =	dma.local [hbm:s8], $0x800  }
0x26: {  	_ =	swait.ge [sflag:s24], $0x800  }
0x27: {  	s22 =	rddreg [dreg:$0xf]  }
0x28: {  	[sflag:s24] =	ssyncset.done $0x0;
	s9 =	sshrl.u32 s22, $0x3  }
0x29: {  	[sflag:s24] =	ssyncadd.s32 $0xFFFFF800;
	[dreg:$0x15] =	wrdreg s9  }
0x2a: {  	[spmem:s9], [sflag:s13] =	dma.local [hbm:s8], $0x800  }
0x2b: {  	_ =	swait.ge [sflag:s24], $0x800  }
0x2c: {  	s12 =	rddreg [dreg:$0x10]  }
0x2d: {  	[sflag:s24] =	ssyncset.done $0x0;
	s9 =	sshrl.u32 s12, $0x3  }
0x2e: {  	[sflag:s24] =	ssyncadd.s32 $0xFFFFF800;
	[dreg:$0x14] =	wrdreg s9  }
0x2f: {  	[spmem:s9], [sflag:s13] =	dma.local [hbm:s8], $0x800  }
0x30: {  	_ =	swait.ge [sflag:s24], $0x800  }
0x31: {  	[sflag:s24] =	ssyncset.done $0x0  }
0x32: {  	[sflag:s24] =	ssyncadd.s32 $0xFFFFF800  }
0x33: {  	s13 =	smul.u32 $0xA0000, s11;
	[bflag:$0x0] =	sbarrier.arrive $0xFFFF  }
0x34: {  	p0 =	por p1, p1;
	s12 =	smul.u32 $0x50000, s11;
	s22 =	rddreg [dreg:$0xe]  }
0x35: {  	[dreg:$0x18] =	wrdreg s11;
	s9 =	sadd.s32 s22, s13;
	s22 =	simm.s32 $0x0  }
.LBB2_3:
0x36: {  	s8 =	sshll.u32 s22, $0xC  }
0x37: {  	s8 =	sadd.s32 s20, s8  }
0x38: {  	s11 =	sadd.s32 s8, s9  }
0x39: {  	s11 =	sshrl.u32 s11, $0x3  }
0x3a: {  	s11 =	sadd.s32 s5, s11  }
0x3b: {  	[tilespmem:s25], [sflag:$0x5] =	stream.linear.gather [hbm4b:s11+s30], $0x1000, $0x38;
	[tilespmem:$0x1E000] =	vst v63  }
0x3c: {  	s8 =	sadd.s32 s12, s8;
	_ =	swait.ge [sflag:s24], $0x1000  }
0x3d: {  	s8 =	sshrl.u32 s8, $0x3;
	[sflag:s24] =	ssyncset.done $0x0  }
0x3e: {  	s8 =	sadd.s32 s6, s8;
	[sflag:s24] =	ssyncadd.s32 $0xFFFFF000  }
0x3f: {  	[tilespmem:s26], [sflag:$0x5] =	stream.linear.gather [hbm4b:s8+s30], $0x1000, $0x38;
	[tilespmem:$0x1E000] =	vst v63  }
0x40: {  	_ =	swait.ge [sflag:s24], $0x1000  }
0x41: {  	[sflag:s24] =	ssyncset.done $0x0  }
0x42: {  	[sflag:s24] =	ssyncadd.s32 $0xFFFFF000  }
0x43: {  	[tilespmem:s29], [sflag:$0x1] =	stream.indirect.gather [hbm4b:s7+s28], $0x80, s25, s28, $0xb8;
	[tilespmem:$0x1E000] =	vst v63  }
0x44: {  	s11 =	simm.s32 $0x14080  }
0x45: {  	[tilespmem:s31], [sflag:$0x2] =	stream.indirect.gather [hbm4b:s7+s28], $0x80, s11, s28, $0xb8;
	[tilespmem:$0x1E000] =	vst v63  }
0x46: {  	_ =	swait.ge [sflag:s0], $0x4000  }
0x47: {  	[sflag:s0] =	ssyncset.done $0x0  }
0x48: {  	[sflag:s0] =	ssyncadd.s32 $0xFFFFC000  }
0x49: {  	[spmem:s2] =	stream.indirect.scatter.add.f32 [tilespmem:s29], [sflag:$0x3], $0x80, s26, s28, $0xb8;
	[tilespmem:$0x1E000] =	vst v63  }
0x4a: {  	_ =	swait.ge [sflag:s3], $0x4000  }
0x4b: {  	[sflag:s3] =	ssyncset.done $0x0  }
0x4c: {  	s13 =	simm.s32 $0x14100;
	[sflag:s3] =	ssyncadd.s32 $0xFFFFC000  }
0x4d: {  	[tilespmem:s29], [sflag:$0x1] =	stream.indirect.gather [hbm4b:s7+s28], $0x80, s13, s28, $0xb8;
	[tilespmem:$0x1E000] =	vst v63  }
0x4e: {  	_ =	swait.ge [sflag:s4], $0x4000  }
0x4f: {  	[sflag:s4] =	ssyncset.done $0x0  }
0x50: {  	s11 =	simm.s32 $0x15080;
	[sflag:s4] =	ssyncadd.s32 $0xFFFFC000  }
0x51: {  	[spmem:s2] =	stream.indirect.scatter.add.f32 [tilespmem:s31], [sflag:$0x4], $0x80, s11, s28, $0xb8;
	[tilespmem:$0x1E000] =	vst v63  }
0x52: {  	_ =	swait.ge [sflag:s10], $0x4000  }
0x53: {  	[sflag:s10] =	ssyncset.done $0x0  }
0x54: {  	s13 =	simm.s32 $0x14180;
	[sflag:s10] =	ssyncadd.s32 $0xFFFFC000  }
0x55: {  	[tilespmem:s31], [sflag:$0x2] =	stream.indirect.gather [hbm4b:s7+s28], $0x80, s13, s28, $0xb8;
	[tilespmem:$0x1E000] =	vst v63  }
0x56: {  	_ =	swait.ge [sflag:s0], $0x4000  }
0x57: {  	[sflag:s0] =	ssyncset.done $0x0  }
0x58: {  	s11 =	simm.s32 $0x15100;
	[sflag:s0] =	ssyncadd.s32 $0xFFFFC000  }
0x59: {  	[spmem:s2] =	stream.indirect.scatter.add.f32 [tilespmem:s29], [sflag:$0x3], $0x80, s11, s28, $0xb8;
	[tilespmem:$0x1E000] =	vst v63  }
0x5a: {  	_ =	swait.ge [sflag:s3], $0x4000  }
0x5b: {  	[sflag:s3] =	ssyncset.done $0x0  }
0x5c: {  	[sflag:s3] =	ssyncadd.s32 $0xFFFFC000  }
0x5d: {  	[tilespmem:s29], [sflag:$0x1] =	stream.indirect.gather [hbm4b:s7+s28], $0x80, s14, s28, $0xb8;
	[tilespmem:$0x1E000] =	vst v63  }
0x5e: {  	_ =	swait.ge [sflag:s4], $0x4000  }
0x5f: {  	[sflag:s4] =	ssyncset.done $0x0  }
0x60: {  	[sflag:s4] =	ssyncadd.s32 $0xFFFFC000  }
0x61: {  	[spmem:s2] =	stream.indirect.scatter.add.f32 [tilespmem:s31], [sflag:$0x4], $0x80, s15, s28, $0xb8;
	[tilespmem:$0x1E000] =	vst v63  }
0x62: {  	_ =	swait.ge [sflag:s10], $0x4000  }
0x63: {  	[sflag:s10] =	ssyncset.done $0x0  }
0x64: {  	s13 =	simm.s32 $0x14280;
	[sflag:s10] =	ssyncadd.s32 $0xFFFFC000  }
0x65: {  	[tilespmem:s31], [sflag:$0x2] =	stream.indirect.gather [hbm4b:s7+s28], $0x80, s13, s28, $0xb8;
	[tilespmem:$0x1E000] =	vst v63  }
0x66: {  	_ =	swait.ge [sflag:s0], $0x4000  }
0x67: {  	[sflag:s0] =	ssyncset.done $0x0  }
0x68: {  	s11 =	simm.s32 $0x15200;
	[sflag:s0] =	ssyncadd.s32 $0xFFFFC000  }
0x69: {  	[spmem:s2] =	stream.indirect.scatter.add.f32 [tilespmem:s29], [sflag:$0x3], $0x80, s11, s28, $0xb8;
	[tilespmem:$0x1E000] =	vst v63  }
0x6a: {  	_ =	swait.ge [sflag:s3], $0x4000  }
0x6b: {  	[sflag:s3] =	ssyncset.done $0x0  }
0x6c: {  	s13 =	simm.s32 $0x14300;
	[sflag:s3] =	ssyncadd.s32 $0xFFFFC000  }
0x6d: {  	[tilespmem:s29], [sflag:$0x1] =	stream.indirect.gather [hbm4b:s7+s28], $0x80, s13, s28, $0xb8;
	[tilespmem:$0x1E000] =	vst v63  }
0x6e: {  	_ =	swait.ge [sflag:s4], $0x4000  }
0x6f: {  	[sflag:s4] =	ssyncset.done $0x0  }
0x70: {  	s11 =	simm.s32 $0x15280;
	[sflag:s4] =	ssyncadd.s32 $0xFFFFC000  }
0x71: {  	[spmem:s2] =	stream.indirect.scatter.add.f32 [tilespmem:s31], [sflag:$0x4], $0x80, s11, s28, $0xb8;
	[tilespmem:$0x1E000] =	vst v63  }
0x72: {  	_ =	swait.ge [sflag:s10], $0x4000  }
0x73: {  	[sflag:s10] =	ssyncset.done $0x0  }
0x74: {  	s13 =	simm.s32 $0x14380;
	[sflag:s10] =	ssyncadd.s32 $0xFFFFC000  }
0x75: {  	[tilespmem:s31], [sflag:$0x2] =	stream.indirect.gather [hbm4b:s7+s28], $0x80, s13, s28, $0xb8;
	[tilespmem:$0x1E000] =	vst v63  }
0x76: {  	_ =	swait.ge [sflag:s0], $0x4000  }
0x77: {  	[sflag:s0] =	ssyncset.done $0x0  }
0x78: {  	s11 =	simm.s32 $0x15300;
	[sflag:s0] =	ssyncadd.s32 $0xFFFFC000  }
0x79: {  	[spmem:s2] =	stream.indirect.scatter.add.f32 [tilespmem:s29], [sflag:$0x3], $0x80, s11, s28, $0xb8;
	[tilespmem:$0x1E000] =	vst v63  }
0x7a: {  	_ =	swait.ge [sflag:s3], $0x4000  }
0x7b: {  	[sflag:s3] =	ssyncset.done $0x0  }
0x7c: {  	s13 =	simm.s32 $0x14400;
	[sflag:s3] =	ssyncadd.s32 $0xFFFFC000  }
0x7d: {  	[tilespmem:s29], [sflag:$0x1] =	stream.indirect.gather [hbm4b:s7+s28], $0x80, s13, s28, $0xb8;
	[tilespmem:$0x1E000] =	vst v63  }
0x7e: {  	_ =	swait.ge [sflag:s4], $0x4000  }
0x7f: {  	[sflag:s4] =	ssyncset.done $0x0  }
0x80: {  	s8 =	simm.s32 $0x800;
	s11 =	simm.s32 $0x15380;
	[sflag:s4] =	ssyncadd.s32 $0xFFFFC000  }
.LBB2_4:
0x81: {  	[spmem:s2] =	stream.indirect.scatter.add.f32 [tilespmem:s31], [sflag:$0x4], $0x80, s11, s28, $0xb8;
	[tilespmem:$0x1E000] =	vst v63  }
0x82: {  	s11 =	smov.u32 s8  }
0x83: {  	p1 =	sne.s32 s8, $0x2800;
	s8 =	sadd.s32 $0x800, s8;
	_ =	swait.ge [sflag:s10], $0x4000  }
0x84: {  	s11 =	sshra.s32 s11, $0x2;
	[sflag:s10] =	ssyncset.done $0x0  }
0x85: {  	s13 =	sadd.s32 $0x14280, s11;
	[sflag:s10] =	ssyncadd.s32 $0xFFFFC000  }
0x86: {  	[tilespmem:s31], [sflag:$0x2] =	stream.indirect.gather [hbm4b:s7+s28], $0x80, s13, s28, $0xb8;
	[tilespmem:$0x1E000] =	vst v63  }
0x87: {  	_ =	swait.ge [sflag:s0], $0x4000  }
0x88: {  	[sflag:s0] =	ssyncset.done $0x0  }
0x89: {  	s13 =	sadd.s32 $0x15200, s11;
	[sflag:s0] =	ssyncadd.s32 $0xFFFFC000  }
0x8a: {  	[spmem:s2] =	stream.indirect.scatter.add.f32 [tilespmem:s29], [sflag:$0x3], $0x80, s13, s28, $0xb8;
	[tilespmem:$0x1E000] =	vst v63  }
0x8b: {  	_ =	swait.ge [sflag:s3], $0x4000  }
0x8c: {  	[sflag:s3] =	ssyncset.done $0x0  }
0x8d: {  	s13 =	sadd.s32 $0x14300, s11;
	[sflag:s3] =	ssyncadd.s32 $0xFFFFC000  }
0x8e: {  	[tilespmem:s29], [sflag:$0x1] =	stream.indirect.gather [hbm4b:s7+s28], $0x80, s13, s28, $0xb8;
	[tilespmem:$0x1E000] =	vst v63  }
0x8f: {  	_ =	swait.ge [sflag:s4], $0x4000  }
0x90: {  	[sflag:s4] =	ssyncset.done $0x0  }
0x91: {  	s13 =	sadd.s32 $0x15280, s11;
	[sflag:s4] =	ssyncadd.s32 $0xFFFFC000  }
0x92: {  	[spmem:s2] =	stream.indirect.scatter.add.f32 [tilespmem:s31], [sflag:$0x4], $0x80, s13, s28, $0xb8;
	[tilespmem:$0x1E000] =	vst v63  }
0x93: {  	_ =	swait.ge [sflag:s10], $0x4000  }
0x94: {  	[sflag:s10] =	ssyncset.done $0x0  }
0x95: {  	s13 =	sadd.s32 $0x14380, s11;
	[sflag:s10] =	ssyncadd.s32 $0xFFFFC000  }
0x96: {  	[tilespmem:s31], [sflag:$0x2] =	stream.indirect.gather [hbm4b:s7+s28], $0x80, s13, s28, $0xb8;
	[tilespmem:$0x1E000] =	vst v63  }
0x97: {  	_ =	swait.ge [sflag:s0], $0x4000  }
0x98: {  	[sflag:s0] =	ssyncset.done $0x0  }
0x99: {  	s13 =	sadd.s32 $0x15300, s11;
	[sflag:s0] =	ssyncadd.s32 $0xFFFFC000  }
0x9a: {  	[spmem:s2] =	stream.indirect.scatter.add.f32 [tilespmem:s29], [sflag:$0x3], $0x80, s13, s28, $0xb8;
	[tilespmem:$0x1E000] =	vst v63  }
0x9b: {  	_ =	swait.ge [sflag:s3], $0x4000  }
0x9c: {  	[sflag:s3] =	ssyncset.done $0x0  }
.Ltmp0:
0x9d: {  	s13 =	sadd.s32 $0x14400, s11;
	[sflag:s3] =	ssyncadd.s32 $0xFFFFC000;
	(pc) =	sbr.rel @p1 .LBB2_4-.Ltmp0, $4  }
0x9e: {  	[tilespmem:s29], [sflag:$0x1] =	stream.indirect.gather [hbm4b:s7+s28], $0x80, s13, s28, $0xb8;
	[tilespmem:$0x1E000] =	vst v63  }
0x9f: {  	_ =	swait.ge [sflag:s4], $0x4000  }
0xa0: {  	[sflag:s4] =	ssyncset.done $0x0  }
0xa1: {  	s11 =	sadd.s32 $0x15380, s11;
	[sflag:s4] =	ssyncadd.s32 $0xFFFFC000  }
0xa2: {  	[spmem:s2] =	stream.indirect.scatter.add.f32 [tilespmem:s31], [sflag:$0x4], $0x80, s11, s28, $0xb8;
	[tilespmem:$0x1E000] =	vst v63  }
0xa3: {  	_ =	swait.ge [sflag:s10], $0x4000  }
0xa4: {  	[sflag:s10] =	ssyncset.done $0x0  }
0xa5: {  	[sflag:s10] =	ssyncadd.s32 $0xFFFFC000  }
0xa6: {  	[tilespmem:s31], [sflag:$0x2] =	stream.indirect.gather [hbm4b:s7+s28], $0x80, s16, s28, $0xb8;
	[tilespmem:$0x1E000] =	vst v63  }
0xa7: {  	_ =	swait.ge [sflag:s0], $0x4000  }
0xa8: {  	[sflag:s0] =	ssyncset.done $0x0  }
0xa9: {  	[sflag:s0] =	ssyncadd.s32 $0xFFFFC000  }
0xaa: {  	[spmem:s2] =	stream.indirect.scatter.add.f32 [tilespmem:s29], [sflag:$0x3], $0x80, s17, s28, $0xb8;
	[tilespmem:$0x1E000] =	vst v63  }
0xab: {  	_ =	swait.ge [sflag:s3], $0x4000  }
0xac: {  	[sflag:s3] =	ssyncset.done $0x0  }
0xad: {  	[sflag:s3] =	ssyncadd.s32 $0xFFFFC000  }
0xae: {  	[tilespmem:s29], [sflag:$0x1] =	stream.indirect.gather [hbm4b:s7+s28], $0x80, s18, s28, $0xb8;
	[tilespmem:$0x1E000] =	vst v63  }
0xaf: {  	_ =	swait.ge [sflag:s4], $0x4000  }
0xb0: {  	[sflag:s4] =	ssyncset.done $0x0  }
0xb1: {  	[sflag:s4] =	ssyncadd.s32 $0xFFFFC000  }
0xb2: {  	[spmem:s2] =	stream.indirect.scatter.add.f32 [tilespmem:s31], [sflag:$0x4], $0x80, s19, s28, $0xb8;
	[tilespmem:$0x1E000] =	vst v63  }
0xb3: {  	_ =	swait.ge [sflag:s10], $0x4000  }
0xb4: {  	[sflag:s10] =	ssyncset.done $0x0  }
0xb5: {  	[sflag:s10] =	ssyncadd.s32 $0xFFFFC000  }
0xb6: {  	[tilespmem:s31], [sflag:$0x2] =	stream.indirect.gather [hbm4b:s7+s28], $0x80, s21, s28, $0xb8;
	[tilespmem:$0x1E000] =	vst v63  }
0xb7: {  	_ =	swait.ge [sflag:s0], $0x4000  }
0xb8: {  	[sflag:s0] =	ssyncset.done $0x0  }
0xb9: {  	[sflag:s0] =	ssyncadd.s32 $0xFFFFC000  }
0xba: {  	[spmem:s2] =	stream.indirect.scatter.add.f32 [tilespmem:s29], [sflag:$0x3], $0x80, s23, s28, $0xb8;
	[tilespmem:$0x1E000] =	vst v63  }
0xbb: {  	_ =	swait.ge [sflag:s3], $0x4000  }
0xbc: {  	[sflag:s3] =	ssyncset.done $0x0  }
0xbd: {  	[sflag:s3] =	ssyncadd.s32 $0xFFFFC000  }
0xbe: {  	s22 =	sadd.s32 $0x1, s22;
	_ =	swait.ge [sflag:s4], $0x4000  }
0xbf: {  	p1 =	sne.s32 s22, $0x5;
	[sflag:s4] =	ssyncset.done $0x0  }
.Ltmp1:
0xc0: {  	[sflag:s4] =	ssyncadd.s32 $0xFFFFC000;
	(pc) =	sbr.rel @p1 .LBB2_3-.Ltmp1, $4  }
0xc1: {  	[spmem:s2] =	stream.indirect.scatter.add.f32 [tilespmem:s31], [sflag:$0x4], $0x80, s1, s28, $0xb8;
	[tilespmem:$0x1E000] =	vst v63  }
0xc2: {  	_ =	swait.ge [sflag:s10], $0x4000  }
0xc3: {  	[sflag:s10] =	ssyncset.done $0x0  }
0xc4: {  	[sflag:s10] =	ssyncadd.s32 $0xFFFFC000  }
0xc5: {  	s8 =	rddreg [dreg:$0x18]  }
0xc6: {  	s8 =	smul.u32 $0x280000, s8  }
0xc7: {  	s9 =	rddreg [dreg:$0x11]  }
0xc8: {  	s13 =	rddreg [dreg:$0x5];
	[bflag:$0x0] =	sbarrier.arrive $0xFFFF;
	s8 =	sadd.s32 s9, s8  }
0xc9: {  	s11 =	rddreg [dreg:$0x6];
	s9 =	sadd.s32 s13, s8  }
0xca: {  	s12 =	rddreg [dreg:$0x13];
	s9 =	sshrl.u32 s9, $0x3  }
0xcb: {  	s13 =	rddreg [dreg:$0x9];
	s9 =	sadd.s32 s11, s9  }
0xcc: {  	[hbm:s9], [sflag:s13] =	dma.local [spmem:s12], $0x800  }
0xcd: {  	_ =	swait.ge [sflag:s24], $0x800  }
0xce: {  	s22 =	rddreg [dreg:$0x7]  }
0xcf: {  	s9 =	sadd.s32 s22, s8  }
0xd0: {  	[sflag:s24] =	ssyncset.done $0x0;
	s9 =	sshrl.u32 s9, $0x3  }
0xd1: {  	[sflag:s24] =	ssyncadd.s32 $0xFFFFF800;
	s22 =	rddreg [dreg:$0x17];
	s9 =	sadd.s32 s11, s9  }
0xd2: {  	[hbm:s9], [sflag:s13] =	dma.local [spmem:s22], $0x800  }
0xd3: {  	_ =	swait.ge [sflag:s24], $0x800  }
0xd4: {  	s22 =	rddreg [dreg:$0x8]  }
0xd5: {  	s9 =	sadd.s32 s22, s8  }
0xd6: {  	[sflag:s24] =	ssyncset.done $0x0;
	s9 =	sshrl.u32 s9, $0x3  }
0xd7: {  	[sflag:s24] =	ssyncadd.s32 $0xFFFFF800;
	s22 =	rddreg [dreg:$0x16];
	s9 =	sadd.s32 s11, s9  }
0xd8: {  	[hbm:s9], [sflag:s13] =	dma.local [spmem:s22], $0x800  }
0xd9: {  	_ =	swait.ge [sflag:s24], $0x800  }
0xda: {  	s22 =	rddreg [dreg:$0xc]  }
0xdb: {  	s9 =	sadd.s32 s22, s8  }
0xdc: {  	[sflag:s24] =	ssyncset.done $0x0;
	s9 =	sshrl.u32 s9, $0x3  }
0xdd: {  	[sflag:s24] =	ssyncadd.s32 $0xFFFFF800;
	s22 =	rddreg [dreg:$0x15];
	s9 =	sadd.s32 s11, s9  }
0xde: {  	[hbm:s9], [sflag:s13] =	dma.local [spmem:s22], $0x800  }
0xdf: {  	_ =	swait.ge [sflag:s24], $0x800  }
0xe0: {  	s22 =	rddreg [dreg:$0xd]  }
0xe1: {  	s8 =	sadd.s32 s22, s8  }
0xe2: {  	[sflag:s24] =	ssyncset.done $0x0;
	s8 =	sshrl.u32 s8, $0x3  }
0xe3: {  	[sflag:s24] =	ssyncadd.s32 $0xFFFFF800;
	s22 =	rddreg [dreg:$0x14];
	s8 =	sadd.s32 s11, s8  }
0xe4: {  	[hbm:s8], [sflag:s13] =	dma.local [spmem:s22], $0x800  }
.Ltmp2:
0xe5: {  	_ =	swait.ge [sflag:s24], $0x800;
	(pc) =	sbr.rel @p0 .LBB2_2-.Ltmp2, $4  }
0xe6: {  	[sflag:s24] =	ssyncset.done $0x0  }
0xe7: {  	[sflag:s24] =	ssyncadd.s32 $0xFFFFF800  }
0xe8: {  	[bflag:$0x0] =	sbarrier.arrive $0xFFFF  }
0xe9: {  	p1 =	por $0x0, $0x0;
	s11 =	simm.s32 $0x1  }
0xea: {  	s11 =	rddreg [dreg:$0x4]  }
0xeb: {  	s8 =	rddreg [dreg:$0x12];
	s11 =	sadd.s32 $0x1, s11  }
0xec: {  	p0 =	sne.s32 s11, s8  }
.Ltmp3:
0xed: {  	_ = 	snop;
	(pc) =	sbr.rel @p0 .LBB2_1-.Ltmp3, $1  }
0xee: {  	_ =	sdelay $0x3  }
0xef: {  	_ =	sfence.sel $0x180000  }
0xf0: {  	[bflag:$0x0] =	sbarrier.arrive $0xFFFF  }
0xf1: {  	_ =	strace $0x9000004A  }
0xf2: {  	s0 =	stileid.u32;
	[bflag:$0x2] =	sbarrier.arrive $0xFFFF  }
0xf3: {  	p0 =	sne.s32 s0, $0x0;
	s0 =	rddreg [dreg:$0x3]  }
0xf4: {  	s0 =	sadd.s32 @!p0 $0x100000, s0  }
0xf5: {  	[sflag:s0] =	ssyncadd.tile.s32 @!p0 $0x1;
	_ =	shalt  }
.Lfunc_end2:
_tile_overlayer_lowered:
.L_overlay_start_2:
0xf6: {  	(tag) =	ssettag $0x2  }
0xf7: {  	s0 =	rddreg [dreg:$0x0];
	s2 =	stileid.u32  }
0xf8: {  	s1 =	rddreg [dreg:$0x1];
	p0 =	sne.s32 s2, $0x0  }
0xf9: {  	s3 =	rddreg [dreg:$0x2];
	[bflag:$0x3] =	sbarrier.arrive $0xFFFF;
	s2 =	simm.s32 @!p0 $0x1C05  }
0xfa: {  	[timem:s3], [sflag:s2] =	dma.local @!p0 [hbm:s0], s1  }
0xfb: {  	s0 =	simm.s32 @!p0 $0x5  }
0xfc: {  	_ =	swait.ge @!p0 [sflag:s0], s1  }
0xfd: {  	s1 =	ssub.s32 @!p0 $0x0, s1;
	[sflag:s0] =	ssyncset.done @!p0 $0x0  }
0xfe: {  	[sflag:s0] =	ssyncadd.s32 @!p0 s1  }
0xff: {  	[bflag:$0x3] =	sbarrier.arrive $0xFFFF  }
0x100: {  	_ =	shalt  }

// kernel: kernel.15.cloned.1.call-start
scs
__scs_entry_jumppad:
0x0: {  	(pc) =	sbr.rel $0x88, $3  }
0x1: {  	(tag) =	ssettag $0x0;
	lr =	simm.s32 $0x1  }
0x2: {  	[smem:$0x3F87] =	sst lr;
	_ =	strace $0xD0000000  }
0x3: {  	_ = 	snop  }
0x4: {  	_ = 	snop  }
0x5: {  	_ = 	snop  }
0x6: {  	_ = 	snop  }
0x7: {  	_ = 	snop  }
__scs_overlays_trampoline_lowered:
0x8: {  	[smem:$0x3F96] =	sst s0  }
0x9: {  	[smem:$0x3F97] =	sst s1  }
0xa: {  	[smem:$0x3F98] =	sst s2  }
0xb: {  	[smem:$0x3F99] =	sst s3  }
0xc: {  	[smem:$0x3F9A] =	sst s4  }
0xd: {  	[smem:$0x3F9B] =	sst s5  }
0xe: {  	[smem:$0x3F9C] =	sst s6  }
0xf: {  	[smem:$0x3F9D] =	sst s7  }
0x10: {  	[smem:$0x3F9E] =	sst s8  }
0x11: {  	[smem:$0x3F9F] =	sst s9;
	s0 =	simm.s32 @!p0 $0x0  }
0x12: {  	s1 =	sld [smem:$0x3F85];
	s0 =	simm.s32 @p0 $0x1  }
0x13: {  	[smem:$0x3FA0] =	sst s0;
	s0 =	simm.s32 @!p1 $0x0  }
0x14: {  	s2 =	sld [smem:$0x3F84];
	s0 =	simm.s32 @p1 $0x1  }
0x15: {  	[smem:$0x3FA1] =	sst s0;
	s0 =	simm.s32 @!p2 $0x0  }
0x16: {  	s3 =	sld [smem:$0x3FDB];
	s0 =	simm.s32 @p2 $0x1  }
0x17: {  	s4 =	simm.s32 $0x1BF5;
	[smem:$0x3FA3] =	sst s0  }
0x18: {  	s0 =	sld [smem:$0x3F86];
	_ =	swait.ge [sflag:s4], $0x0  }
0x19: {  	s7 =	sld [smem:$0x3F87]  }
0x1a: {  	s8 =	sadd.s32 $0xFFFFE003, lr  }
0x1b: {  	s9 =	sadd.s32 $0xFFFFFEF7, lr;
	s5 =	simm.s32 $0xFFFFFFFF;
	p2 =	slt.u32 s8, $0xFFFFF086  }
0x1c: {  	p1 =	slt.u32 s9, $0xF7A;
	s5 =	simm.s32 @!p2 $0x0  }
0x1d: {  	s5 =	simm.s32 @p1 $0x1;
	p0 =	seq.s32 s7, s2  }
0x1e: {  	s7 =	smul.u32 @!p0 $0xF7A, s2;
	p2 =	seq.s32 @!p0 s5, $0x0  }
0x1f: {  	s9 =	smul.u32 $0xF7A, s1;
	s8 =	simm.s32 @!p0 $0x1BF5;
	p2 =	por !p2, p0  }
0x20: {  	[sflag:s8] =	ssyncset.s32 @!p0 $0xFFFFF086;
	s6 =	sadd.s32 @!p0 s3, s7;
	s7 =	simm.s32 @!p0 $0x108  }
0x21: {  	s3 =	sadd.s32 s3, s9;
	s6 =	sadd.s32 @!p0 $0x88, s6;
	s7 =	simm.s32 @p2 $0x1082  }
0x22: {  	[simem:s7], [sflag:s8] =	dma.local @!p0 [hbm:s6], $0xF7A  }
0x23: {  	s9 =	sor.u32 $0xD0000000, s2;
	s6 =	simm.s32 $0x108;
	_ =	swait.ge @!p0 [sflag:s8], $0x0  }
0x24: {  	s3 =	sadd.s32 $0x88, s3;
	s6 =	simm.s32 @!p1 $0x1082;
	[sflag:s4] =	ssyncset.s32 $0xFFFFF086  }
0x25: {  	[simem:s6], [sflag:s4] =	dma.local [hbm:s3], $0xF7A  }
0x26: {  	[smem:$0x3F87] =	sst s1;
	(tag) =	ssettag s2;
	_ =	strace s9  }
0x27: {  	s1 =	sld [smem:$0x3F97]  }
0x28: {  	s2 =	sld [smem:$0x3F98]  }
0x29: {  	s4 =	sld [smem:$0x3F9A]  }
0x2a: {  	p0 =	seq.s32 s5, $0x0;
	s5 =	sld [smem:$0x3F9B]  }
0x2b: {  	s6 =	sld [smem:$0x3F9C]  }
0x2c: {  	s7 =	sld [smem:$0x3F9D]  }
0x2d: {  	s3 =	simm.s32 $0x108;
	s8 =	sld [smem:$0x3F9E]  }
0x2e: {  	s3 =	simm.s32 @!p0 $0x1082;
	s9 =	sld [smem:$0x3F9F]  }
0x2f: {  	lr =	sadd.s32 s0, s3;
	s0 =	sld [smem:$0x3F96]  }
0x30: {  	s3 =	sld [smem:$0x3F99]  }
0x31: {  	[smem:$0x3FA2] =	sst s10  }
0x32: {  	s10 =	sld [smem:$0x3FA0];
	_ =	sdelay $0x3  }
0x33: {  	p0 =	seq.s32 s10, $0x1;
	s10 =	sld [smem:$0x3FA2];
	_ =	sdelay $0x3  }
0x34: {  	[smem:$0x3FA2] =	sst s10  }
0x35: {  	s10 =	sld [smem:$0x3FA1];
	_ =	sdelay $0x3  }
0x36: {  	p1 =	seq.s32 s10, $0x1;
	s10 =	sld [smem:$0x3FA2];
	_ =	sdelay $0x3  }
0x37: {  	[smem:$0x3FA2] =	sst s10  }
0x38: {  	s10 =	sld [smem:$0x3FA3]  }
0x39: {  	_ = 	snop;
	(pc) =	sbr.ind lr, $3  }
0x3a: {  	_ = 	snop  }
0x3b: {  	_ = 	snop  }
0x3c: {  	p2 =	seq.s32 s10, $0x1;
	s10 =	sld [smem:$0x3FA2]  }
0x3d: {  	_ =	shalt  }
0x3e: {  	_ =	shalt  }
0x3f: {  	_ =	shalt  }
0x40: {  	_ =	shalt  }
0x41: {  	_ =	shalt  }
0x42: {  	_ =	shalt  }
0x43: {  	_ =	shalt  }
0x44: {  	_ =	shalt  }
0x45: {  	_ =	shalt  }
0x46: {  	_ =	shalt  }
0x47: {  	_ =	shalt  }
0x48: {  	_ =	shalt  }
0x49: {  	_ =	shalt  }
0x4a: {  	_ =	shalt  }
0x4b: {  	_ =	shalt  }
0x4c: {  	_ =	shalt  }
0x4d: {  	_ =	shalt  }
0x4e: {  	_ =	shalt  }
0x4f: {  	_ =	shalt  }
0x50: {  	_ =	shalt  }
0x51: {  	_ =	shalt  }
0x52: {  	_ =	shalt  }
0x53: {  	_ =	shalt  }
0x54: {  	_ =	shalt  }
0x55: {  	_ =	shalt  }
0x56: {  	_ =	shalt  }
0x57: {  	_ =	shalt  }
0x58: {  	_ =	shalt  }
0x59: {  	_ =	shalt  }
0x5a: {  	_ =	shalt  }
0x5b: {  	_ =	shalt  }
0x5c: {  	_ =	shalt  }
0x5d: {  	_ =	shalt  }
0x5e: {  	_ =	shalt  }
0x5f: {  	_ =	shalt  }
0x60: {  	_ =	shalt  }
0x61: {  	_ =	shalt  }
0x62: {  	_ =	shalt  }
0x63: {  	_ =	shalt  }
0x64: {  	_ =	shalt  }
0x65: {  	_ =	shalt  }
0x66: {  	_ =	shalt  }
0x67: {  	_ =	shalt  }
0x68: {  	_ =	shalt  }
0x69: {  	_ =	shalt  }
0x6a: {  	_ =	shalt  }
0x6b: {  	_ =	shalt  }
0x6c: {  	_ =	shalt  }
0x6d: {  	_ =	shalt  }
0x6e: {  	_ =	shalt  }
0x6f: {  	_ =	shalt  }
0x70: {  	_ =	shalt  }
0x71: {  	_ =	shalt  }
0x72: {  	_ =	shalt  }
0x73: {  	_ =	shalt  }
0x74: {  	_ =	shalt  }
0x75: {  	_ =	shalt  }
0x76: {  	_ =	shalt  }
0x77: {  	_ =	shalt  }
0x78: {  	_ =	shalt  }
0x79: {  	_ =	shalt  }
0x7a: {  	_ =	shalt  }
0x7b: {  	_ =	shalt  }
0x7c: {  	_ =	shalt  }
0x7d: {  	_ =	shalt  }
0x7e: {  	_ =	shalt  }
0x7f: {  	_ =	shalt  }
0x80: {  	_ =	shalt  }
0x81: {  	_ =	shalt  }
0x82: {  	_ =	shalt  }
0x83: {  	_ =	shalt  }
0x84: {  	_ =	shalt  }
0x85: {  	_ =	shalt  }
0x86: {  	_ =	shalt  }
0x87: {  	_ =	shalt  }
.Lfunc_end0:
.L_simem_size_0:
called_computation.2_lowered:
.L_overlay_start_0:
0x88: {  	s2 =	sld [smem:$0x3FD9]  }
0x89: {  	s3 =	sld [smem:$0x3FFE];
	_ =	sdelay $0x1  }
0x8a: {  	s1 =	srdreg.scid  }
0x8b: {  	s0 =	sand.u32 $0x1, s1  }
0x8c: {  	s17 =	sshll.u32 s0, $0xA;
	s2 =	sadd.s32 s3, s2  }
0x8d: {  	s2 =	sadd.s32 s2, s17  }
0x8e: {  	[smem:$0x3FAE] =	sst s2  }
0x8f: {  	_ = 	snop  }
0x90: {  	s2 =	sld [smem:$0x3FD0];
	(tm) =	ssettm $0x1  }
0x91: {  	s18 =	sld [smem:$0x3FFB];
	_ =	sdelay $0x3  }
0x92: {  	_ =	strace s18  }
0x93: {  	s3 =	sld [smem:$0x3FFC];
	_ =	sdelay $0x3  }
0x94: {  	_ =	strace s3  }
0x95: {  	s3 =	sld [smem:$0x3FFD];
	_ =	sdelay $0x3  }
0x96: {  	_ =	strace s3  }
0x97: {  	_ =	strace $0x8FFFFFFF  }
0x98: {  	s19 =	sld [smem:$0x3FDB];
	_ =	sdelay $0x1  }
0x99: {  	s4 =	simm.s32 $_scs_section_size  }
0x9a: {  	s5 =	simm.s32 $_size__tile_overlayer_lowered;
	s6 =	simm.s32 $_tile_overlayer_lowered  }
0x9b: {  	s22 =	simm.s32 $0x1BFF;
	s21 =	sshll.u32 s6, $0x1;
	s3 =	sadd.s32 s4, s19  }
0x9c: {  	s7 =	simm.s32 $0x0;
	s20 =	sshll.u32 s5, $0x1;
	s5 =	sadd.s32 s21, s3  }
0x9d: {  	[timem:s7], [sflag:s22] =	dma.local [hbm:s5], s20  }
0x9e: {  	_ =	swait.ge [sflag:s22], s20  }
0x9f: {  	s4 =	ssub.s32 $0x0, s20;
	[sflag:s22] =	ssyncset.done $0x0  }
0xa0: {  	[sflag:s22] =	ssyncadd.s32 s4;
	_ =	sdelay $0x1  }
0xa1: {  	s23 =	simm.s32 $0x1B8B  }
0xa2: {  	_ =	swait.ge [sflag:s23], $0x1  }
0xa3: {  	[sflag:s23] =	ssyncset.done $0x0  }
0xa4: {  	s25 =	simm.s32 $0x1B8E;
	s24 =	sld [smem:$0x3FFE];
	[sflag:s23] =	ssyncadd.s32 $0xFFFFFFFF  }
0xa5: {  	s26 =	simm.s32 $execute0_lowered;
	[smem:$0x3FD2] =	sst s25  }
0xa6: {  	s5 =	sshll.u32 s26, $0x1;
	_ =	strace $0x8000004C;
	[dreg:$0x1] =	wrdreg $0xFFFFFFFF  }
0xa7: {  	s28 =	simm.s32 $_size_execute0_lowered;
	s3 =	sadd.s32 s3, s5;
	[dreg:$0x0] =	wrdreg $0x0  }
0xa8: {  	s5 =	sshll.u32 s28, $0x1;
	[dreg:$0x2] =	wrdreg s3  }
0xa9: {  	[dreg:$0x3] =	wrdreg s5  }
0xaa: {  	[dreg:$0x4] =	wrdreg $0xC0  }
0xab: {  	_ =	task [dreg:s7], $0x5FFFF  }
0xac: {  	[dreg:$0x1] =	wrdreg $0xFFFFFFFF  }
0xad: {  	[dreg:$0x0] =	wrdreg $0x60  }
0xae: {  	[dreg:$0x2] =	wrdreg s24  }
0xaf: {  	[dreg:$0x3] =	wrdreg s2  }
0xb0: {  	[dreg:$0x4] =	wrdreg $0x0  }
0xb1: {  	[dreg:$0x5] =	wrdreg $0x9  }
0xb2: {  	_ =	task.clear_ibuf [dreg:s7], $0x6FFFF;
	_ =	strace $0x9000004C  }
0xb3: {  	s29 =	simm.s32 $0x9;
	_ =	strace $0x8000004E  }
0xb4: {  	_ =	swait.ge [sflag:s29], $0x1  }
0xb5: {  	[sflag:s29] =	ssyncadd.s32 $0xFFFFFFFF  }
0xb6: {  	_ =	strace $0x9000004E  }
0xb7: {  	_ =	sfence  }
0xb8: {  	s30 =	sld [smem:$0x0];
	_ =	sdelay $0x2  }
0xb9: {  	s31 =	sshll.u32 s1, $0xD;
	s1 =	sshrl.u32 s1, $0x2  }
0xba: {  	s3 =	sand.u32 $0x4000, s31;
	s1 =	sadd.s32 s1, s30  }
0xbb: {  	s0 =	sor.u32 s3, s0;
	s1 =	sshll.u32 s1, $0x11  }
0xbc: {  	s0 =	sor.u32 s1, s0  }
0xbd: {  	s0 =	sadd.s32 $0x8F2B, s0  }
0xbe: {  	[sflag:s0] =	ssyncadd.remote.s32 $0x1  }
0xbf: {  	_ =	sfence.sel $0xFFFF  }
0xc0: {  	[dreg:$0x0] =	wrdreg $0xFFFFFFFF;
	(pc) =	sbr.abs _section_cstart, $3  }
0xc1: {  	[dreg:$0x1] =	wrdreg $0xFFFFFFFF  }
0xc2: {  	_ =	task.clear_ibuf [dreg:s7], $0x2FFFF;
	_ =	strace $0x9FFFFFFF  }
0xc3: {  	(tm) =	ssettm $0x7FFFFFFF  }
tec
execute0_lowered:
.L_overlay_start_1:
0x0: {  	(tag) =	ssettag $0x1  }
0x1: {  	s0 =	rddreg [dreg:$0x0]  }
0x2: {  	s2 =	rddreg [dreg:$0x2];
	s11 =	simm.s32 $0x0  }
0x3: {  	s1 =	srdreg.scid;
	s9 =	stileid.u32;
	s28 =	simm.s32 $0x80  }
0x4: {  	s29 =	simm.s32 $0x16000;
	s31 =	simm.s32 $0x1A000;
	s14 =	simm.s32 $0x14200  }
0x5: {  	s15 =	simm.s32 $0x15180;
	s16 =	simm.s32 $0x14E80;
	s17 =	simm.s32 $0x15E00  }
0x6: {  	s30 =	simm.s32 $0x0;
	[smem:$0x7FF] =	sst s11;
	s5 =	sadd.s32 $0x1EE00, s0  }
0x7: {  	s1 =	sand.u32 $0x1, s1;
	s3 =	smul.u32 $0x50000, s9;
	s6 =	sadd.s32 $0x5000, s0  }
0x8: {  	s7 =	sadd.s32 $0x186E00, s0;
	s10 =	smul.u32 $0x14000, s9;
	s0 =	sadd.s32 $0x46E00, s0  }
0x9: {  	s19 =	sshll.u32 s9, $0x6;
	_ =	strace $0x8000004D;
	[dreg:$0x6] =	wrdreg s0  }
0xa: {  	s4 =	ssub.s32 $0x2, s1;
	s13 =	sor.u32 $0x1C05, s19;
	[dreg:$0x5] =	wrdreg s10  }
0xb: {  	s25 =	smul.u32 $0x50000, s1;
	s20 =	sadd.s32 $0x4000, s10;
	[dreg:$0x9] =	wrdreg s13  }
0xc: {  	s1 =	smul.u32 $0x140000, s1;
	s12 =	sadd.s32 $0x8000, s10;
	[dreg:$0x7] =	wrdreg s20  }
0xd: {  	s19 =	simm.s32 $0x15E80;
	s8 =	sshrl.u32 s4, $0x1;
	[dreg:$0x8] =	wrdreg s12  }
0xe: {  	s3 =	sshrl.u32 s3, $0x2;
	s23 =	sadd.s32 $0xC000, s10;
	[dreg:$0xe] =	wrdreg s25  }
0xf: {  	s24 =	sadd.s32 $0x10000, s10;
	s10 =	simm.s32 $0x4;
	[dreg:$0xc] =	wrdreg s23  }
0x10: {  	s18 =	ssub.s32 s4, s8;
	s3 =	sadd.s32 s3, s2;
	[dreg:$0xd] =	wrdreg s24  }
0x11: {  	s21 =	sadd.s32 s20, s2;
	s22 =	sadd.s32 s12, s2;
	[dreg:$0x11] =	wrdreg s1  }
0x12: {  	s4 =	sadd.s32 s23, s2;
	s26 =	sadd.s32 s24, s2;
	[dreg:$0xa] =	wrdreg s21  }
0x13: {  	s20 =	smul.u32 $0x5000, s9;
	s24 =	simm.s32 $0x5;
	[dreg:$0xb] =	wrdreg s22  }
0x14: {  	s25 =	simm.s32 $0x14000;
	s23 =	simm.s32 $0x15F00;
	[dreg:$0xf] =	wrdreg s4  }
0x15: {  	s1 =	simm.s32 $0x15F80;
	[dreg:$0x10] =	wrdreg s26;
	s0 =	smax.u32 s18, $0x1  }
0x16: {  	s12 =	sshrl.u32 s3, $0x3;
	s26 =	simm.s32 $0x15000;
	s3 =	simm.s32 $0x3  }
0x17: {  	s4 =	simm.s32 $0x2;
	s18 =	simm.s32 $0x14F00;
	[dreg:$0x12] =	wrdreg s0  }
0x18: {  	s21 =	simm.s32 $0x14F80;
	s0 =	simm.s32 $0x1;
	[dreg:$0x13] =	wrdreg s12  }
.LBB2_1:
0x19: {  	[dreg:$0x4] =	wrdreg s11;
	p1 =	por $0x1, $0x1;
	s11 =	simm.s32 $0x0  }
.LBB2_2:
0x1a: {  	s8 =	rddreg [dreg:$0x1]  }
0x1b: {  	[spmem:s12], [sflag:s13] =	dma.local [hbm:s8], $0x800  }
0x1c: {  	_ =	swait.ge [sflag:s24], $0x800  }
0x1d: {  	s9 =	rddreg [dreg:$0xa]  }
0x1e: {  	[sflag:s24] =	ssyncset.done $0x0;
	s9 =	sshrl.u32 s9, $0x3  }
0x1f: {  	[sflag:s24] =	ssyncadd.s32 $0xFFFFF800;
	[dreg:$0x17] =	wrdreg s9  }
0x20: {  	[spmem:s9], [sflag:s13] =	dma.local [hbm:s8], $0x800  }
0x21: {  	_ =	swait.ge [sflag:s24], $0x800  }
0x22: {  	s12 =	rddreg [dreg:$0xb]  }
0x23: {  	[sflag:s24] =	ssyncset.done $0x0;
	s9 =	sshrl.u32 s12, $0x3  }
0x24: {  	[sflag:s24] =	ssyncadd.s32 $0xFFFFF800;
	[dreg:$0x16] =	wrdreg s9  }
0x25: {  	[spmem:s9], [sflag:s13] =	dma.local [hbm:s8], $0x800  }
0x26: {  	_ =	swait.ge [sflag:s24], $0x800  }
0x27: {  	s22 =	rddreg [dreg:$0xf]  }
0x28: {  	[sflag:s24] =	ssyncset.done $0x0;
	s9 =	sshrl.u32 s22, $0x3  }
0x29: {  	[sflag:s24] =	ssyncadd.s32 $0xFFFFF800;
	[dreg:$0x15] =	wrdreg s9  }
0x2a: {  	[spmem:s9], [sflag:s13] =	dma.local [hbm:s8], $0x800  }
0x2b: {  	_ =	swait.ge [sflag:s24], $0x800  }
0x2c: {  	s12 =	rddreg [dreg:$0x10]  }
0x2d: {  	[sflag:s24] =	ssyncset.done $0x0;
	s9 =	sshrl.u32 s12, $0x3  }
0x2e: {  	[sflag:s24] =	ssyncadd.s32 $0xFFFFF800;
	[dreg:$0x14] =	wrdreg s9  }
0x2f: {  	[spmem:s9], [sflag:s13] =	dma.local [hbm:s8], $0x800  }
0x30: {  	_ =	swait.ge [sflag:s24], $0x800  }
0x31: {  	[sflag:s24] =	ssyncset.done $0x0  }
0x32: {  	[sflag:s24] =	ssyncadd.s32 $0xFFFFF800  }
0x33: {  	s13 =	smul.u32 $0xA0000, s11;
	[bflag:$0x0] =	sbarrier.arrive $0xFFFF  }
0x34: {  	p0 =	por p1, p1;
	s12 =	smul.u32 $0x50000, s11;
	s22 =	rddreg [dreg:$0xe]  }
0x35: {  	[dreg:$0x18] =	wrdreg s11;
	s9 =	sadd.s32 s22, s13;
	s22 =	simm.s32 $0x0  }
.LBB2_3:
0x36: {  	s8 =	sshll.u32 s22, $0xC  }
0x37: {  	s8 =	sadd.s32 s20, s8  }
0x38: {  	s11 =	sadd.s32 s8, s9  }
0x39: {  	s11 =	sshrl.u32 s11, $0x3  }
0x3a: {  	s11 =	sadd.s32 s5, s11  }
0x3b: {  	[tilespmem:s25], [sflag:$0x5] =	stream.linear.gather [hbm4b:s11+s30], $0x1000, $0x38;
	[tilespmem:$0x1E000] =	vst v63  }
0x3c: {  	s8 =	sadd.s32 s12, s8;
	_ =	swait.ge [sflag:s24], $0x1000  }
0x3d: {  	s8 =	sshrl.u32 s8, $0x3;
	[sflag:s24] =	ssyncset.done $0x0  }
0x3e: {  	s8 =	sadd.s32 s6, s8;
	[sflag:s24] =	ssyncadd.s32 $0xFFFFF000  }
0x3f: {  	[tilespmem:s26], [sflag:$0x5] =	stream.linear.gather [hbm4b:s8+s30], $0x1000, $0x38;
	[tilespmem:$0x1E000] =	vst v63  }
0x40: {  	_ =	swait.ge [sflag:s24], $0x1000  }
0x41: {  	[sflag:s24] =	ssyncset.done $0x0  }
0x42: {  	[sflag:s24] =	ssyncadd.s32 $0xFFFFF000  }
0x43: {  	[tilespmem:s29], [sflag:$0x1] =	stream.indirect.gather [hbm4b:s7+s28], $0x80, s25, s28, $0xb8;
	[tilespmem:$0x1E000] =	vst v63  }
0x44: {  	s11 =	simm.s32 $0x14080  }
0x45: {  	[tilespmem:s31], [sflag:$0x2] =	stream.indirect.gather [hbm4b:s7+s28], $0x80, s11, s28, $0xb8;
	[tilespmem:$0x1E000] =	vst v63  }
0x46: {  	_ =	swait.ge [sflag:s0], $0x4000  }
0x47: {  	[sflag:s0] =	ssyncset.done $0x0  }
0x48: {  	[sflag:s0] =	ssyncadd.s32 $0xFFFFC000  }
0x49: {  	[spmem:s2] =	stream.indirect.scatter.add.f32 [tilespmem:s29], [sflag:$0x3], $0x80, s26, s28, $0xb8;
	[tilespmem:$0x1E000] =	vst v63  }
0x4a: {  	_ =	swait.ge [sflag:s3], $0x4000  }
0x4b: {  	[sflag:s3] =	ssyncset.done $0x0  }
0x4c: {  	s13 =	simm.s32 $0x14100;
	[sflag:s3] =	ssyncadd.s32 $0xFFFFC000  }
0x4d: {  	[tilespmem:s29], [sflag:$0x1] =	stream.indirect.gather [hbm4b:s7+s28], $0x80, s13, s28, $0xb8;
	[tilespmem:$0x1E000] =	vst v63  }
0x4e: {  	_ =	swait.ge [sflag:s4], $0x4000  }
0x4f: {  	[sflag:s4] =	ssyncset.done $0x0  }
0x50: {  	s11 =	simm.s32 $0x15080;
	[sflag:s4] =	ssyncadd.s32 $0xFFFFC000  }
0x51: {  	[spmem:s2] =	stream.indirect.scatter.add.f32 [tilespmem:s31], [sflag:$0x4], $0x80, s11, s28, $0xb8;
	[tilespmem:$0x1E000] =	vst v63  }
0x52: {  	_ =	swait.ge [sflag:s10], $0x4000  }
0x53: {  	[sflag:s10] =	ssyncset.done $0x0  }
0x54: {  	s13 =	simm.s32 $0x14180;
	[sflag:s10] =	ssyncadd.s32 $0xFFFFC000  }
0x55: {  	[tilespmem:s31], [sflag:$0x2] =	stream.indirect.gather [hbm4b:s7+s28], $0x80, s13, s28, $0xb8;
	[tilespmem:$0x1E000] =	vst v63  }
0x56: {  	_ =	swait.ge [sflag:s0], $0x4000  }
0x57: {  	[sflag:s0] =	ssyncset.done $0x0  }
0x58: {  	s11 =	simm.s32 $0x15100;
	[sflag:s0] =	ssyncadd.s32 $0xFFFFC000  }
0x59: {  	[spmem:s2] =	stream.indirect.scatter.add.f32 [tilespmem:s29], [sflag:$0x3], $0x80, s11, s28, $0xb8;
	[tilespmem:$0x1E000] =	vst v63  }
0x5a: {  	_ =	swait.ge [sflag:s3], $0x4000  }
0x5b: {  	[sflag:s3] =	ssyncset.done $0x0  }
0x5c: {  	[sflag:s3] =	ssyncadd.s32 $0xFFFFC000  }
0x5d: {  	[tilespmem:s29], [sflag:$0x1] =	stream.indirect.gather [hbm4b:s7+s28], $0x80, s14, s28, $0xb8;
	[tilespmem:$0x1E000] =	vst v63  }
0x5e: {  	_ =	swait.ge [sflag:s4], $0x4000  }
0x5f: {  	[sflag:s4] =	ssyncset.done $0x0  }
0x60: {  	[sflag:s4] =	ssyncadd.s32 $0xFFFFC000  }
0x61: {  	[spmem:s2] =	stream.indirect.scatter.add.f32 [tilespmem:s31], [sflag:$0x4], $0x80, s15, s28, $0xb8;
	[tilespmem:$0x1E000] =	vst v63  }
0x62: {  	_ =	swait.ge [sflag:s10], $0x4000  }
0x63: {  	[sflag:s10] =	ssyncset.done $0x0  }
0x64: {  	s13 =	simm.s32 $0x14280;
	[sflag:s10] =	ssyncadd.s32 $0xFFFFC000  }
0x65: {  	[tilespmem:s31], [sflag:$0x2] =	stream.indirect.gather [hbm4b:s7+s28], $0x80, s13, s28, $0xb8;
	[tilespmem:$0x1E000] =	vst v63  }
0x66: {  	_ =	swait.ge [sflag:s0], $0x4000  }
0x67: {  	[sflag:s0] =	ssyncset.done $0x0  }
0x68: {  	s11 =	simm.s32 $0x15200;
	[sflag:s0] =	ssyncadd.s32 $0xFFFFC000  }
0x69: {  	[spmem:s2] =	stream.indirect.scatter.add.f32 [tilespmem:s29], [sflag:$0x3], $0x80, s11, s28, $0xb8;
	[tilespmem:$0x1E000] =	vst v63  }
0x6a: {  	_ =	swait.ge [sflag:s3], $0x4000  }
0x6b: {  	[sflag:s3] =	ssyncset.done $0x0  }
0x6c: {  	s13 =	simm.s32 $0x14300;
	[sflag:s3] =	ssyncadd.s32 $0xFFFFC000  }
0x6d: {  	[tilespmem:s29], [sflag:$0x1] =	stream.indirect.gather [hbm4b:s7+s28], $0x80, s13, s28, $0xb8;
	[tilespmem:$0x1E000] =	vst v63  }
0x6e: {  	_ =	swait.ge [sflag:s4], $0x4000  }
0x6f: {  	[sflag:s4] =	ssyncset.done $0x0  }
0x70: {  	s11 =	simm.s32 $0x15280;
	[sflag:s4] =	ssyncadd.s32 $0xFFFFC000  }
0x71: {  	[spmem:s2] =	stream.indirect.scatter.add.f32 [tilespmem:s31], [sflag:$0x4], $0x80, s11, s28, $0xb8;
	[tilespmem:$0x1E000] =	vst v63  }
0x72: {  	_ =	swait.ge [sflag:s10], $0x4000  }
0x73: {  	[sflag:s10] =	ssyncset.done $0x0  }
0x74: {  	s13 =	simm.s32 $0x14380;
	[sflag:s10] =	ssyncadd.s32 $0xFFFFC000  }
0x75: {  	[tilespmem:s31], [sflag:$0x2] =	stream.indirect.gather [hbm4b:s7+s28], $0x80, s13, s28, $0xb8;
	[tilespmem:$0x1E000] =	vst v63  }
0x76: {  	_ =	swait.ge [sflag:s0], $0x4000  }
0x77: {  	[sflag:s0] =	ssyncset.done $0x0  }
0x78: {  	s11 =	simm.s32 $0x15300;
	[sflag:s0] =	ssyncadd.s32 $0xFFFFC000  }
0x79: {  	[spmem:s2] =	stream.indirect.scatter.add.f32 [tilespmem:s29], [sflag:$0x3], $0x80, s11, s28, $0xb8;
	[tilespmem:$0x1E000] =	vst v63  }
0x7a: {  	_ =	swait.ge [sflag:s3], $0x4000  }
0x7b: {  	[sflag:s3] =	ssyncset.done $0x0  }
0x7c: {  	s13 =	simm.s32 $0x14400;
	[sflag:s3] =	ssyncadd.s32 $0xFFFFC000  }
0x7d: {  	[tilespmem:s29], [sflag:$0x1] =	stream.indirect.gather [hbm4b:s7+s28], $0x80, s13, s28, $0xb8;
	[tilespmem:$0x1E000] =	vst v63  }
0x7e: {  	_ =	swait.ge [sflag:s4], $0x4000  }
0x7f: {  	[sflag:s4] =	ssyncset.done $0x0  }
0x80: {  	s8 =	simm.s32 $0x800;
	s11 =	simm.s32 $0x15380;
	[sflag:s4] =	ssyncadd.s32 $0xFFFFC000  }
.LBB2_4:
0x81: {  	[spmem:s2] =	stream.indirect.scatter.add.f32 [tilespmem:s31], [sflag:$0x4], $0x80, s11, s28, $0xb8;
	[tilespmem:$0x1E000] =	vst v63  }
0x82: {  	s11 =	smov.u32 s8  }
0x83: {  	p1 =	sne.s32 s8, $0x2800;
	s8 =	sadd.s32 $0x800, s8;
	_ =	swait.ge [sflag:s10], $0x4000  }
0x84: {  	s11 =	sshra.s32 s11, $0x2;
	[sflag:s10] =	ssyncset.done $0x0  }
0x85: {  	s13 =	sadd.s32 $0x14280, s11;
	[sflag:s10] =	ssyncadd.s32 $0xFFFFC000  }
0x86: {  	[tilespmem:s31], [sflag:$0x2] =	stream.indirect.gather [hbm4b:s7+s28], $0x80, s13, s28, $0xb8;
	[tilespmem:$0x1E000] =	vst v63  }
0x87: {  	_ =	swait.ge [sflag:s0], $0x4000  }
0x88: {  	[sflag:s0] =	ssyncset.done $0x0  }
0x89: {  	s13 =	sadd.s32 $0x15200, s11;
	[sflag:s0] =	ssyncadd.s32 $0xFFFFC000  }
0x8a: {  	[spmem:s2] =	stream.indirect.scatter.add.f32 [tilespmem:s29], [sflag:$0x3], $0x80, s13, s28, $0xb8;
	[tilespmem:$0x1E000] =	vst v63  }
0x8b: {  	_ =	swait.ge [sflag:s3], $0x4000  }
0x8c: {  	[sflag:s3] =	ssyncset.done $0x0  }
0x8d: {  	s13 =	sadd.s32 $0x14300, s11;
	[sflag:s3] =	ssyncadd.s32 $0xFFFFC000  }
0x8e: {  	[tilespmem:s29], [sflag:$0x1] =	stream.indirect.gather [hbm4b:s7+s28], $0x80, s13, s28, $0xb8;
	[tilespmem:$0x1E000] =	vst v63  }
0x8f: {  	_ =	swait.ge [sflag:s4], $0x4000  }
0x90: {  	[sflag:s4] =	ssyncset.done $0x0  }
0x91: {  	s13 =	sadd.s32 $0x15280, s11;
	[sflag:s4] =	ssyncadd.s32 $0xFFFFC000  }
0x92: {  	[spmem:s2] =	stream.indirect.scatter.add.f32 [tilespmem:s31], [sflag:$0x4], $0x80, s13, s28, $0xb8;
	[tilespmem:$0x1E000] =	vst v63  }
0x93: {  	_ =	swait.ge [sflag:s10], $0x4000  }
0x94: {  	[sflag:s10] =	ssyncset.done $0x0  }
0x95: {  	s13 =	sadd.s32 $0x14380, s11;
	[sflag:s10] =	ssyncadd.s32 $0xFFFFC000  }
0x96: {  	[tilespmem:s31], [sflag:$0x2] =	stream.indirect.gather [hbm4b:s7+s28], $0x80, s13, s28, $0xb8;
	[tilespmem:$0x1E000] =	vst v63  }
0x97: {  	_ =	swait.ge [sflag:s0], $0x4000  }
0x98: {  	[sflag:s0] =	ssyncset.done $0x0  }
0x99: {  	s13 =	sadd.s32 $0x15300, s11;
	[sflag:s0] =	ssyncadd.s32 $0xFFFFC000  }
0x9a: {  	[spmem:s2] =	stream.indirect.scatter.add.f32 [tilespmem:s29], [sflag:$0x3], $0x80, s13, s28, $0xb8;
	[tilespmem:$0x1E000] =	vst v63  }
0x9b: {  	_ =	swait.ge [sflag:s3], $0x4000  }
0x9c: {  	[sflag:s3] =	ssyncset.done $0x0  }
.Ltmp0:
0x9d: {  	s13 =	sadd.s32 $0x14400, s11;
	[sflag:s3] =	ssyncadd.s32 $0xFFFFC000;
	(pc) =	sbr.rel @p1 .LBB2_4-.Ltmp0, $4  }
0x9e: {  	[tilespmem:s29], [sflag:$0x1] =	stream.indirect.gather [hbm4b:s7+s28], $0x80, s13, s28, $0xb8;
	[tilespmem:$0x1E000] =	vst v63  }
0x9f: {  	_ =	swait.ge [sflag:s4], $0x4000  }
0xa0: {  	[sflag:s4] =	ssyncset.done $0x0  }
0xa1: {  	s11 =	sadd.s32 $0x15380, s11;
	[sflag:s4] =	ssyncadd.s32 $0xFFFFC000  }
0xa2: {  	[spmem:s2] =	stream.indirect.scatter.add.f32 [tilespmem:s31], [sflag:$0x4], $0x80, s11, s28, $0xb8;
	[tilespmem:$0x1E000] =	vst v63  }
0xa3: {  	_ =	swait.ge [sflag:s10], $0x4000  }
0xa4: {  	[sflag:s10] =	ssyncset.done $0x0  }
0xa5: {  	[sflag:s10] =	ssyncadd.s32 $0xFFFFC000  }
0xa6: {  	[tilespmem:s31], [sflag:$0x2] =	stream.indirect.gather [hbm4b:s7+s28], $0x80, s16, s28, $0xb8;
	[tilespmem:$0x1E000] =	vst v63  }
0xa7: {  	_ =	swait.ge [sflag:s0], $0x4000  }
0xa8: {  	[sflag:s0] =	ssyncset.done $0x0  }
0xa9: {  	[sflag:s0] =	ssyncadd.s32 $0xFFFFC000  }
0xaa: {  	[spmem:s2] =	stream.indirect.scatter.add.f32 [tilespmem:s29], [sflag:$0x3], $0x80, s17, s28, $0xb8;
	[tilespmem:$0x1E000] =	vst v63  }
0xab: {  	_ =	swait.ge [sflag:s3], $0x4000  }
0xac: {  	[sflag:s3] =	ssyncset.done $0x0  }
0xad: {  	[sflag:s3] =	ssyncadd.s32 $0xFFFFC000  }
0xae: {  	[tilespmem:s29], [sflag:$0x1] =	stream.indirect.gather [hbm4b:s7+s28], $0x80, s18, s28, $0xb8;
	[tilespmem:$0x1E000] =	vst v63  }
0xaf: {  	_ =	swait.ge [sflag:s4], $0x4000  }
0xb0: {  	[sflag:s4] =	ssyncset.done $0x0  }
0xb1: {  	[sflag:s4] =	ssyncadd.s32 $0xFFFFC000  }
0xb2: {  	[spmem:s2] =	stream.indirect.scatter.add.f32 [tilespmem:s31], [sflag:$0x4], $0x80, s19, s28, $0xb8;
	[tilespmem:$0x1E000] =	vst v63  }
0xb3: {  	_ =	swait.ge [sflag:s10], $0x4000  }
0xb4: {  	[sflag:s10] =	ssyncset.done $0x0  }
0xb5: {  	[sflag:s10] =	ssyncadd.s32 $0xFFFFC000  }
0xb6: {  	[tilespmem:s31], [sflag:$0x2] =	stream.indirect.gather [hbm4b:s7+s28], $0x80, s21, s28, $0xb8;
	[tilespmem:$0x1E000] =	vst v63  }
0xb7: {  	_ =	swait.ge [sflag:s0], $0x4000  }
0xb8: {  	[sflag:s0] =	ssyncset.done $0x0  }
0xb9: {  	[sflag:s0] =	ssyncadd.s32 $0xFFFFC000  }
0xba: {  	[spmem:s2] =	stream.indirect.scatter.add.f32 [tilespmem:s29], [sflag:$0x3], $0x80, s23, s28, $0xb8;
	[tilespmem:$0x1E000] =	vst v63  }
0xbb: {  	_ =	swait.ge [sflag:s3], $0x4000  }
0xbc: {  	[sflag:s3] =	ssyncset.done $0x0  }
0xbd: {  	[sflag:s3] =	ssyncadd.s32 $0xFFFFC000  }
0xbe: {  	s22 =	sadd.s32 $0x1, s22;
	_ =	swait.ge [sflag:s4], $0x4000  }
0xbf: {  	p1 =	sne.s32 s22, $0x5;
	[sflag:s4] =	ssyncset.done $0x0  }
.Ltmp1:
0xc0: {  	[sflag:s4] =	ssyncadd.s32 $0xFFFFC000;
	(pc) =	sbr.rel @p1 .LBB2_3-.Ltmp1, $4  }
0xc1: {  	[spmem:s2] =	stream.indirect.scatter.add.f32 [tilespmem:s31], [sflag:$0x4], $0x80, s1, s28, $0xb8;
	[tilespmem:$0x1E000] =	vst v63  }
0xc2: {  	_ =	swait.ge [sflag:s10], $0x4000  }
0xc3: {  	[sflag:s10] =	ssyncset.done $0x0  }
0xc4: {  	[sflag:s10] =	ssyncadd.s32 $0xFFFFC000  }
0xc5: {  	s8 =	rddreg [dreg:$0x18]  }
0xc6: {  	s8 =	smul.u32 $0x280000, s8  }
0xc7: {  	s9 =	rddreg [dreg:$0x11]  }
0xc8: {  	s13 =	rddreg [dreg:$0x5];
	[bflag:$0x0] =	sbarrier.arrive $0xFFFF;
	s8 =	sadd.s32 s9, s8  }
0xc9: {  	s11 =	rddreg [dreg:$0x6];
	s9 =	sadd.s32 s13, s8  }
0xca: {  	s12 =	rddreg [dreg:$0x13];
	s9 =	sshrl.u32 s9, $0x3  }
0xcb: {  	s13 =	rddreg [dreg:$0x9];
	s9 =	sadd.s32 s11, s9  }
0xcc: {  	[hbm:s9], [sflag:s13] =	dma.local [spmem:s12], $0x800  }
0xcd: {  	_ =	swait.ge [sflag:s24], $0x800  }
0xce: {  	s22 =	rddreg [dreg:$0x7]  }
0xcf: {  	s9 =	sadd.s32 s22, s8  }
0xd0: {  	[sflag:s24] =	ssyncset.done $0x0;
	s9 =	sshrl.u32 s9, $0x3  }
0xd1: {  	[sflag:s24] =	ssyncadd.s32 $0xFFFFF800;
	s22 =	rddreg [dreg:$0x17];
	s9 =	sadd.s32 s11, s9  }
0xd2: {  	[hbm:s9], [sflag:s13] =	dma.local [spmem:s22], $0x800  }
0xd3: {  	_ =	swait.ge [sflag:s24], $0x800  }
0xd4: {  	s22 =	rddreg [dreg:$0x8]  }
0xd5: {  	s9 =	sadd.s32 s22, s8  }
0xd6: {  	[sflag:s24] =	ssyncset.done $0x0;
	s9 =	sshrl.u32 s9, $0x3  }
0xd7: {  	[sflag:s24] =	ssyncadd.s32 $0xFFFFF800;
	s22 =	rddreg [dreg:$0x16];
	s9 =	sadd.s32 s11, s9  }
0xd8: {  	[hbm:s9], [sflag:s13] =	dma.local [spmem:s22], $0x800  }
0xd9: {  	_ =	swait.ge [sflag:s24], $0x800  }
0xda: {  	s22 =	rddreg [dreg:$0xc]  }
0xdb: {  	s9 =	sadd.s32 s22, s8  }
0xdc: {  	[sflag:s24] =	ssyncset.done $0x0;
	s9 =	sshrl.u32 s9, $0x3  }
0xdd: {  	[sflag:s24] =	ssyncadd.s32 $0xFFFFF800;
	s22 =	rddreg [dreg:$0x15];
	s9 =	sadd.s32 s11, s9  }
0xde: {  	[hbm:s9], [sflag:s13] =	dma.local [spmem:s22], $0x800  }
0xdf: {  	_ =	swait.ge [sflag:s24], $0x800  }
0xe0: {  	s22 =	rddreg [dreg:$0xd]  }
0xe1: {  	s8 =	sadd.s32 s22, s8  }
0xe2: {  	[sflag:s24] =	ssyncset.done $0x0;
	s8 =	sshrl.u32 s8, $0x3  }
0xe3: {  	[sflag:s24] =	ssyncadd.s32 $0xFFFFF800;
	s22 =	rddreg [dreg:$0x14];
	s8 =	sadd.s32 s11, s8  }
0xe4: {  	[hbm:s8], [sflag:s13] =	dma.local [spmem:s22], $0x800  }
.Ltmp2:
0xe5: {  	_ =	swait.ge [sflag:s24], $0x800;
	(pc) =	sbr.rel @p0 .LBB2_2-.Ltmp2, $4  }
0xe6: {  	[sflag:s24] =	ssyncset.done $0x0  }
0xe7: {  	[sflag:s24] =	ssyncadd.s32 $0xFFFFF800  }
0xe8: {  	[bflag:$0x0] =	sbarrier.arrive $0xFFFF  }
0xe9: {  	p1 =	por $0x0, $0x0;
	s11 =	simm.s32 $0x1  }
0xea: {  	s11 =	rddreg [dreg:$0x4]  }
0xeb: {  	s8 =	rddreg [dreg:$0x12];
	s11 =	sadd.s32 $0x1, s11  }
0xec: {  	p0 =	sne.s32 s11, s8  }
.Ltmp3:
0xed: {  	_ = 	snop;
	(pc) =	sbr.rel @p0 .LBB2_1-.Ltmp3, $1  }
0xee: {  	_ =	sdelay $0x3  }
0xef: {  	_ =	sfence.sel $0x180000  }
0xf0: {  	[bflag:$0x0] =	sbarrier.arrive $0xFFFF  }
0xf1: {  	_ =	strace $0x9000004D  }
0xf2: {  	s0 =	stileid.u32;
	[bflag:$0x2] =	sbarrier.arrive $0xFFFF  }
0xf3: {  	p0 =	sne.s32 s0, $0x0;
	s0 =	rddreg [dreg:$0x3]  }
0xf4: {  	s0 =	sadd.s32 @!p0 $0x100000, s0  }
0xf5: {  	[sflag:s0] =	ssyncadd.tile.s32 @!p0 $0x1;
	_ =	shalt  }
.Lfunc_end2:
_tile_overlayer_lowered:
.L_overlay_start_2:
0xf6: {  	(tag) =	ssettag $0x2  }
0xf7: {  	s0 =	rddreg [dreg:$0x0];
	s2 =	stileid.u32  }
0xf8: {  	s1 =	rddreg [dreg:$0x1];
	p0 =	sne.s32 s2, $0x0  }
0xf9: {  	s3 =	rddreg [dreg:$0x2];
	[bflag:$0x3] =	sbarrier.arrive $0xFFFF;
	s2 =	simm.s32 @!p0 $0x1C05  }
0xfa: {  	[timem:s3], [sflag:s2] =	dma.local @!p0 [hbm:s0], s1  }
0xfb: {  	s0 =	simm.s32 @!p0 $0x5  }
0xfc: {  	_ =	swait.ge @!p0 [sflag:s0], s1  }
0xfd: {  	s1 =	ssub.s32 @!p0 $0x0, s1;
	[sflag:s0] =	ssyncset.done @!p0 $0x0  }
0xfe: {  	[sflag:s0] =	ssyncadd.s32 @!p0 s1  }
0xff: {  	[bflag:$0x3] =	sbarrier.arrive $0xFFFF  }
0x100: {  	_ =	shalt  }

// kernel: kernel.9.cloned.1.call-start
scs
__scs_entry_jumppad:
0x0: {  	(pc) =	sbr.rel $0x88, $3  }
0x1: {  	(tag) =	ssettag $0x0;
	lr =	simm.s32 $0x1  }
0x2: {  	[smem:$0x3F87] =	sst lr;
	_ =	strace $0xD0000000  }
0x3: {  	_ = 	snop  }
0x4: {  	_ = 	snop  }
0x5: {  	_ = 	snop  }
0x6: {  	_ = 	snop  }
0x7: {  	_ = 	snop  }
__scs_overlays_trampoline_lowered:
0x8: {  	[smem:$0x3F96] =	sst s0  }
0x9: {  	[smem:$0x3F97] =	sst s1  }
0xa: {  	[smem:$0x3F98] =	sst s2  }
0xb: {  	[smem:$0x3F99] =	sst s3  }
0xc: {  	[smem:$0x3F9A] =	sst s4  }
0xd: {  	[smem:$0x3F9B] =	sst s5  }
0xe: {  	[smem:$0x3F9C] =	sst s6  }
0xf: {  	[smem:$0x3F9D] =	sst s7  }
0x10: {  	[smem:$0x3F9E] =	sst s8  }
0x11: {  	[smem:$0x3F9F] =	sst s9;
	s0 =	simm.s32 @!p0 $0x0  }
0x12: {  	s1 =	sld [smem:$0x3F85];
	s0 =	simm.s32 @p0 $0x1  }
0x13: {  	[smem:$0x3FA0] =	sst s0;
	s0 =	simm.s32 @!p1 $0x0  }
0x14: {  	s2 =	sld [smem:$0x3F84];
	s0 =	simm.s32 @p1 $0x1  }
0x15: {  	[smem:$0x3FA1] =	sst s0;
	s0 =	simm.s32 @!p2 $0x0  }
0x16: {  	s3 =	sld [smem:$0x3FDB];
	s0 =	simm.s32 @p2 $0x1  }
0x17: {  	s4 =	simm.s32 $0x1BF5;
	[smem:$0x3FA3] =	sst s0  }
0x18: {  	s0 =	sld [smem:$0x3F86];
	_ =	swait.ge [sflag:s4], $0x0  }
0x19: {  	s7 =	sld [smem:$0x3F87]  }
0x1a: {  	s8 =	sadd.s32 $0xFFFFE003, lr  }
0x1b: {  	s9 =	sadd.s32 $0xFFFFFEF7, lr;
	s5 =	simm.s32 $0xFFFFFFFF;
	p2 =	slt.u32 s8, $0xFFFFF086  }
0x1c: {  	p1 =	slt.u32 s9, $0xF7A;
	s5 =	simm.s32 @!p2 $0x0  }
0x1d: {  	s5 =	simm.s32 @p1 $0x1;
	p0 =	seq.s32 s7, s2  }
0x1e: {  	s7 =	smul.u32 @!p0 $0xF7A, s2;
	p2 =	seq.s32 @!p0 s5, $0x0  }
0x1f: {  	s9 =	smul.u32 $0xF7A, s1;
	s8 =	simm.s32 @!p0 $0x1BF5;
	p2 =	por !p2, p0  }
0x20: {  	[sflag:s8] =	ssyncset.s32 @!p0 $0xFFFFF086;
	s6 =	sadd.s32 @!p0 s3, s7;
	s7 =	simm.s32 @!p0 $0x108  }
0x21: {  	s3 =	sadd.s32 s3, s9;
	s6 =	sadd.s32 @!p0 $0x88, s6;
	s7 =	simm.s32 @p2 $0x1082  }
0x22: {  	[simem:s7], [sflag:s8] =	dma.local @!p0 [hbm:s6], $0xF7A  }
0x23: {  	s9 =	sor.u32 $0xD0000000, s2;
	s6 =	simm.s32 $0x108;
	_ =	swait.ge @!p0 [sflag:s8], $0x0  }
0x24: {  	s3 =	sadd.s32 $0x88, s3;
	s6 =	simm.s32 @!p1 $0x1082;
	[sflag:s4] =	ssyncset.s32 $0xFFFFF086  }
0x25: {  	[simem:s6], [sflag:s4] =	dma.local [hbm:s3], $0xF7A  }
0x26: {  	[smem:$0x3F87] =	sst s1;
	(tag) =	ssettag s2;
	_ =	strace s9  }
0x27: {  	s1 =	sld [smem:$0x3F97]  }
0x28: {  	s2 =	sld [smem:$0x3F98]  }
0x29: {  	s4 =	sld [smem:$0x3F9A]  }
0x2a: {  	p0 =	seq.s32 s5, $0x0;
	s5 =	sld [smem:$0x3F9B]  }
0x2b: {  	s6 =	sld [smem:$0x3F9C]  }
0x2c: {  	s7 =	sld [smem:$0x3F9D]  }
0x2d: {  	s3 =	simm.s32 $0x108;
	s8 =	sld [smem:$0x3F9E]  }
0x2e: {  	s3 =	simm.s32 @!p0 $0x1082;
	s9 =	sld [smem:$0x3F9F]  }
0x2f: {  	lr =	sadd.s32 s0, s3;
	s0 =	sld [smem:$0x3F96]  }
0x30: {  	s3 =	sld [smem:$0x3F99]  }
0x31: {  	[smem:$0x3FA2] =	sst s10  }
0x32: {  	s10 =	sld [smem:$0x3FA0];
	_ =	sdelay $0x3  }
0x33: {  	p0 =	seq.s32 s10, $0x1;
	s10 =	sld [smem:$0x3FA2];
	_ =	sdelay $0x3  }
0x34: {  	[smem:$0x3FA2] =	sst s10  }
0x35: {  	s10 =	sld [smem:$0x3FA1];
	_ =	sdelay $0x3  }
0x36: {  	p1 =	seq.s32 s10, $0x1;
	s10 =	sld [smem:$0x3FA2];
	_ =	sdelay $0x3  }
0x37: {  	[smem:$0x3FA2] =	sst s10  }
0x38: {  	s10 =	sld [smem:$0x3FA3]  }
0x39: {  	_ = 	snop;
	(pc) =	sbr.ind lr, $3  }
0x3a: {  	_ = 	snop  }
0x3b: {  	_ = 	snop  }
0x3c: {  	p2 =	seq.s32 s10, $0x1;
	s10 =	sld [smem:$0x3FA2]  }
0x3d: {  	_ =	shalt  }
0x3e: {  	_ =	shalt  }
0x3f: {  	_ =	shalt  }
0x40: {  	_ =	shalt  }
0x41: {  	_ =	shalt  }
0x42: {  	_ =	shalt  }
0x43: {  	_ =	shalt  }
0x44: {  	_ =	shalt  }
0x45: {  	_ =	shalt  }
0x46: {  	_ =	shalt  }
0x47: {  	_ =	shalt  }
0x48: {  	_ =	shalt  }
0x49: {  	_ =	shalt  }
0x4a: {  	_ =	shalt  }
0x4b: {  	_ =	shalt  }
0x4c: {  	_ =	shalt  }
0x4d: {  	_ =	shalt  }
0x4e: {  	_ =	shalt  }
0x4f: {  	_ =	shalt  }
0x50: {  	_ =	shalt  }
0x51: {  	_ =	shalt  }
0x52: {  	_ =	shalt  }
0x53: {  	_ =	shalt  }
0x54: {  	_ =	shalt  }
0x55: {  	_ =	shalt  }
0x56: {  	_ =	shalt  }
0x57: {  	_ =	shalt  }
0x58: {  	_ =	shalt  }
0x59: {  	_ =	shalt  }
0x5a: {  	_ =	shalt  }
0x5b: {  	_ =	shalt  }
0x5c: {  	_ =	shalt  }
0x5d: {  	_ =	shalt  }
0x5e: {  	_ =	shalt  }
0x5f: {  	_ =	shalt  }
0x60: {  	_ =	shalt  }
0x61: {  	_ =	shalt  }
0x62: {  	_ =	shalt  }
0x63: {  	_ =	shalt  }
0x64: {  	_ =	shalt  }
0x65: {  	_ =	shalt  }
0x66: {  	_ =	shalt  }
0x67: {  	_ =	shalt  }
0x68: {  	_ =	shalt  }
0x69: {  	_ =	shalt  }
0x6a: {  	_ =	shalt  }
0x6b: {  	_ =	shalt  }
0x6c: {  	_ =	shalt  }
0x6d: {  	_ =	shalt  }
0x6e: {  	_ =	shalt  }
0x6f: {  	_ =	shalt  }
0x70: {  	_ =	shalt  }
0x71: {  	_ =	shalt  }
0x72: {  	_ =	shalt  }
0x73: {  	_ =	shalt  }
0x74: {  	_ =	shalt  }
0x75: {  	_ =	shalt  }
0x76: {  	_ =	shalt  }
0x77: {  	_ =	shalt  }
0x78: {  	_ =	shalt  }
0x79: {  	_ =	shalt  }
0x7a: {  	_ =	shalt  }
0x7b: {  	_ =	shalt  }
0x7c: {  	_ =	shalt  }
0x7d: {  	_ =	shalt  }
0x7e: {  	_ =	shalt  }
0x7f: {  	_ =	shalt  }
0x80: {  	_ =	shalt  }
0x81: {  	_ =	shalt  }
0x82: {  	_ =	shalt  }
0x83: {  	_ =	shalt  }
0x84: {  	_ =	shalt  }
0x85: {  	_ =	shalt  }
0x86: {  	_ =	shalt  }
0x87: {  	_ =	shalt  }
.Lfunc_end0:
.L_simem_size_0:
called_computation_lowered:
.L_overlay_start_0:
0x88: {  	s2 =	sld [smem:$0x3FD9]  }
0x89: {  	s3 =	sld [smem:$0x3FFE];
	_ =	sdelay $0x1  }
0x8a: {  	s1 =	srdreg.scid  }
0x8b: {  	s0 =	sand.u32 $0x1, s1  }
0x8c: {  	s17 =	sshll.u32 s0, $0xA;
	s2 =	sadd.s32 s3, s2  }
0x8d: {  	s2 =	sadd.s32 s2, s17  }
0x8e: {  	[smem:$0x3FAE] =	sst s2  }
0x8f: {  	_ = 	snop  }
0x90: {  	s2 =	sld [smem:$0x3FBA]  }
0x91: {  	s18 =	sld [smem:$0x3FD0];
	(tm) =	ssettm $0x1  }
0x92: {  	s4 =	sld [smem:$0x3FFB];
	_ =	sdelay $0x3  }
0x93: {  	_ =	strace s4  }
0x94: {  	s4 =	sld [smem:$0x3FFC];
	_ =	sdelay $0x3  }
0x95: {  	_ =	strace s4  }
0x96: {  	s4 =	sld [smem:$0x3FFD];
	_ =	sdelay $0x3  }
0x97: {  	_ =	strace s4  }
0x98: {  	_ =	strace $0x8FFFFFFF  }
0x99: {  	s19 =	sld [smem:$0x3FDB];
	_ =	sdelay $0x1  }
0x9a: {  	s5 =	simm.s32 $_scs_section_size  }
0x9b: {  	s6 =	simm.s32 $_size__tile_overlayer_lowered;
	s7 =	simm.s32 $_tile_overlayer_lowered  }
0x9c: {  	s22 =	simm.s32 $0x1BFF;
	s21 =	sshll.u32 s7, $0x1;
	s4 =	sadd.s32 s5, s19  }
0x9d: {  	s8 =	simm.s32 $0x0;
	s20 =	sshll.u32 s6, $0x1;
	s6 =	sadd.s32 s21, s4  }
0x9e: {  	[timem:s8], [sflag:s22] =	dma.local [hbm:s6], s20  }
0x9f: {  	_ =	swait.ge [sflag:s22], s20  }
0xa0: {  	s5 =	ssub.s32 $0x0, s20;
	[sflag:s22] =	ssyncset.done $0x0  }
0xa1: {  	[sflag:s22] =	ssyncadd.s32 s5;
	_ =	sdelay $0x1  }
0xa2: {  	s23 =	simm.s32 $0x1B8B  }
0xa3: {  	_ =	swait.ge [sflag:s23], $0x1  }
0xa4: {  	[sflag:s23] =	ssyncset.done $0x0  }
0xa5: {  	s25 =	simm.s32 $0x1B8E;
	s24 =	sld [smem:$0x3FFE];
	[sflag:s23] =	ssyncadd.s32 $0xFFFFFFFF  }
0xa6: {  	s26 =	simm.s32 $execute0_lowered;
	[smem:$0x3FD2] =	sst s25  }
0xa7: {  	s6 =	sshll.u32 s26, $0x1;
	_ =	strace $0x80000046;
	[dreg:$0x1] =	wrdreg $0xFFFFFFFF  }
0xa8: {  	s28 =	simm.s32 $_size_execute0_lowered;
	s4 =	sadd.s32 s4, s6;
	[dreg:$0x0] =	wrdreg $0x0  }
0xa9: {  	s6 =	sshll.u32 s28, $0x1;
	[dreg:$0x2] =	wrdreg s4  }
0xaa: {  	[dreg:$0x3] =	wrdreg s6  }
0xab: {  	[dreg:$0x4] =	wrdreg $0xC0  }
0xac: {  	_ =	task [dreg:s8], $0x5FFFF  }
0xad: {  	[dreg:$0x1] =	wrdreg $0xFFFFFFFF  }
0xae: {  	[dreg:$0x0] =	wrdreg $0x60  }
0xaf: {  	[dreg:$0x2] =	wrdreg s24  }
0xb0: {  	[dreg:$0x3] =	wrdreg s18  }
0xb1: {  	[dreg:$0x4] =	wrdreg s2  }
0xb2: {  	[dreg:$0x5] =	wrdreg $0x0  }
0xb3: {  	[dreg:$0x6] =	wrdreg $0x2800  }
0xb4: {  	[dreg:$0x7] =	wrdreg $0x9  }
0xb5: {  	_ =	task.clear_ibuf [dreg:s8], $0x8FFFF;
	_ =	strace $0x90000046  }
0xb6: {  	s29 =	simm.s32 $0x9;
	_ =	strace $0x80000048  }
0xb7: {  	_ =	swait.ge [sflag:s29], $0x1  }
0xb8: {  	[sflag:s29] =	ssyncadd.s32 $0xFFFFFFFF  }
0xb9: {  	_ =	strace $0x90000048  }
0xba: {  	_ =	sfence  }
0xbb: {  	s30 =	sld [smem:$0x0];
	_ =	sdelay $0x2  }
0xbc: {  	s31 =	sshll.u32 s1, $0xD;
	s1 =	sshrl.u32 s1, $0x2  }
0xbd: {  	s3 =	sand.u32 $0x4000, s31;
	s1 =	sadd.s32 s1, s30  }
0xbe: {  	s0 =	sor.u32 s3, s0;
	s1 =	sshll.u32 s1, $0x11  }
0xbf: {  	s0 =	sor.u32 s1, s0  }
0xc0: {  	s0 =	sadd.s32 $0x8F2B, s0  }
0xc1: {  	[sflag:s0] =	ssyncadd.remote.s32 $0x1  }
0xc2: {  	_ =	sfence.sel $0xFFFF  }
0xc3: {  	[dreg:$0x0] =	wrdreg $0xFFFFFFFF;
	(pc) =	sbr.abs _section_cstart, $3  }
0xc4: {  	[dreg:$0x1] =	wrdreg $0xFFFFFFFF  }
0xc5: {  	_ =	task.clear_ibuf [dreg:s8], $0x2FFFF;
	_ =	strace $0x9FFFFFFF  }
0xc6: {  	(tm) =	ssettm $0x7FFFFFFF  }
0xc7: {  	_ =	shalt  }
tec
execute0_lowered:
.L_overlay_start_1:
0x0: {  	(tag) =	ssettag $0x1  }
0x1: {  	s0 =	rddreg [dreg:$0x0]  }
0x2: {  	s1 =	rddreg [dreg:$0x1]  }
0x3: {  	s2 =	rddreg [dreg:$0x3]  }
0x4: {  	s3 =	rddreg [dreg:$0x4]  }
0x5: {  	s4 =	simm.s32 $0x0;
	s5 =	srdreg.scid;
	s25 =	stileid.u32  }
0x6: {  	s28 =	simm.s32 $0x3A8;
	s29 =	simm.s32 $0x2;
	s30 =	simm.s32 $0x1  }
0x7: {  	[smem:$0x7FF] =	sst s4;
	s5 =	sand.u32 $0x1, s5;
	s7 =	smul.u32 $0x500, s25  }
0x8: {  	s20 =	sshll.u32 s25, $0x7;
	s18 =	sshll.u32 s25, $0xB;
	s31 =	smul.u32 $0xA00, s25  }
0x9: {  	p0 =	seq.s32 s25, $0x1;
	p3 =	sgt.u32 s25, $0x3;
	s6 =	sshll.u32 s5, $0x9  }
0xa: {  	_ =	strace $0x80000047;
	s9 =	sshll.u32 s5, $0x7;
	s17 =	sshll.u32 s5, $0x4  }
0xb: {  	s21 =	smul.u32 $0x50000, s5;
	s13 =	sand.u32 $0x400, s20;
	s19 =	ssub.s32 $0x2, s5  }
0xc: {  	s15 =	sand.u32 $0x380, s20;
	s26 =	smul.u32 $0x2800, s5;
	s5 =	sshll.u32 s5, $0xD  }
0xd: {  	p1 =	sne.s32 @!p0 s25, $0x0;
	s8 =	sadd.s32 s20, s6;
	s6 =	sadd.s32 $0x5000, s0  }
0xe: {  	s9 =	sor.u32 s9, s7;
	s7 =	sadd.s32 $0x19C00, s0;
	s12 =	sadd.s32 s17, s0  }
0xf: {  	s23 =	sshrl.u32 s19, $0x1;
	p2 =	por p1, p0;
	p1 =	sne.s32 s25, $0x0  }
0x10: {  	s8 =	sshrl.u32 s8, $0x3;
	s16 =	sshrl.u32 s9, $0x3;
	s14 =	sor.u32 s21, s13  }
0x11: {  	s9 =	sor.u32 s26, s13;
	s12 =	sadd.s32 $0x1AC00, s12;
	s10 =	sadd.s32 s8, s0  }
0x12: {  	s11 =	sadd.s32 s16, s0;
	s0 =	sadd.s32 s18, s0;
	s22 =	sor.u32 s15, s14  }
0x13: {  	s14 =	ssub.s32 s19, s23;
	s16 =	sor.u32 s15, s21;
	s15 =	sor.u32 s15, s9  }
0x14: {  	s18 =	sshrl.u32 s31, $0x2;
	s24 =	sshrl.u32 s22, $0x3;
	s0 =	sadd.s32 s5, s0  }
0x15: {  	s17 =	sadd.s32 $0x19A00, s10;
	s11 =	sadd.s32 $0x1A200, s11;
	s19 =	sor.u32 s13, s16  }
0x16: {  	s23 =	sshrl.u32 s15, $0x3;
	s14 =	smax.u32 s14, $0x1;
	s26 =	sor.u32 $0x800, s22  }
0x17: {  	s22 =	simm.s32 $0x2A8;
	s8 =	sadd.s32 s6, s24;
	[dreg:$0x7] =	wrdreg s17  }
0x18: {  	s0 =	sadd.s32 $0x1AE00, s0;
	s5 =	sadd.s32 $0x4F800, s19;
	s13 =	sadd.s32 s1, s23  }
0x19: {  	s24 =	sor.u32 s20, s21;
	s31 =	sshrl.u32 s26, $0x3;
	s23 =	simm.s32 $0x3  }
0x1a: {  	s26 =	simm.s32 $0x80;
	s1 =	simm.s32 $0x0;
	[dreg:$0x6] =	wrdreg s8  }
0x1b: {  	[dreg:$0x8] =	wrdreg s0;
	s0 =	sadd.s32 s18, s2;
	s5 =	sshrl.u32 s5, $0x3  }
0x1c: {  	s16 =	sadd.s32 $0x100, s13;
	s17 =	sadd.s32 $0x200, s13;
	s18 =	sadd.s32 $0x300, s13  }
0x1d: {  	s19 =	sadd.s32 $0x400, s13;
	s20 =	sor.u32 $0x1000, s24;
	s21 =	sadd.s32 s31, s6  }
0x1e: {  	v0 =	vimm.f32 $1.000000000e+00;
	s24 =	simm.s32 $0x328;
	s15 =	sadd.s32 s6, s5;
	s25 =	sshrl.u32 s0, $0x3  }
.LBB2_1:
0x1f: {  	[tilespmem:$0x3A8] =	vst v0  }
0x20: {  	[tilespmem:$0x3B8] =	vst v0  }
0x21: {  	[tilespmem:$0x3C8] =	vst v0  }
0x22: {  	[tilespmem:$0x3D8] =	vst v0  }
0x23: {  	[tilespmem:$0x3E8] =	vst v0  }
0x24: {  	[tilespmem:$0x3F8] =	vst v0  }
0x25: {  	[tilespmem:$0x408] =	vst v0  }
0x26: {  	[tilespmem:$0x418] =	vst v0;
	s0 =	sshrl.u32 @p0 s3, $0x3;
	s5 =	simm.s32 @p0 $0x1C43  }
0x27: {  	[spmem:s0], [sflag:s5] =	dma.local @p0 [hbm:s7], $0x50  }
0x28: {  	s0 =	simm.s32 @p0 $0x3  }
0x29: {  	_ =	swait.ge @p0 [sflag:s0], $0x50  }
0x2a: {  	[sflag:s0] =	ssyncset.done @p0 $0x0  }
0x2b: {  	s5 =	simm.s32 @!p2 $0x1C03;
	[sflag:s0] =	ssyncadd.s32 @p0 $0xFFFFFFB0;
	s0 =	sshrl.u32 @!p2 s2, $0x3  }
0x2c: {  	[spmem:s0], [sflag:s5] =	dma.local @!p2 [hbm:s7], $0x500  }
0x2d: {  	s0 =	simm.s32 @!p2 $0x3  }
0x2e: {  	_ =	swait.ge @!p2 [sflag:s0], $0x500  }
0x2f: {  	[sflag:s0] =	ssyncset.done @!p2 $0x0  }
0x30: {  	[sflag:s0] =	ssyncadd.s32 @!p2 $0xFFFFFB00  }
0x31: {  	[bflag:$0x0] =	sbarrier.arrive $0xFFFF  }
0x32: {  	s8 =	rddreg [dreg:$0x6]  }
0x33: {  	[tilespmem:s22], [sflag:$0x3] =	stream.linear.gather [hbm4b:s8+s4], $0x80, $0x38;
	[tilespmem:$0x44A8] =	vst v63  }
0x34: {  	_ =	swait.ge [sflag:s23], $0x80  }
0x35: {  	[sflag:s23] =	ssyncset.done $0x0  }
0x36: {  	s9 =	sadd.s32 $0x0, s21;
	[sflag:s23] =	ssyncadd.s32 $0xFFFFFF80  }
0x37: {  	[tilespmem:s24], [sflag:$0x2] =	stream.linear.gather [hbm4b:s9+s4], $0x80, $0x38;
	[tilespmem:$0x44A8] =	vst v63  }
0x38: {  	_ = 	snop  }
0x39: {  	[spmem:s2] =	stream.indirect.scatter.add.f32 [tilespmem:s28], [sflag:$0x3], $0x1, s22, s26, $0xb8;
	[tilespmem:$0x44A8] =	vst v63  }
0x3a: {  	_ =	swait.ge [sflag:s23], $0x80  }
0x3b: {  	[sflag:s23] =	ssyncset.done $0x0  }
0x3c: {  	[sflag:s23] =	ssyncadd.s32 $0xFFFFFF80  }
0x3d: {  	_ =	swait.ge [sflag:s29], $0x80  }
0x3e: {  	s10 =	sshrl.u32 s20, $0x3;
	[sflag:s29] =	ssyncset.done $0x0  }
0x3f: {  	s0 =	sadd.s32 s6, s10;
	[sflag:s29] =	ssyncadd.s32 $0xFFFFFF80  }
0x40: {  	[tilespmem:s22], [sflag:$0x1] =	stream.linear.gather [hbm4b:s0+s4], $0x80, $0x38;
	[tilespmem:$0x44A8] =	vst v63  }
0x41: {  	_ = 	snop  }
0x42: {  	[spmem:s2] =	stream.indirect.scatter.add.f32 [tilespmem:s28], [sflag:$0x3], $0x1, s24, s26, $0xb8;
	[tilespmem:$0x44A8] =	vst v63  }
0x43: {  	_ =	swait.ge [sflag:s23], $0x80  }
0x44: {  	[sflag:s23] =	ssyncset.done $0x0  }
0x45: {  	[sflag:s23] =	ssyncadd.s32 $0xFFFFFF80  }
0x46: {  	s31 =	simm.s32 $0x200;
	_ =	swait.ge [sflag:s30], $0x80  }
0x47: {  	s5 =	sadd.s32 $0x1000, s20;
	s0 =	simm.s32 $0x400;
	[sflag:s30] =	ssyncset.done $0x0  }
.LBB2_2:
0x48: {  	s8 =	sadd.s32 s31, s21  }
0x49: {  	[sflag:s30] =	ssyncadd.s32 $0xFFFFFF80;
	s31 =	smov.u32 s0;
	s9 =	sadd.s32 $0x200, s0  }
0x4a: {  	[tilespmem:s24], [sflag:$0x2] =	stream.linear.gather [hbm4b:s8+s4], $0x80, $0x38;
	[tilespmem:$0x44A8] =	vst v63  }
0x4b: {  	p4 =	sne.s32 s0, $0x9C00  }
0x4c: {  	[spmem:s2] =	stream.indirect.scatter.add.f32 [tilespmem:s28], [sflag:$0x3], $0x1, s22, s26, $0xb8;
	[tilespmem:$0x44A8] =	vst v63  }
0x4d: {  	_ =	swait.ge [sflag:s23], $0x80  }
0x4e: {  	[sflag:s23] =	ssyncset.done $0x0  }
0x4f: {  	[sflag:s23] =	ssyncadd.s32 $0xFFFFFF80  }
0x50: {  	_ =	swait.ge [sflag:s29], $0x80  }
0x51: {  	s0 =	sshrl.u32 s5, $0x3;
	[sflag:s29] =	ssyncset.done $0x0  }
0x52: {  	s0 =	sadd.s32 s6, s0;
	[sflag:s29] =	ssyncadd.s32 $0xFFFFFF80  }
0x53: {  	[tilespmem:s22], [sflag:$0x1] =	stream.linear.gather [hbm4b:s0+s4], $0x80, $0x38;
	[tilespmem:$0x44A8] =	vst v63  }
0x54: {  	_ = 	snop  }
0x55: {  	[spmem:s2] =	stream.indirect.scatter.add.f32 [tilespmem:s28], [sflag:$0x3], $0x1, s24, s26, $0xb8;
	[tilespmem:$0x44A8] =	vst v63  }
.Ltmp0:
0x56: {  	_ =	swait.ge [sflag:s23], $0x80;
	(pc) =	sbr.rel @p4 .LBB2_2-.Ltmp0, $4  }
0x57: {  	[sflag:s23] =	ssyncset.done $0x0  }
0x58: {  	[sflag:s23] =	ssyncadd.s32 $0xFFFFFF80  }
0x59: {  	_ =	swait.ge [sflag:s30], $0x80  }
0x5a: {  	s5 =	sadd.s32 $0x1000, s5;
	s0 =	smov.u32 s9;
	[sflag:s30] =	ssyncset.done $0x0  }
0x5b: {  	s0 =	sadd.s32 s31, s21;
	[sflag:s30] =	ssyncadd.s32 $0xFFFFFF80  }
0x5c: {  	[tilespmem:s24], [sflag:$0x2] =	stream.linear.gather [hbm4b:s0+s4], $0x80, $0x38;
	[tilespmem:$0x44A8] =	vst v63  }
0x5d: {  	_ = 	snop  }
0x5e: {  	[spmem:s2] =	stream.indirect.scatter.add.f32 [tilespmem:s28], [sflag:$0x3], $0x1, s22, s26, $0xb8;
	[tilespmem:$0x44A8] =	vst v63  }
0x5f: {  	_ =	swait.ge [sflag:s23], $0x80  }
0x60: {  	[sflag:s23] =	ssyncset.done $0x0  }
0x61: {  	[sflag:s23] =	ssyncadd.s32 $0xFFFFFF80  }
0x62: {  	_ =	swait.ge [sflag:s29], $0x80  }
0x63: {  	s8 =	sshrl.u32 s5, $0x3;
	[sflag:s29] =	ssyncset.done $0x0  }
0x64: {  	s0 =	sadd.s32 s6, s8;
	[sflag:s29] =	ssyncadd.s32 $0xFFFFFF80  }
0x65: {  	[tilespmem:s22], [sflag:$0x1] =	stream.linear.gather [hbm4b:s0+s4], $0x80, $0x38;
	[tilespmem:$0x44A8] =	vst v63  }
0x66: {  	_ = 	snop  }
0x67: {  	[spmem:s2] =	stream.indirect.scatter.add.f32 [tilespmem:s28], [sflag:$0x3], $0x1, s24, s26, $0xb8;
	[tilespmem:$0x44A8] =	vst v63  }
0x68: {  	_ =	swait.ge [sflag:s23], $0x80  }
0x69: {  	[sflag:s23] =	ssyncset.done $0x0  }
0x6a: {  	[sflag:s23] =	ssyncadd.s32 $0xFFFFFF80  }
0x6b: {  	_ =	swait.ge [sflag:s30], $0x80  }
0x6c: {  	[sflag:s30] =	ssyncset.done $0x0  }
0x6d: {  	[sflag:s30] =	ssyncadd.s32 $0xFFFFFF80  }
0x6e: {  	[tilespmem:s24], [sflag:$0x2] =	stream.linear.gather [hbm4b:s15+s4], $0x80, $0x38;
	[tilespmem:$0x44A8] =	vst v63  }
0x6f: {  	_ = 	snop  }
0x70: {  	[spmem:s2] =	stream.indirect.scatter.add.f32 [tilespmem:s28], [sflag:$0x3], $0x1, s22, s26, $0xb8;
	[tilespmem:$0x44A8] =	vst v63  }
0x71: {  	_ =	swait.ge [sflag:s23], $0x80  }
0x72: {  	[sflag:s23] =	ssyncset.done $0x0  }
0x73: {  	[sflag:s23] =	ssyncadd.s32 $0xFFFFFF80  }
0x74: {  	_ =	swait.ge [sflag:s29], $0x80  }
0x75: {  	[sflag:s29] =	ssyncset.done $0x0  }
0x76: {  	[sflag:s29] =	ssyncadd.s32 $0xFFFFFF80  }
0x77: {  	[spmem:s2] =	stream.indirect.scatter.add.f32 [tilespmem:s28], [sflag:$0x3], $0x1, s24, s26, $0xb8;
	[tilespmem:$0x44A8] =	vst v63  }
0x78: {  	_ =	swait.ge [sflag:s23], $0x80  }
0x79: {  	[sflag:s23] =	ssyncset.done $0x0  }
0x7a: {  	[sflag:s23] =	ssyncadd.s32 $0xFFFFFF80  }
0x7b: {  	[tilespmem:s22], [sflag:$0x3] =	stream.linear.gather [hbm4b:s13+s4], $0x80, $0x38;
	[tilespmem:$0x44A8] =	vst v63  }
0x7c: {  	_ =	swait.ge [sflag:s23], $0x80  }
0x7d: {  	[sflag:s23] =	ssyncset.done $0x0  }
0x7e: {  	[sflag:s23] =	ssyncadd.s32 $0xFFFFFF80  }
0x7f: {  	[spmem:s3] =	stream.indirect.scatter.add.f32 [tilespmem:s28], [sflag:$0x3], $0x1, s22, s26, $0xb8;
	[tilespmem:$0x44A8] =	vst v63  }
0x80: {  	_ =	swait.ge [sflag:s23], $0x80  }
0x81: {  	[sflag:s23] =	ssyncset.done $0x0  }
0x82: {  	[sflag:s23] =	ssyncadd.s32 $0xFFFFFF80  }
0x83: {  	[tilespmem:s22], [sflag:$0x3] =	stream.linear.gather [hbm4b:s16+s4], $0x80, $0x38;
	[tilespmem:$0x44A8] =	vst v63  }
0x84: {  	_ =	swait.ge [sflag:s23], $0x80  }
0x85: {  	[sflag:s23] =	ssyncset.done $0x0  }
0x86: {  	[sflag:s23] =	ssyncadd.s32 $0xFFFFFF80  }
0x87: {  	[spmem:s3] =	stream.indirect.scatter.add.f32 [tilespmem:s28], [sflag:$0x3], $0x1, s22, s26, $0xb8;
	[tilespmem:$0x44A8] =	vst v63  }
0x88: {  	_ =	swait.ge [sflag:s23], $0x80  }
0x89: {  	[sflag:s23] =	ssyncset.done $0x0  }
0x8a: {  	[sflag:s23] =	ssyncadd.s32 $0xFFFFFF80  }
0x8b: {  	[tilespmem:s22], [sflag:$0x3] =	stream.linear.gather [hbm4b:s17+s4], $0x80, $0x38;
	[tilespmem:$0x44A8] =	vst v63  }
0x8c: {  	_ =	swait.ge [sflag:s23], $0x80  }
0x8d: {  	[sflag:s23] =	ssyncset.done $0x0  }
0x8e: {  	[sflag:s23] =	ssyncadd.s32 $0xFFFFFF80  }
0x8f: {  	[spmem:s3] =	stream.indirect.scatter.add.f32 [tilespmem:s28], [sflag:$0x3], $0x1, s22, s26, $0xb8;
	[tilespmem:$0x44A8] =	vst v63  }
0x90: {  	_ =	swait.ge [sflag:s23], $0x80  }
0x91: {  	[sflag:s23] =	ssyncset.done $0x0  }
0x92: {  	[sflag:s23] =	ssyncadd.s32 $0xFFFFFF80  }
0x93: {  	[tilespmem:s22], [sflag:$0x3] =	stream.linear.gather [hbm4b:s18+s4], $0x80, $0x38;
	[tilespmem:$0x44A8] =	vst v63  }
0x94: {  	_ =	swait.ge [sflag:s23], $0x80  }
0x95: {  	[sflag:s23] =	ssyncset.done $0x0  }
0x96: {  	[sflag:s23] =	ssyncadd.s32 $0xFFFFFF80  }
0x97: {  	[spmem:s3] =	stream.indirect.scatter.add.f32 [tilespmem:s28], [sflag:$0x3], $0x1, s22, s26, $0xb8;
	[tilespmem:$0x44A8] =	vst v63  }
0x98: {  	_ =	swait.ge [sflag:s23], $0x80  }
0x99: {  	[sflag:s23] =	ssyncset.done $0x0  }
0x9a: {  	[sflag:s23] =	ssyncadd.s32 $0xFFFFFF80  }
0x9b: {  	[tilespmem:s22], [sflag:$0x3] =	stream.linear.gather [hbm4b:s19+s4], $0x80, $0x38;
	[tilespmem:$0x44A8] =	vst v63  }
0x9c: {  	_ =	swait.ge [sflag:s23], $0x80  }
0x9d: {  	[sflag:s23] =	ssyncset.done $0x0  }
0x9e: {  	[sflag:s23] =	ssyncadd.s32 $0xFFFFFF80  }
0x9f: {  	[spmem:s3] =	stream.indirect.scatter.add.f32 [tilespmem:s28], [sflag:$0x3], $0x1, s22, s26, $0xb8;
	[tilespmem:$0x44A8] =	vst v63  }
0xa0: {  	_ =	swait.ge [sflag:s23], $0x80  }
0xa1: {  	s5 =	simm.s32 @!p3 $0x4428;
	[sflag:s23] =	ssyncset.done $0x0  }
0xa2: {  	s0 =	simm.s32 @!p3 $0x0;
	s8 =	rddreg [dreg:$0x7];
	[sflag:s23] =	ssyncadd.s32 $0xFFFFFF80  }
0xa3: {  	[tilespmem:s5], [sflag:$0x3] =	stream.linear.gather @!p3 [hbm4b:s8+s0], $0x80, $0x38;
	[tilespmem:$0x44A8] =	vst v63  }
0xa4: {  	s8 =	simm.s32 @!p3 $0x3  }
0xa5: {  	_ =	swait.ge @!p3 [sflag:s8], $0x80  }
0xa6: {  	[sflag:s8] =	ssyncset.done @!p3 $0x0  }
0xa7: {  	[sflag:s8] =	ssyncadd.s32 @!p3 $0xFFFFFF80  }
0xa8: {  	s9 =	simm.s32 @!p3 $0x80;
	s31 =	simm.s32 @!p3 $0x428;
	s10 =	rddreg [dreg:$0x2]  }
0xa9: {  	[tilespmem:s31], [sflag:$0x3] =	stream.indirect.gather @!p3 [hbm4b:s10+s9], $0x80, s5, s9, $0xb8;
	[tilespmem:$0x44A8] =	vst v63  }
0xaa: {  	_ =	swait.ge @!p3 [sflag:s8], $0x4000  }
0xab: {  	[sflag:s8] =	ssyncset.done @!p3 $0x0  }
0xac: {  	s5 =	rddreg [dreg:$0x8];
	[sflag:s8] =	ssyncadd.s32 @!p3 $0xFFFFC000  }
0xad: {  	[hbm4b:s5+s0] =	stream.linear.scatter @!p3 [tilespmem:s31], [sflag:$0x3], $0x4000, $0x38;
	[tilespmem:$0x44A8] =	vst v63  }
0xae: {  	_ =	swait.ge @!p3 [sflag:s8], $0x4000  }
0xaf: {  	s1 =	sadd.s32 $0x1, s1;
	s9 =	stileid.u32;
	[sflag:s8] =	ssyncset.done @!p3 $0x0  }
0xb0: {  	s10 =	simm.s32 $0x20;
	s0 =	sshll.u32 s9, $0x6;
	[sflag:s8] =	ssyncadd.s32 @!p3 $0xFFFFC000  }
0xb1: {  	s31 =	simm.s32 $0x10;
	s0 =	sor.u32 $0x1C03, s0;
	[bflag:$0x0] =	sbarrier.arrive $0xFFFF  }
0xb2: {  	[hbm:s11@s10], [sflag:s0] =	dma.strided [spmem:s25@s31], $0x50, s30, $0x10   }
0xb3: {  	p4 =	sne.s32 s1, s14;
	_ =	swait.ge [sflag:s23], $0x50  }
0xb4: {  	s5 =	sshrl.u32 @!p1 s3, $0x3;
	s9 =	simm.s32 @!p1 $0x20;
	[sflag:s23] =	ssyncset.done $0x0  }
0xb5: {  	s8 =	simm.s32 @!p1 $0x1;
	s31 =	simm.s32 @!p1 $0x10;
	[sflag:s23] =	ssyncadd.s32 $0xFFFFFFB0  }
0xb6: {  	[hbm:s12@s9], [sflag:s0] =	dma.strided @!p1 [spmem:s5@s31], $0x50, s8, $0x10   }
.Ltmp1:
0xb7: {  	_ = 	snop;
	(pc) =	sbr.rel @p4 .LBB2_1-.Ltmp1, $4  }
0xb8: {  	s0 =	simm.s32 @!p1 $0x3  }
0xb9: {  	_ =	swait.ge @!p1 [sflag:s0], $0x50  }
0xba: {  	[sflag:s0] =	ssyncset.done @!p1 $0x0  }
0xbb: {  	[sflag:s0] =	ssyncadd.s32 @!p1 $0xFFFFFFB0  }
0xbc: {  	_ =	sfence.sel $0x180000  }
0xbd: {  	[bflag:$0x0] =	sbarrier.arrive $0xFFFF  }
0xbe: {  	_ =	strace $0x90000047  }
0xbf: {  	[bflag:$0x2] =	sbarrier.arrive $0xFFFF  }
0xc0: {  	s0 =	rddreg [dreg:$0x5]  }
0xc1: {  	s0 =	sadd.s32 @!p1 $0x100000, s0  }
0xc2: {  	[sflag:s0] =	ssyncadd.tile.s32 @!p1 $0x1;
	_ =	shalt  }
.Lfunc_end2:
_tile_overlayer_lowered:
.L_overlay_start_2:
0xc3: {  	(tag) =	ssettag $0x2  }
0xc4: {  	s0 =	rddreg [dreg:$0x0];
	s2 =	stileid.u32  }
0xc5: {  	s1 =	rddreg [dreg:$0x1];
	p0 =	sne.s32 s2, $0x0  }
0xc6: {  	s3 =	rddreg [dreg:$0x2];
	[bflag:$0x3] =	sbarrier.arrive $0xFFFF;
	s2 =	simm.s32 @!p0 $0x1C03  }
0xc7: {  	[timem:s3], [sflag:s2] =	dma.local @!p0 [hbm:s0], s1  }
0xc8: {  	s0 =	simm.s32 @!p0 $0x3  }
0xc9: {  	_ =	swait.ge @!p0 [sflag:s0], s1  }
0xca: {  	s1 =	ssub.s32 @!p0 $0x0, s1;
	[sflag:s0] =	ssyncset.done @!p0 $0x0  }
0xcb: {  	[sflag:s0] =	ssyncadd.s32 @!p0 s1  }
0xcc: {  	[bflag:$0x3] =	sbarrier.arrive $0xFFFF  }
0xcd: {  	_ =	shalt  }

</sc_bundles>
